<compile_context>
chip_gen: v7x
topology: tpu7x:2x2x1
jax: 0.10.2.dev20260603
libtpu: 0.0.44.dev20260713+nightly
codegen_flags: <defaults>
</compile_context>

<pallas_src>
import functools

import jax
import jax.numpy as jnp
from jax import lax
from jax.experimental import pallas as pl
from jax.experimental.pallas import tpu as pltpu
from jax.experimental.pallas import tpu_sc as plsc

T = 2048
DM = 1024
FF = 4096
NE = 8
TM = 256
BF = 1024
NF = FF // BF
NENT = 2 * T
NB = NENT // TM + NE
NPAD = NB * TM

_NTILES = 32
_GROWS = NPAD // _NTILES
_GCH = 48
_CTOK = T // _NTILES
_CCH = 16


def _routing_body(x_ref, rwt_ref, dest_ref, went_ref, offs_ref, nblk_ref):
    x = x_ref[...]
    logits = jnp.dot(x, rwt_ref[...], preferred_element_type=jnp.float32)
    iota_e = lax.broadcasted_iota(jnp.int32, (T, NE), 1)
    m1 = jnp.max(logits, axis=1, keepdims=True)
    idx1 = jnp.min(jnp.where(logits == m1, iota_e, NE), axis=1, keepdims=True)
    l2 = jnp.where(iota_e == idx1, -jnp.inf, logits)
    m2 = jnp.max(l2, axis=1, keepdims=True)
    idx2 = jnp.min(jnp.where(l2 == m2, iota_e, NE), axis=1, keepdims=True)
    w1 = 1.0 / (1.0 + jnp.exp(m2 - m1))
    w2 = 1.0 - w1

    e_flat = jnp.concatenate([idx1, idx2], axis=0)
    w_flat = jnp.concatenate([w1, w2], axis=0)
    oh = (lax.broadcasted_iota(jnp.int32, (NENT, NE), 1) == e_flat).astype(
        jnp.float32)

    CB = 512
    r_i = lax.broadcasted_iota(jnp.int32, (CB, CB), 0)
    c_i = lax.broadcasted_iota(jnp.int32, (CB, CB), 1)
    stril = (r_i > c_i).astype(jnp.float32)
    carry = jnp.zeros((1, NE), jnp.float32)
    ranks = []
    for b in range(NENT // CB):
        blk = oh[b * CB:(b + 1) * CB]
        ranks.append(jnp.dot(stril, blk, preferred_element_type=jnp.float32)
                     + carry)
        carry = carry + jnp.sum(blk, axis=0, keepdims=True)
    rank = jnp.concatenate(ranks, axis=0)

    counts = carry
    pc = jnp.ceil(counts / TM) * TM
    e_r = lax.broadcasted_iota(jnp.int32, (NE, NE), 0)
    e_c = lax.broadcasted_iota(jnp.int32, (NE, NE), 1)
    striu = (e_r < e_c).astype(jnp.float32)
    offs = jnp.dot(pc, striu, preferred_element_type=jnp.float32)

    dest = jnp.sum(oh * (rank + offs), axis=1, keepdims=True)
    dest_ref[...] = dest.astype(jnp.int32)
    went_ref[...] = w_flat
    offs_ref[...] = offs.astype(jnp.int32)
    nblk_ref[...] = (pc / TM).astype(jnp.int32)


_routing = pl.pallas_call(
    _routing_body,
    out_shape=(
        jax.ShapeDtypeStruct((NENT, 1), jnp.int32),
        jax.ShapeDtypeStruct((NENT, 1), jnp.float32),
        jax.ShapeDtypeStruct((1, NE), jnp.int32),
        jax.ShapeDtypeStruct((1, NE), jnp.int32),
    ),
)


def _dispatch_build_body(dest_hbm, went_hbm, tid_hbm, wsort_hbm,
                         dest_v, went_v, tid_v, ws_v):
    cid = lax.axis_index("c")
    sid = lax.axis_index("s")

    @pl.when(jnp.logical_and(cid == 0, sid == 0))
    def _():
        pltpu.sync_copy(dest_hbm, dest_v)
        pltpu.sync_copy(went_hbm, went_v)

        def init(i, _):
            tid_v[pl.ds(i * 16, 16)] = jnp.zeros((16,), jnp.int32)
            ws_v[pl.ds(i * 16, 16)] = jnp.zeros((16,), jnp.float32)
            return 0

        lax.fori_loop(0, NPAD // 16, init, 0)

        def scatter(i, _):
            d = dest_v[pl.ds(i * 16, 16)]
            ids = lax.iota(jnp.int32, 16) + i * 16
            tid = jnp.where(ids >= T, ids - T, ids)
            w = went_v[pl.ds(i * 16, 16)]
            plsc.store_scatter(tid_v, [d], tid)
            plsc.store_scatter(ws_v, [d], w)
            return 0

        lax.fori_loop(0, NENT // 16, scatter, 0)
        pltpu.sync_copy(tid_v, tid_hbm)
        pltpu.sync_copy(ws_v, wsort_hbm)


def _gather_rows_body(x_hbm, tid_hbm, xs_hbm, idx_v, rA, rB, gA, gB, sA, sB):
    wid = lax.axis_index("s") * 2 + lax.axis_index("c")
    base = wid * _GROWS
    pltpu.sync_copy(tid_hbm.at[pl.ds(base, _GROWS)], idx_v)
    nch = _GROWS // _GCH
    bufs = (rA, rB)
    gsem = (gA, gB)
    ssem = (sA, sB)
    pltpu.async_copy(x_hbm.at[idx_v.at[pl.ds(0, _GCH)]], bufs[0], gsem[0])
    for i in range(nch):
        if i + 1 < nch:
            if i >= 1:
                pltpu.make_async_copy(bufs[(i + 1) % 2],
                                      xs_hbm.at[pl.ds(base + (i - 1) * _GCH,
                                                      _GCH)],
                                      ssem[(i + 1) % 2]).wait()
            pltpu.async_copy(x_hbm.at[idx_v.at[pl.ds((i + 1) * _GCH, _GCH)]],
                             bufs[(i + 1) % 2], gsem[(i + 1) % 2])
        pltpu.make_async_copy(x_hbm.at[idx_v.at[pl.ds(i * _GCH, _GCH)]],
                              bufs[i % 2], gsem[i % 2]).wait()
        pltpu.async_copy(bufs[i % 2], xs_hbm.at[pl.ds(base + i * _GCH, _GCH)],
                         ssem[i % 2])
    pltpu.make_async_copy(bufs[(nch - 2) % 2],
                          xs_hbm.at[pl.ds(base + (nch - 2) * _GCH, _GCH)],
                          ssem[(nch - 2) % 2]).wait()
    pltpu.make_async_copy(bufs[(nch - 1) % 2],
                          xs_hbm.at[pl.ds(base + (nch - 1) * _GCH, _GCH)],
                          ssem[(nch - 1) % 2]).wait()


def _mlp_body(offs_ref, nblk_ref, x_any, w_any, g_ref, u_ref, w2_ref, out_any,
              xv_ref, wv_ref, acc_ref, sem):
    e = pl.program_id(0)
    f = pl.program_id(1)

    @pl.when(jnp.logical_and(f == 0, e == 0))
    def _():
        cp = pltpu.make_async_copy(x_any, xv_ref, sem)
        cp.start()
        cp.wait()
        cp2 = pltpu.make_async_copy(w_any, wv_ref, sem)
        cp2.start()
        cp2.wait()

    base = offs_ref[e]
    nb = nblk_ref[e]
    dn = (((1,), (1,)), ((), ()))
    prec = lax.Precision.DEFAULT

    def blk(rb, _):
        lsl = pl.ds(pl.multiple_of(rb * TM, TM), TM)
        gsl = pl.ds(pl.multiple_of(base + rb * TM, TM), TM)
        x = xv_ref[gsl, :]
        g = lax.dot_general(x, g_ref[0], dn, precision=prec,
                            preferred_element_type=jnp.float32)
        u = lax.dot_general(x, u_ref[0], dn, precision=prec,
                            preferred_element_type=jnp.float32)
        h = g * (1.0 / (1.0 + jnp.exp(-g))) * u * wv_ref[gsl, :]
        part = lax.dot_general(h, w2_ref[0], dn, precision=prec,
                               preferred_element_type=jnp.float32)

        @pl.when(f == 0)
        def _():
            acc_ref[lsl, :] = part

        @pl.when(f > 0)
        def _():
            acc_ref[lsl, :] = acc_ref[lsl, :] + part

        @pl.when(f == NF - 1)
        def _():
            cp = pltpu.make_async_copy(acc_ref.at[lsl, :], out_any.at[gsl, :],
                                       sem)
            cp.start()
            cp.wait()

        return 0

    lax.fori_loop(0, nb, blk, 0)


_mlp = pl.pallas_call(
    _mlp_body,
    grid_spec=pltpu.PrefetchScalarGridSpec(
        num_scalar_prefetch=2,
        grid=(NE, NF),
        in_specs=[
            pl.BlockSpec(memory_space=pl.ANY),
            pl.BlockSpec(memory_space=pl.ANY),
            pl.BlockSpec((1, BF, DM), lambda e, f, offs, nblk: (e, f, 0)),
            pl.BlockSpec((1, BF, DM), lambda e, f, offs, nblk: (e, NF + f, 0)),
            pl.BlockSpec((1, DM, BF), lambda e, f, offs, nblk: (e, 0, f)),
        ],
        out_specs=pl.BlockSpec(memory_space=pl.ANY),
        scratch_shapes=[
            pltpu.VMEM((NPAD, DM), jnp.float32),
            pltpu.VMEM((NPAD, 1), jnp.float32),
            pltpu.VMEM((T, DM), jnp.float32),
            pltpu.SemaphoreType.DMA,
        ],
    ),
    out_shape=jax.ShapeDtypeStruct((NPAD, DM), jnp.float32),
    compiler_params=pltpu.CompilerParams(
        dimension_semantics=("arbitrary", "arbitrary"),
        vmem_limit_bytes=63 * 1024 * 1024),
)


def _combine_body(outs_hbm, dest_hbm, out_hbm, i0_v, i1_v,
                  a0, b0, a1, b1, g0, g1, s0, s1):
    wid = lax.axis_index("s") * 2 + lax.axis_index("c")
    base = wid * _CTOK
    pltpu.sync_copy(dest_hbm.at[pl.ds(base, _CTOK)], i0_v)
    pltpu.sync_copy(dest_hbm.at[pl.ds(T + base, _CTOK)], i1_v)
    nch = _CTOK // _CCH
    abuf = (a0, a1)
    bbuf = (b0, b1)
    gsem = (g0, g1)
    ssem = (s0, s1)

    def gathers(i):
        s = i % 2
        pltpu.async_copy(outs_hbm.at[i0_v.at[pl.ds(i * _CCH, _CCH)]],
                         abuf[s], gsem[s])
        pltpu.async_copy(outs_hbm.at[i1_v.at[pl.ds(i * _CCH, _CCH)]],
                         bbuf[s], gsem[s])

    def wait_gathers(i):
        s = i % 2
        pltpu.make_async_copy(outs_hbm.at[i0_v.at[pl.ds(i * _CCH, _CCH)]],
                              abuf[s], gsem[s]).wait()
        pltpu.make_async_copy(outs_hbm.at[i1_v.at[pl.ds(i * _CCH, _CCH)]],
                              bbuf[s], gsem[s]).wait()

    def wait_store(i):
        s = i % 2
        pltpu.make_async_copy(abuf[s], out_hbm.at[pl.ds(base + i * _CCH,
                                                        _CCH)],
                              ssem[s]).wait()

    gathers(0)
    for i in range(nch):
        s = i % 2
        if i + 1 < nch:
            if i >= 1:
                wait_store(i - 1)
            gathers(i + 1)
        wait_gathers(i)

        def add(j, _):
            row = j // (DM // 16)
            col = (j % (DM // 16)) * 16
            abuf[s][row, pl.ds(col, 16)] = (abuf[s][row, pl.ds(col, 16)]
                                            + bbuf[s][row, pl.ds(col, 16)])
            return None

        lax.fori_loop(0, _CCH * DM // 16, add, None)
        pltpu.async_copy(abuf[s], out_hbm.at[pl.ds(base + i * _CCH, _CCH)],
                         ssem[s])
    wait_store(nch - 2)
    wait_store(nch - 1)


@functools.lru_cache(maxsize=1)
def _sc_kernels():
    mesh = plsc.VectorSubcoreMesh(core_axis_name="c", subcore_axis_name="s")
    sc_params = pltpu.CompilerParams(needs_layout_passes=False)
    dispatch = pl.kernel(
        _dispatch_build_body,
        out_type=(jax.ShapeDtypeStruct((NPAD,), jnp.int32),
                  jax.ShapeDtypeStruct((NPAD,), jnp.float32)),
        mesh=mesh,
        scratch_types=[
            pltpu.VMEM((NENT,), jnp.int32),
            pltpu.VMEM((NENT,), jnp.float32),
            pltpu.VMEM((NPAD,), jnp.int32),
            pltpu.VMEM((NPAD,), jnp.float32),
        ],
        compiler_params=sc_params,
    )
    gather = pl.kernel(
        _gather_rows_body,
        out_type=jax.ShapeDtypeStruct((NPAD, DM), jnp.float32),
        mesh=mesh,
        scratch_types=[
            pltpu.VMEM((_GROWS,), jnp.int32),
            pltpu.VMEM((_GCH, DM), jnp.float32),
            pltpu.VMEM((_GCH, DM), jnp.float32),
            pltpu.SemaphoreType.DMA,
            pltpu.SemaphoreType.DMA,
            pltpu.SemaphoreType.DMA,
            pltpu.SemaphoreType.DMA,
        ],
        compiler_params=sc_params,
    )
    combine = pl.kernel(
        _combine_body,
        out_type=jax.ShapeDtypeStruct((T, DM), jnp.float32),
        mesh=mesh,
        scratch_types=[
            pltpu.VMEM((_CTOK,), jnp.int32),
            pltpu.VMEM((_CTOK,), jnp.int32),
            pltpu.VMEM((_CCH, DM), jnp.float32),
            pltpu.VMEM((_CCH, DM), jnp.float32),
            pltpu.VMEM((_CCH, DM), jnp.float32),
            pltpu.VMEM((_CCH, DM), jnp.float32),
            pltpu.SemaphoreType.DMA,
            pltpu.SemaphoreType.DMA,
            pltpu.SemaphoreType.DMA,
            pltpu.SemaphoreType.DMA,
        ],
        compiler_params=sc_params,
    )
    return dispatch, gather, combine


@jax.jit
def kernel(hidden_states, router_w, ws, w2s):
    dispatch, gather, combine = _sc_kernels()
    x = hidden_states.reshape(T, DM)
    dest, went, offs, nblk = _routing(x, router_w.T)
    dest_f = dest.reshape(NENT)
    tid, wsort = dispatch(dest_f, went.reshape(NENT))
    xs = gather(x, tid)
    outs = _mlp(offs.reshape(NE), nblk.reshape(NE), xs,
                wsort.reshape(NPAD, 1), ws, ws, w2s)
    return combine(outs, dest_f)

# --- scband reference (transcript-rebuilt; emitter-appended) ---
"""Pipeline reference for scband-dbrx-for-causal-lm-35957466202275 (READ-ONLY COPY).

The authoritative reference and input builder live on the scoring server;
editing this copy changes nothing except your own understanding.
"""

import jax, jax.numpy as jnp
import numpy as np

T = 2048
D_MODEL = 1024
D_FF = 4096
E = 8
TOP_K = 2


def setup_inputs(seed: int = 0) -> dict:
    key = jax.random.key(seed)
    k1, k2, k3, k4 = jax.random.split(key, 4)
    hidden_states = jax.random.normal(k1, (T, D_MODEL), dtype=jnp.float32)
    # DbrxRouter: ReplicatedLinear(d_model -> num_experts), no bias
    router_w = jax.random.normal(k2, (E, D_MODEL), dtype=jnp.float32) * 0.02
    # DbrxExperts.ws: [E, 2*intermediate_size, d_model] (w1 stacked over v1)
    ws = jax.random.normal(k3, (E, 2 * D_FF, D_MODEL), dtype=jnp.float32) * 0.02
    # DbrxExperts.w2s: [E, d_model, intermediate_size]
    w2s = jax.random.normal(k4, (E, D_MODEL, D_FF), dtype=jnp.float32) * 0.02
    return {"hidden_states": hidden_states, "router_w": router_w, "ws": ws, "w2s": w2s}


def reference(hidden_states, router_w, ws, w2s):
    x = hidden_states.reshape(-1, D_MODEL)
    num_tokens = x.shape[0]
    # Router logits
    router_logits = x @ router_w.T  # [T, E]
    # fused_moe semantics: softmax over experts, top-k, renormalize=True
    probs = jax.nn.softmax(router_logits, axis=-1)
    topk_w, topk_idx = jax.lax.top_k(probs, TOP_K)  # [T, K]
    topk_w = topk_w / jnp.sum(topk_w, axis=-1, keepdims=True)
    # Dense routing-weight matrix [T, E] (scatter-add of renormalized topk weights)
    rw = jnp.zeros((num_tokens, E), dtype=x.dtype)
    rw = rw.at[jnp.arange(num_tokens)[:, None], topk_idx].add(topk_w)
    # Per-expert SiLU-gated MLP (w1/v1 fused in ws), weighted-summed by routing weights
    out = jnp.zeros_like(x)
    for e in range(E):
        gate = x @ ws[e, :D_FF, :].T      # [T, D_FF]
        up = x @ ws[e, D_FF:, :].T        # [T, D_FF]
        h = jax.nn.silu(gate) * up
        out = out + rw[:, e:e + 1] * (h @ w2s[e].T)
    return out.reshape(num_tokens, D_MODEL)

if __name__ == "__main__":
    import jax
    _d = setup_inputs()
    print(jax.jit(kernel)(*tuple(_d.values())))

</pallas_src>

<mosaic_0001>
#map = affine_map<(d0, d1) -> (0)>
module attributes {stable_mosaic.version = 14 : i64} {
  func.func @_dispatch_build_body(%arg0: i32, %arg1: i32, %arg2: memref<4096xi32, #tpu.memory_space<hbm>>, %arg3: memref<4096xf32, #tpu.memory_space<hbm>>, %arg4: memref<6144xi32, #tpu.memory_space<hbm>>, %arg5: memref<6144xf32, #tpu.memory_space<hbm>>, %arg6: memref<4096xi32, #tpu.memory_space<vmem>>, %arg7: memref<4096xf32, #tpu.memory_space<vmem>>, %arg8: memref<6144xi32, #tpu.memory_space<vmem>>, %arg9: memref<6144xf32, #tpu.memory_space<vmem>>) attributes {dimension_semantics = [#tpu.dimension_semantics<core_parallel>, #tpu.dimension_semantics<subcore_parallel>], iteration_bounds = array<i64: 2, 16>, scalar_prefetch = 0 : i64, scratch_operands = 4 : i64, tpu.core_type = #tpu.core_type<sc_vector_subcore>, window_params = [{transform_indices = #map}, {transform_indices = #map}, {transform_indices = #map}, {transform_indices = #map}]} {
    %eq3A = arith.constant 0 : i32
    %eq3A_0 = arith.cmpi eq, %arg0, %eq3A : i32
    %eq3A_1 = arith.constant 0 : i32
    %eq3A_2 = arith.cmpi eq, %arg1, %eq3A_1 : i32
    %and3A = arith.andi %eq3A_0, %eq3A_2 : i1
    %convert_element_type3A = arith.extui %and3A : i1 to i32
    %cond3A = arith.constant 0 : i32
    %cond3A_3 = arith.cmpi ne, %convert_element_type3A, %cond3A : i32
    scf.if %cond3A_3 {
      "tpu.region"() ({
        %run_scoped3A = tpu.sem_alloc : memref<!tpu.dma_semaphore, #tpu.memory_space<semaphore_mem>>
        tpu.enqueue_dma source(%arg2 : memref<4096xi32, #tpu.memory_space<hbm>>) target(%arg6 : memref<4096xi32, #tpu.memory_space<vmem>>) target_semaphore(%run_scoped3A : memref<!tpu.dma_semaphore, #tpu.memory_space<semaphore_mem>>)
        tpu.wait_dma2 semaphore(%run_scoped3A : memref<!tpu.dma_semaphore, #tpu.memory_space<semaphore_mem>>) src(%arg2 : memref<4096xi32, #tpu.memory_space<hbm>>) dst(%arg6 : memref<4096xi32, #tpu.memory_space<vmem>>)
        tpu.yield
      }) : () -> ()
      "tpu.region"() ({
        %run_scoped3A = tpu.sem_alloc : memref<!tpu.dma_semaphore, #tpu.memory_space<semaphore_mem>>
        tpu.enqueue_dma source(%arg3 : memref<4096xf32, #tpu.memory_space<hbm>>) target(%arg7 : memref<4096xf32, #tpu.memory_space<vmem>>) target_semaphore(%run_scoped3A : memref<!tpu.dma_semaphore, #tpu.memory_space<semaphore_mem>>)
        tpu.wait_dma2 semaphore(%run_scoped3A : memref<!tpu.dma_semaphore, #tpu.memory_space<semaphore_mem>>) src(%arg3 : memref<4096xf32, #tpu.memory_space<hbm>>) dst(%arg7 : memref<4096xf32, #tpu.memory_space<vmem>>)
        tpu.yield
      }) : () -> ()
      %scan3A = arith.constant 0 : i32
      %scan3A_4 = arith.constant 0 : i32
      %scan3A_5 = arith.constant 384 : i32
      %scan3A_6 = arith.addi %scan3A_4, %scan3A_5 : i32
      %scan3A_7 = arith.constant 1 : i32
      %scan3A_8 = scf.for %scan3A_17 = %scan3A_4 to %scan3A_6 step %scan3A_7 iter_args(%scan3A_18 = %scan3A) -> (i32)  : i32 {
        %broadcast_in_dim3A = arith.constant 0 : i32
        %broadcast_in_dim3A_19 = vector.broadcast %broadcast_in_dim3A : i32 to vector<16xi32>
        %mul3A = arith.constant 16 : i32
        %mul3A_20 = arith.muli %scan3A_17, %mul3A : i32
        %swap3A = arith.index_cast %mul3A_20 : i32 to index
        %swap3A_21 = tpu.vector_load %arg8[%swap3A] {strides = array<i32>} : memref<6144xi32, #tpu.memory_space<vmem>>, vector<16xi32>,
        tpu.vector_store %arg8[%swap3A], %broadcast_in_dim3A_19 {strides = array<i32>} : memref<6144xi32, #tpu.memory_space<vmem>>, vector<16xi32>,
        %broadcast_in_dim3A_22 = arith.constant 0.000000e+00 : f32
        %broadcast_in_dim3A_23 = vector.broadcast %broadcast_in_dim3A_22 : f32 to vector<16xf32>
        %mul3A_24 = arith.constant 16 : i32
        %mul3A_25 = arith.muli %scan3A_17, %mul3A_24 : i32
        %swap3A_26 = arith.index_cast %mul3A_25 : i32 to index
        %swap3A_27 = tpu.vector_load %arg9[%swap3A_26] {strides = array<i32>} : memref<6144xf32, #tpu.memory_space<vmem>>, vector<16xf32>,
        tpu.vector_store %arg9[%swap3A_26], %broadcast_in_dim3A_23 {strides = array<i32>} : memref<6144xf32, #tpu.memory_space<vmem>>, vector<16xf32>,
        %scan3A_28 = arith.constant 0 : i32
        scf.yield %scan3A_28 : i32
      }
      %scan3A_9 = arith.constant 384 : i32
      %scan3A_10 = arith.constant 0 : i32
      %scan3A_11 = arith.constant 0 : i32
      %scan3A_12 = arith.constant 256 : i32
      %scan3A_13 = arith.addi %scan3A_11, %scan3A_12 : i32
      %scan3A_14 = arith.constant 1 : i32
      %scan3A_15 = scf.for %scan3A_17 = %scan3A_11 to %scan3A_13 step %scan3A_14 iter_args(%scan3A_18 = %scan3A_10) -> (i32)  : i32 {
        %mul3A = arith.constant 16 : i32
        %mul3A_19 = arith.muli %scan3A_17, %mul3A : i32
        %get3A = arith.index_cast %mul3A_19 : i32 to index
        %get3A_20 = tpu.vector_load %arg6[%get3A] {strides = array<i32>} : memref<4096xi32, #tpu.memory_space<vmem>>, vector<16xi32>,
        %iota3A = tpu.iota {dimensions = array<i32: 0>} : vector<16xi32>
        %mul3A_21 = arith.constant 16 : i32
        %mul3A_22 = arith.muli %scan3A_17, %mul3A_21 : i32
        %add3A = vector.broadcast %mul3A_22 : i32 to vector<16xi32>
        %add3A_23 = arith.addi %iota3A, %add3A : vector<16xi32>
        %ge3A = arith.constant 2048 : i32
        %ge3A_24 = vector.broadcast %ge3A : i32 to vector<16xi32>
        %ge3A_25 = arith.cmpi sge, %add3A_23, %ge3A_24 : vector<16xi32>
        %sub3A = arith.constant 2048 : i32
        %sub3A_26 = vector.broadcast %sub3A : i32 to vector<16xi32>
        %sub3A_27 = arith.subi %add3A_23, %sub3A_26 : vector<16xi32>
        %select_n3A = arith.select %ge3A_25, %sub3A_27, %add3A_23 : vector<16xi1>, vector<16xi32>
        %mul3A_28 = arith.constant 16 : i32
        %mul3A_29 = arith.muli %scan3A_17, %mul3A_28 : i32
        %get3A_30 = arith.index_cast %mul3A_29 : i32 to index
        %get3A_31 = tpu.vector_load %arg7[%get3A_30] {strides = array<i32>} : memref<4096xf32, #tpu.memory_space<vmem>>, vector<16xf32>,
        tpu.vector_store_idx %arg8[%get3A_20], %select_n3A : memref<6144xi32, #tpu.memory_space<vmem>>[vector<16xi32>], vector<16xi32>,
        tpu.vector_store_idx %arg9[%get3A_20], %get3A_31 : memref<6144xf32, #tpu.memory_space<vmem>>[vector<16xi32>], vector<16xf32>,
        %scan3A_32 = arith.constant 0 : i32
        scf.yield %scan3A_32 : i32
      }
      %scan3A_16 = arith.constant 256 : i32
      "tpu.region"() ({
        %run_scoped3A = tpu.sem_alloc : memref<!tpu.dma_semaphore, #tpu.memory_space<semaphore_mem>>
        tpu.enqueue_dma source(%arg8 : memref<6144xi32, #tpu.memory_space<vmem>>) target(%arg4 : memref<6144xi32, #tpu.memory_space<hbm>>) target_semaphore(%run_scoped3A : memref<!tpu.dma_semaphore, #tpu.memory_space<semaphore_mem>>)
        tpu.wait_dma2 semaphore(%run_scoped3A : memref<!tpu.dma_semaphore, #tpu.memory_space<semaphore_mem>>) src(%arg8 : memref<6144xi32, #tpu.memory_space<vmem>>) dst(%arg4 : memref<6144xi32, #tpu.memory_space<hbm>>)
        tpu.yield
      }) : () -> ()
      "tpu.region"() ({
        %run_scoped3A = tpu.sem_alloc : memref<!tpu.dma_semaphore, #tpu.memory_space<semaphore_mem>>
        tpu.enqueue_dma source(%arg9 : memref<6144xf32, #tpu.memory_space<vmem>>) target(%arg5 : memref<6144xf32, #tpu.memory_space<hbm>>) target_semaphore(%run_scoped3A : memref<!tpu.dma_semaphore, #tpu.memory_space<semaphore_mem>>)
        tpu.wait_dma2 semaphore(%run_scoped3A : memref<!tpu.dma_semaphore, #tpu.memory_space<semaphore_mem>>) src(%arg9 : memref<6144xf32, #tpu.memory_space<vmem>>) dst(%arg5 : memref<6144xf32, #tpu.memory_space<hbm>>)
        tpu.yield
      }) : () -> ()
    } else {
    }
    return
  }
}

#map = affine_map<(d0, d1) -> (0, 0)>
#map1 = affine_map<(d0, d1) -> (0)>
module attributes {stable_mosaic.version = 14 : i64} {
  func.func @_gather_rows_body(%arg0: i32, %arg1: i32, %arg2: memref<2048x1024xf32, #tpu.memory_space<hbm>>, %arg3: memref<6144xi32, #tpu.memory_space<hbm>>, %arg4: memref<6144x1024xf32, #tpu.memory_space<hbm>>, %arg5: memref<192xi32, #tpu.memory_space<vmem>>, %arg6: memref<48x1024xf32, #tpu.memory_space<vmem>>, %arg7: memref<48x1024xf32, #tpu.memory_space<vmem>>, %arg8: memref<!tpu.dma_semaphore, #tpu.memory_space<semaphore_mem>>, %arg9: memref<!tpu.dma_semaphore, #tpu.memory_space<semaphore_mem>>, %arg10: memref<!tpu.dma_semaphore, #tpu.memory_space<semaphore_mem>>, %arg11: memref<!tpu.dma_semaphore, #tpu.memory_space<semaphore_mem>>) attributes {dimension_semantics = [#tpu.dimension_semantics<core_parallel>, #tpu.dimension_semantics<subcore_parallel>], iteration_bounds = array<i64: 2, 16>, scalar_prefetch = 0 : i64, scratch_operands = 7 : i64, tpu.core_type = #tpu.core_type<sc_vector_subcore>, window_params = [{transform_indices = #map}, {transform_indices = #map1}, {transform_indices = #map}]} {
    %mul3A = arith.constant 2 : i32
    %mul3A_0 = arith.muli %arg1, %mul3A : i32
    %add3A = arith.addi %mul3A_0, %arg0 : i32
    %mul3A_1 = arith.constant 192 : i32
    %mul3A_2 = arith.muli %add3A, %mul3A_1 : i32
    "tpu.region"() ({
      %run_scoped3A = tpu.sem_alloc : memref<!tpu.dma_semaphore, #tpu.memory_space<semaphore_mem>>
      %dma_start3A_89 = tpu.memref_slice %arg3[%mul3A_2] : memref<6144xi32, #tpu.memory_space<hbm>> -> memref<192xi32, #tpu.memory_space<hbm>>
      %dma_start3A_90 = tpu.memref_slice %arg3[%mul3A_2] : memref<6144xi32, #tpu.memory_space<hbm>> -> memref<192xi32, #tpu.memory_space<hbm>>
      tpu.enqueue_dma source(%dma_start3A_90 : memref<192xi32, #tpu.memory_space<hbm>>) target(%arg5 : memref<192xi32, #tpu.memory_space<vmem>>) target_semaphore(%run_scoped3A : memref<!tpu.dma_semaphore, #tpu.memory_space<semaphore_mem>>)
      %dma_wait3A_91 = tpu.memref_slice %arg3[%mul3A_2] : memref<6144xi32, #tpu.memory_space<hbm>> -> memref<192xi32, #tpu.memory_space<hbm>>
      %dma_wait3A_92 = tpu.memref_slice %arg3[%mul3A_2] : memref<6144xi32, #tpu.memory_space<hbm>> -> memref<192xi32, #tpu.memory_space<hbm>>
      tpu.wait_dma2 semaphore(%run_scoped3A : memref<!tpu.dma_semaphore, #tpu.memory_space<semaphore_mem>>) src(%dma_wait3A_92 : memref<192xi32, #tpu.memory_space<hbm>>) dst(%arg5 : memref<192xi32, #tpu.memory_space<vmem>>)
      tpu.yield
    }) : () -> ()
    %dma_start3A = arith.constant 0 : i32
    %dma_start3A_3 = tpu.memref_slice %arg5[%dma_start3A] : memref<192xi32, #tpu.memory_space<vmem>> -> memref<48xi32, #tpu.memory_space<vmem>>
    %dma_start3A_4 = arith.constant 0 : i32
    %dma_start3A_5 = arith.constant 0 : i32
    %dma_start3A_6 = tpu.memref_slice %arg2[%dma_start3A_4, %dma_start3A_5] : memref<2048x1024xf32, #tpu.memory_space<hbm>> -> memref<2048x1024xf32, #tpu.memory_space<hbm>>
    tpu.enqueue_indirect_dma source(%dma_start3A_6 : memref<2048x1024xf32, #tpu.memory_space<hbm>>) target(%arg6 : memref<48x1024xf32, #tpu.memory_space<vmem>>) offsets(%dma_start3A_3 : memref<48xi32, #tpu.memory_space<vmem>>) semaphore(%arg8 : memref<!tpu.dma_semaphore, #tpu.memory_space<semaphore_mem>>)
    %dma_start3A_7 = arith.constant 48 : i32
    %dma_start3A_8 = tpu.memref_slice %arg5[%dma_start3A_7] : memref<192xi32, #tpu.memory_space<vmem>> -> memref<48xi32, #tpu.memory_space<vmem>>
    %dma_start3A_9 = arith.constant 0 : i32
    %dma_start3A_10 = arith.constant 0 : i32
    %dma_start3A_11 = tpu.memref_slice %arg2[%dma_start3A_9, %dma_start3A_10] : memref<2048x1024xf32, #tpu.memory_space<hbm>> -> memref<2048x1024xf32, #tpu.memory_space<hbm>>
    tpu.enqueue_indirect_dma source(%dma_start3A_11 : memref<2048x1024xf32, #tpu.memory_space<hbm>>) target(%arg7 : memref<48x1024xf32, #tpu.memory_space<vmem>>) offsets(%dma_start3A_8 : memref<48xi32, #tpu.memory_space<vmem>>) semaphore(%arg9 : memref<!tpu.dma_semaphore, #tpu.memory_space<semaphore_mem>>)
    %dma_wait3A = arith.constant 0 : i32
    %dma_wait3A_12 = tpu.memref_slice %arg5[%dma_wait3A] : memref<192xi32, #tpu.memory_space<vmem>> -> memref<48xi32, #tpu.memory_space<vmem>>
    %dma_wait3A_13 = arith.constant 0 : i32
    %dma_wait3A_14 = arith.constant 0 : i32
    %dma_wait3A_15 = tpu.memref_slice %arg2[%dma_wait3A_13, %dma_wait3A_14] : memref<2048x1024xf32, #tpu.memory_space<hbm>> -> memref<2048x1024xf32, #tpu.memory_space<hbm>>
    tpu.wait_indirect_dma semaphore(%arg8 : memref<!tpu.dma_semaphore, #tpu.memory_space<semaphore_mem>>) src(%dma_wait3A_15 : memref<2048x1024xf32, #tpu.memory_space<hbm>>) dst(%arg6 : memref<48x1024xf32, #tpu.memory_space<vmem>>)
    %add3A_16 = arith.constant 0 : i32
    %add3A_17 = arith.addi %mul3A_2, %add3A_16 : i32
    %dma_start3A_18 = arith.constant 0 : i32
    %dma_start3A_19 = tpu.memref_slice %arg4[%add3A_17, %dma_start3A_18] : memref<6144x1024xf32, #tpu.memory_space<hbm>> -> memref<48x1024xf32, #tpu.memory_space<hbm>>
    %dma_start3A_20 = arith.constant 0 : i32
    %dma_start3A_21 = tpu.memref_slice %arg4[%add3A_17, %dma_start3A_20] : memref<6144x1024xf32, #tpu.memory_space<hbm>> -> memref<48x1024xf32, #tpu.memory_space<hbm>>
    tpu.enqueue_dma source(%arg6 : memref<48x1024xf32, #tpu.memory_space<vmem>>) target(%dma_start3A_21 : memref<48x1024xf32, #tpu.memory_space<hbm>>) target_semaphore(%arg10 : memref<!tpu.dma_semaphore, #tpu.memory_space<semaphore_mem>>)
    %add3A_22 = arith.constant 0 : i32
    %add3A_23 = arith.addi %mul3A_2, %add3A_22 : i32
    %dma_wait3A_24 = arith.constant 0 : i32
    %dma_wait3A_25 = tpu.memref_slice %arg4[%add3A_23, %dma_wait3A_24] : memref<6144x1024xf32, #tpu.memory_space<hbm>> -> memref<48x1024xf32, #tpu.memory_space<hbm>>
    %dma_wait3A_26 = arith.constant 0 : i32
    %dma_wait3A_27 = tpu.memref_slice %arg4[%add3A_23, %dma_wait3A_26] : memref<6144x1024xf32, #tpu.memory_space<hbm>> -> memref<48x1024xf32, #tpu.memory_space<hbm>>
    tpu.wait_dma2 semaphore(%arg10 : memref<!tpu.dma_semaphore, #tpu.memory_space<semaphore_mem>>) src(%arg6 : memref<48x1024xf32, #tpu.memory_space<vmem>>) dst(%dma_wait3A_27 : memref<48x1024xf32, #tpu.memory_space<hbm>>)
    %dma_start3A_28 = arith.constant 96 : i32
    %dma_start3A_29 = tpu.memref_slice %arg5[%dma_start3A_28] : memref<192xi32, #tpu.memory_space<vmem>> -> memref<48xi32, #tpu.memory_space<vmem>>
    %dma_start3A_30 = arith.constant 0 : i32
    %dma_start3A_31 = arith.constant 0 : i32
    %dma_start3A_32 = tpu.memref_slice %arg2[%dma_start3A_30, %dma_start3A_31] : memref<2048x1024xf32, #tpu.memory_space<hbm>> -> memref<2048x1024xf32, #tpu.memory_space<hbm>>
    tpu.enqueue_indirect_dma source(%dma_start3A_32 : memref<2048x1024xf32, #tpu.memory_space<hbm>>) target(%arg6 : memref<48x1024xf32, #tpu.memory_space<vmem>>) offsets(%dma_start3A_29 : memref<48xi32, #tpu.memory_space<vmem>>) semaphore(%arg8 : memref<!tpu.dma_semaphore, #tpu.memory_space<semaphore_mem>>)
    %dma_wait3A_33 = arith.constant 48 : i32
    %dma_wait3A_34 = tpu.memref_slice %arg5[%dma_wait3A_33] : memref<192xi32, #tpu.memory_space<vmem>> -> memref<48xi32, #tpu.memory_space<vmem>>
    %dma_wait3A_35 = arith.constant 0 : i32
    %dma_wait3A_36 = arith.constant 0 : i32
    %dma_wait3A_37 = tpu.memref_slice %arg2[%dma_wait3A_35, %dma_wait3A_36] : memref<2048x1024xf32, #tpu.memory_space<hbm>> -> memref<2048x1024xf32, #tpu.memory_space<hbm>>
    tpu.wait_indirect_dma semaphore(%arg9 : memref<!tpu.dma_semaphore, #tpu.memory_space<semaphore_mem>>) src(%dma_wait3A_37 : memref<2048x1024xf32, #tpu.memory_space<hbm>>) dst(%arg7 : memref<48x1024xf32, #tpu.memory_space<vmem>>)
    %add3A_38 = arith.constant 48 : i32
    %add3A_39 = arith.addi %mul3A_2, %add3A_38 : i32
    %dma_start3A_40 = arith.constant 0 : i32
    %dma_start3A_41 = tpu.memref_slice %arg4[%add3A_39, %dma_start3A_40] : memref<6144x1024xf32, #tpu.memory_space<hbm>> -> memref<48x1024xf32, #tpu.memory_space<hbm>>
    %dma_start3A_42 = arith.constant 0 : i32
    %dma_start3A_43 = tpu.memref_slice %arg4[%add3A_39, %dma_start3A_42] : memref<6144x1024xf32, #tpu.memory_space<hbm>> -> memref<48x1024xf32, #tpu.memory_space<hbm>>
    tpu.enqueue_dma source(%arg7 : memref<48x1024xf32, #tpu.memory_space<vmem>>) target(%dma_start3A_43 : memref<48x1024xf32, #tpu.memory_space<hbm>>) target_semaphore(%arg11 : memref<!tpu.dma_semaphore, #tpu.memory_space<semaphore_mem>>)
    %add3A_44 = arith.constant 48 : i32
    %add3A_45 = arith.addi %mul3A_2, %add3A_44 : i32
    %dma_wait3A_46 = arith.constant 0 : i32
    %dma_wait3A_47 = tpu.memref_slice %arg4[%add3A_45, %dma_wait3A_46] : memref<6144x1024xf32, #tpu.memory_space<hbm>> -> memref<48x1024xf32, #tpu.memory_space<hbm>>
    %dma_wait3A_48 = arith.constant 0 : i32
    %dma_wait3A_49 = tpu.memref_slice %arg4[%add3A_45, %dma_wait3A_48] : memref<6144x1024xf32, #tpu.memory_space<hbm>> -> memref<48x1024xf32, #tpu.memory_space<hbm>>
    tpu.wait_dma2 semaphore(%arg11 : memref<!tpu.dma_semaphore, #tpu.memory_space<semaphore_mem>>) src(%arg7 : memref<48x1024xf32, #tpu.memory_space<vmem>>) dst(%dma_wait3A_49 : memref<48x1024xf32, #tpu.memory_space<hbm>>)
    %dma_start3A_50 = arith.constant 144 : i32
    %dma_start3A_51 = tpu.memref_slice %arg5[%dma_start3A_50] : memref<192xi32, #tpu.memory_space<vmem>> -> memref<48xi32, #tpu.memory_space<vmem>>
    %dma_start3A_52 = arith.constant 0 : i32
    %dma_start3A_53 = arith.constant 0 : i32
    %dma_start3A_54 = tpu.memref_slice %arg2[%dma_start3A_52, %dma_start3A_53] : memref<2048x1024xf32, #tpu.memory_space<hbm>> -> memref<2048x1024xf32, #tpu.memory_space<hbm>>
    tpu.enqueue_indirect_dma source(%dma_start3A_54 : memref<2048x1024xf32, #tpu.memory_space<hbm>>) target(%arg7 : memref<48x1024xf32, #tpu.memory_space<vmem>>) offsets(%dma_start3A_51 : memref<48xi32, #tpu.memory_space<vmem>>) semaphore(%arg9 : memref<!tpu.dma_semaphore, #tpu.memory_space<semaphore_mem>>)
    %dma_wait3A_55 = arith.constant 96 : i32
    %dma_wait3A_56 = tpu.memref_slice %arg5[%dma_wait3A_55] : memref<192xi32, #tpu.memory_space<vmem>> -> memref<48xi32, #tpu.memory_space<vmem>>
    %dma_wait3A_57 = arith.constant 0 : i32
    %dma_wait3A_58 = arith.constant 0 : i32
    %dma_wait3A_59 = tpu.memref_slice %arg2[%dma_wait3A_57, %dma_wait3A_58] : memref<2048x1024xf32, #tpu.memory_space<hbm>> -> memref<2048x1024xf32, #tpu.memory_space<hbm>>
    tpu.wait_indirect_dma semaphore(%arg8 : memref<!tpu.dma_semaphore, #tpu.memory_space<semaphore_mem>>) src(%dma_wait3A_59 : memref<2048x1024xf32, #tpu.memory_space<hbm>>) dst(%arg6 : memref<48x1024xf32, #tpu.memory_space<vmem>>)
    %add3A_60 = arith.constant 96 : i32
    %add3A_61 = arith.addi %mul3A_2, %add3A_60 : i32
    %dma_start3A_62 = arith.constant 0 : i32
    %dma_start3A_63 = tpu.memref_slice %arg4[%add3A_61, %dma_start3A_62] : memref<6144x1024xf32, #tpu.memory_space<hbm>> -> memref<48x1024xf32, #tpu.memory_space<hbm>>
    %dma_start3A_64 = arith.constant 0 : i32
    %dma_start3A_65 = tpu.memref_slice %arg4[%add3A_61, %dma_start3A_64] : memref<6144x1024xf32, #tpu.memory_space<hbm>> -> memref<48x1024xf32, #tpu.memory_space<hbm>>
    tpu.enqueue_dma source(%arg6 : memref<48x1024xf32, #tpu.memory_space<vmem>>) target(%dma_start3A_65 : memref<48x1024xf32, #tpu.memory_space<hbm>>) target_semaphore(%arg10 : memref<!tpu.dma_semaphore, #tpu.memory_space<semaphore_mem>>)
    %dma_wait3A_66 = arith.constant 144 : i32
    %dma_wait3A_67 = tpu.memref_slice %arg5[%dma_wait3A_66] : memref<192xi32, #tpu.memory_space<vmem>> -> memref<48xi32, #tpu.memory_space<vmem>>
    %dma_wait3A_68 = arith.constant 0 : i32
    %dma_wait3A_69 = arith.constant 0 : i32
    %dma_wait3A_70 = tpu.memref_slice %arg2[%dma_wait3A_68, %dma_wait3A_69] : memref<2048x1024xf32, #tpu.memory_space<hbm>> -> memref<2048x1024xf32, #tpu.memory_space<hbm>>
    tpu.wait_indirect_dma semaphore(%arg9 : memref<!tpu.dma_semaphore, #tpu.memory_space<semaphore_mem>>) src(%dma_wait3A_70 : memref<2048x1024xf32, #tpu.memory_space<hbm>>) dst(%arg7 : memref<48x1024xf32, #tpu.memory_space<vmem>>)
    %add3A_71 = arith.constant 144 : i32
    %add3A_72 = arith.addi %mul3A_2, %add3A_71 : i32
    %dma_start3A_73 = arith.constant 0 : i32
    %dma_start3A_74 = tpu.memref_slice %arg4[%add3A_72, %dma_start3A_73] : memref<6144x1024xf32, #tpu.memory_space<hbm>> -> memref<48x1024xf32, #tpu.memory_space<hbm>>
    %dma_start3A_75 = arith.constant 0 : i32
    %dma_start3A_76 = tpu.memref_slice %arg4[%add3A_72, %dma_start3A_75] : memref<6144x1024xf32, #tpu.memory_space<hbm>> -> memref<48x1024xf32, #tpu.memory_space<hbm>>
    tpu.enqueue_dma source(%arg7 : memref<48x1024xf32, #tpu.memory_space<vmem>>) target(%dma_start3A_76 : memref<48x1024xf32, #tpu.memory_space<hbm>>) target_semaphore(%arg11 : memref<!tpu.dma_semaphore, #tpu.memory_space<semaphore_mem>>)
    %add3A_77 = arith.constant 96 : i32
    %add3A_78 = arith.addi %mul3A_2, %add3A_77 : i32
    %dma_wait3A_79 = arith.constant 0 : i32
    %dma_wait3A_80 = tpu.memref_slice %arg4[%add3A_78, %dma_wait3A_79] : memref<6144x1024xf32, #tpu.memory_space<hbm>> -> memref<48x1024xf32, #tpu.memory_space<hbm>>
    %dma_wait3A_81 = arith.constant 0 : i32
    %dma_wait3A_82 = tpu.memref_slice %arg4[%add3A_78, %dma_wait3A_81] : memref<6144x1024xf32, #tpu.memory_space<hbm>> -> memref<48x1024xf32, #tpu.memory_space<hbm>>
    tpu.wait_dma2 semaphore(%arg10 : memref<!tpu.dma_semaphore, #tpu.memory_space<semaphore_mem>>) src(%arg6 : memref<48x1024xf32, #tpu.memory_space<vmem>>) dst(%dma_wait3A_82 : memref<48x1024xf32, #tpu.memory_space<hbm>>)
    %add3A_83 = arith.constant 144 : i32
    %add3A_84 = arith.addi %mul3A_2, %add3A_83 : i32
    %dma_wait3A_85 = arith.constant 0 : i32
    %dma_wait3A_86 = tpu.memref_slice %arg4[%add3A_84, %dma_wait3A_85] : memref<6144x1024xf32, #tpu.memory_space<hbm>> -> memref<48x1024xf32, #tpu.memory_space<hbm>>
    %dma_wait3A_87 = arith.constant 0 : i32
    %dma_wait3A_88 = tpu.memref_slice %arg4[%add3A_84, %dma_wait3A_87] : memref<6144x1024xf32, #tpu.memory_space<hbm>> -> memref<48x1024xf32, #tpu.memory_space<hbm>>
    tpu.wait_dma2 semaphore(%arg11 : memref<!tpu.dma_semaphore, #tpu.memory_space<semaphore_mem>>) src(%arg7 : memref<48x1024xf32, #tpu.memory_space<vmem>>) dst(%dma_wait3A_88 : memref<48x1024xf32, #tpu.memory_space<hbm>>)
    return
  }
}

#map = affine_map<(d0, d1) -> (0, 0)>
#map1 = affine_map<(d0, d1) -> (0)>
module attributes {stable_mosaic.version = 14 : i64} {
  func.func @_combine_body(%arg0: i32, %arg1: i32, %arg2: memref<6144x1024xf32, #tpu.memory_space<hbm>>, %arg3: memref<4096xi32, #tpu.memory_space<hbm>>, %arg4: memref<2048x1024xf32, #tpu.memory_space<hbm>>, %arg5: memref<64xi32, #tpu.memory_space<vmem>>, %arg6: memref<64xi32, #tpu.memory_space<vmem>>, %arg7: memref<16x1024xf32, #tpu.memory_space<vmem>>, %arg8: memref<16x1024xf32, #tpu.memory_space<vmem>>, %arg9: memref<16x1024xf32, #tpu.memory_space<vmem>>, %arg10: memref<16x1024xf32, #tpu.memory_space<vmem>>, %arg11: memref<!tpu.dma_semaphore, #tpu.memory_space<semaphore_mem>>, %arg12: memref<!tpu.dma_semaphore, #tpu.memory_space<semaphore_mem>>, %arg13: memref<!tpu.dma_semaphore, #tpu.memory_space<semaphore_mem>>, %arg14: memref<!tpu.dma_semaphore, #tpu.memory_space<semaphore_mem>>) attributes {dimension_semantics = [#tpu.dimension_semantics<core_parallel>, #tpu.dimension_semantics<subcore_parallel>], iteration_bounds = array<i64: 2, 16>, scalar_prefetch = 0 : i64, scratch_operands = 10 : i64, tpu.core_type = #tpu.core_type<sc_vector_subcore>, window_params = [{transform_indices = #map}, {transform_indices = #map1}, {transform_indices = #map}]} {
    %mul3A = arith.constant 2 : i32
    %mul3A_0 = arith.muli %arg1, %mul3A : i32
    %add3A = arith.addi %mul3A_0, %arg0 : i32
    %mul3A_1 = arith.constant 64 : i32
    %mul3A_2 = arith.muli %add3A, %mul3A_1 : i32
    "tpu.region"() ({
      %run_scoped3A = tpu.sem_alloc : memref<!tpu.dma_semaphore, #tpu.memory_space<semaphore_mem>>
      %dma_start3A_150 = tpu.memref_slice %arg3[%mul3A_2] : memref<4096xi32, #tpu.memory_space<hbm>> -> memref<64xi32, #tpu.memory_space<hbm>>
      %dma_start3A_151 = tpu.memref_slice %arg3[%mul3A_2] : memref<4096xi32, #tpu.memory_space<hbm>> -> memref<64xi32, #tpu.memory_space<hbm>>
      tpu.enqueue_dma source(%dma_start3A_151 : memref<64xi32, #tpu.memory_space<hbm>>) target(%arg5 : memref<64xi32, #tpu.memory_space<vmem>>) target_semaphore(%run_scoped3A : memref<!tpu.dma_semaphore, #tpu.memory_space<semaphore_mem>>)
      %dma_wait3A_152 = tpu.memref_slice %arg3[%mul3A_2] : memref<4096xi32, #tpu.memory_space<hbm>> -> memref<64xi32, #tpu.memory_space<hbm>>
      %dma_wait3A_153 = tpu.memref_slice %arg3[%mul3A_2] : memref<4096xi32, #tpu.memory_space<hbm>> -> memref<64xi32, #tpu.memory_space<hbm>>
      tpu.wait_dma2 semaphore(%run_scoped3A : memref<!tpu.dma_semaphore, #tpu.memory_space<semaphore_mem>>) src(%dma_wait3A_153 : memref<64xi32, #tpu.memory_space<hbm>>) dst(%arg5 : memref<64xi32, #tpu.memory_space<vmem>>)
      tpu.yield
    }) : () -> ()
    %add3A_3 = arith.constant 2048 : i32
    %add3A_4 = arith.addi %add3A_3, %mul3A_2 : i32
    "tpu.region"() ({
      %run_scoped3A = tpu.sem_alloc : memref<!tpu.dma_semaphore, #tpu.memory_space<semaphore_mem>>
      %dma_start3A_150 = tpu.memref_slice %arg3[%add3A_4] : memref<4096xi32, #tpu.memory_space<hbm>> -> memref<64xi32, #tpu.memory_space<hbm>>
      %dma_start3A_151 = tpu.memref_slice %arg3[%add3A_4] : memref<4096xi32, #tpu.memory_space<hbm>> -> memref<64xi32, #tpu.memory_space<hbm>>
      tpu.enqueue_dma source(%dma_start3A_151 : memref<64xi32, #tpu.memory_space<hbm>>) target(%arg6 : memref<64xi32, #tpu.memory_space<vmem>>) target_semaphore(%run_scoped3A : memref<!tpu.dma_semaphore, #tpu.memory_space<semaphore_mem>>)
      %dma_wait3A_152 = tpu.memref_slice %arg3[%add3A_4] : memref<4096xi32, #tpu.memory_space<hbm>> -> memref<64xi32, #tpu.memory_space<hbm>>
      %dma_wait3A_153 = tpu.memref_slice %arg3[%add3A_4] : memref<4096xi32, #tpu.memory_space<hbm>> -> memref<64xi32, #tpu.memory_space<hbm>>
      tpu.wait_dma2 semaphore(%run_scoped3A : memref<!tpu.dma_semaphore, #tpu.memory_space<semaphore_mem>>) src(%dma_wait3A_153 : memref<64xi32, #tpu.memory_space<hbm>>) dst(%arg6 : memref<64xi32, #tpu.memory_space<vmem>>)
      tpu.yield
    }) : () -> ()
    %dma_start3A = arith.constant 0 : i32
    %dma_start3A_5 = tpu.memref_slice %arg5[%dma_start3A] : memref<64xi32, #tpu.memory_space<vmem>> -> memref<16xi32, #tpu.memory_space<vmem>>
    %dma_start3A_6 = arith.constant 0 : i32
    %dma_start3A_7 = arith.constant 0 : i32
    %dma_start3A_8 = tpu.memref_slice %arg2[%dma_start3A_6, %dma_start3A_7] : memref<6144x1024xf32, #tpu.memory_space<hbm>> -> memref<6144x1024xf32, #tpu.memory_space<hbm>>
    tpu.enqueue_indirect_dma source(%dma_start3A_8 : memref<6144x1024xf32, #tpu.memory_space<hbm>>) target(%arg7 : memref<16x1024xf32, #tpu.memory_space<vmem>>) offsets(%dma_start3A_5 : memref<16xi32, #tpu.memory_space<vmem>>) semaphore(%arg11 : memref<!tpu.dma_semaphore, #tpu.memory_space<semaphore_mem>>)
    %dma_start3A_9 = arith.constant 0 : i32
    %dma_start3A_10 = tpu.memref_slice %arg6[%dma_start3A_9] : memref<64xi32, #tpu.memory_space<vmem>> -> memref<16xi32, #tpu.memory_space<vmem>>
    %dma_start3A_11 = arith.constant 0 : i32
    %dma_start3A_12 = arith.constant 0 : i32
    %dma_start3A_13 = tpu.memref_slice %arg2[%dma_start3A_11, %dma_start3A_12] : memref<6144x1024xf32, #tpu.memory_space<hbm>> -> memref<6144x1024xf32, #tpu.memory_space<hbm>>
    tpu.enqueue_indirect_dma source(%dma_start3A_13 : memref<6144x1024xf32, #tpu.memory_space<hbm>>) target(%arg8 : memref<16x1024xf32, #tpu.memory_space<vmem>>) offsets(%dma_start3A_10 : memref<16xi32, #tpu.memory_space<vmem>>) semaphore(%arg11 : memref<!tpu.dma_semaphore, #tpu.memory_space<semaphore_mem>>)
    %dma_start3A_14 = arith.constant 16 : i32
    %dma_start3A_15 = tpu.memref_slice %arg5[%dma_start3A_14] : memref<64xi32, #tpu.memory_space<vmem>> -> memref<16xi32, #tpu.memory_space<vmem>>
    %dma_start3A_16 = arith.constant 0 : i32
    %dma_start3A_17 = arith.constant 0 : i32
    %dma_start3A_18 = tpu.memref_slice %arg2[%dma_start3A_16, %dma_start3A_17] : memref<6144x1024xf32, #tpu.memory_space<hbm>> -> memref<6144x1024xf32, #tpu.memory_space<hbm>>
    tpu.enqueue_indirect_dma source(%dma_start3A_18 : memref<6144x1024xf32, #tpu.memory_space<hbm>>) target(%arg9 : memref<16x1024xf32, #tpu.memory_space<vmem>>) offsets(%dma_start3A_15 : memref<16xi32, #tpu.memory_space<vmem>>) semaphore(%arg12 : memref<!tpu.dma_semaphore, #tpu.memory_space<semaphore_mem>>)
    %dma_start3A_19 = arith.constant 16 : i32
    %dma_start3A_20 = tpu.memref_slice %arg6[%dma_start3A_19] : memref<64xi32, #tpu.memory_space<vmem>> -> memref<16xi32, #tpu.memory_space<vmem>>
    %dma_start3A_21 = arith.constant 0 : i32
    %dma_start3A_22 = arith.constant 0 : i32
    %dma_start3A_23 = tpu.memref_slice %arg2[%dma_start3A_21, %dma_start3A_22] : memref<6144x1024xf32, #tpu.memory_space<hbm>> -> memref<6144x1024xf32, #tpu.memory_space<hbm>>
    tpu.enqueue_indirect_dma source(%dma_start3A_23 : memref<6144x1024xf32, #tpu.memory_space<hbm>>) target(%arg10 : memref<16x1024xf32, #tpu.memory_space<vmem>>) offsets(%dma_start3A_20 : memref<16xi32, #tpu.memory_space<vmem>>) semaphore(%arg12 : memref<!tpu.dma_semaphore, #tpu.memory_space<semaphore_mem>>)
    %dma_wait3A = arith.constant 0 : i32
    %dma_wait3A_24 = tpu.memref_slice %arg5[%dma_wait3A] : memref<64xi32, #tpu.memory_space<vmem>> -> memref<16xi32, #tpu.memory_space<vmem>>
    %dma_wait3A_25 = arith.constant 0 : i32
    %dma_wait3A_26 = arith.constant 0 : i32
    %dma_wait3A_27 = tpu.memref_slice %arg2[%dma_wait3A_25, %dma_wait3A_26] : memref<6144x1024xf32, #tpu.memory_space<hbm>> -> memref<6144x1024xf32, #tpu.memory_space<hbm>>
    tpu.wait_indirect_dma semaphore(%arg11 : memref<!tpu.dma_semaphore, #tpu.memory_space<semaphore_mem>>) src(%dma_wait3A_27 : memref<6144x1024xf32, #tpu.memory_space<hbm>>) dst(%arg7 : memref<16x1024xf32, #tpu.memory_space<vmem>>)
    %dma_wait3A_28 = arith.constant 0 : i32
    %dma_wait3A_29 = tpu.memref_slice %arg6[%dma_wait3A_28] : memref<64xi32, #tpu.memory_space<vmem>> -> memref<16xi32, #tpu.memory_space<vmem>>
    %dma_wait3A_30 = arith.constant 0 : i32
    %dma_wait3A_31 = arith.constant 0 : i32
    %dma_wait3A_32 = tpu.memref_slice %arg2[%dma_wait3A_30, %dma_wait3A_31] : memref<6144x1024xf32, #tpu.memory_space<hbm>> -> memref<6144x1024xf32, #tpu.memory_space<hbm>>
    tpu.wait_indirect_dma semaphore(%arg11 : memref<!tpu.dma_semaphore, #tpu.memory_space<semaphore_mem>>) src(%dma_wait3A_32 : memref<6144x1024xf32, #tpu.memory_space<hbm>>) dst(%arg8 : memref<16x1024xf32, #tpu.memory_space<vmem>>)
    %scan3A = arith.constant 0 : i32
    %scan3A_33 = arith.constant 1024 : i32
    %scan3A_34 = arith.addi %scan3A, %scan3A_33 : i32
    %scan3A_35 = arith.constant 1 : i32
    scf.for %scan3A_150 = %scan3A to %scan3A_34 step %scan3A_35  : i32 {
      %jit3A = arith.constant 64 : i32
      %div3A = arith.divsi %scan3A_150, %jit3A : i32
      %sign3A = arith.constant 0 : i32
      %sign3A_151 = arith.cmpi sgt, %scan3A_150, %sign3A : i32
      %sign3A_152 = arith.extui %sign3A_151 : i1 to i32
      %sign3A_153 = arith.constant 0 : i32
      %sign3A_154 = arith.cmpi slt, %scan3A_150, %sign3A_153 : i32
      %sign3A_155 = arith.extui %sign3A_154 : i1 to i32
      %sign3A_156 = arith.subi %sign3A_152, %sign3A_155 : i32
      %sign3A_157 = arith.constant 0 : i32
      %sign3A_158 = arith.cmpi sgt, %jit3A, %sign3A_157 : i32
      %sign3A_159 = arith.extui %sign3A_158 : i1 to i32
      %sign3A_160 = arith.constant 0 : i32
      %sign3A_161 = arith.cmpi slt, %jit3A, %sign3A_160 : i32
      %sign3A_162 = arith.extui %sign3A_161 : i1 to i32
      %sign3A_163 = arith.subi %sign3A_159, %sign3A_162 : i32
      %ne3A = arith.cmpi ne, %sign3A_156, %sign3A_163 : i32
      %rem3A = arith.remsi %scan3A_150, %jit3A : i32
      %ne3A_164 = arith.constant 0 : i32
      %ne3A_165 = arith.cmpi ne, %rem3A, %ne3A_164 : i32
      %and3A = arith.andi %ne3A, %ne3A_165 : i1
      %sub3A = arith.constant 1 : i32
      %sub3A_166 = arith.subi %div3A, %sub3A : i32
      %select_n3A = arith.select %and3A, %sub3A_166, %div3A : i32
      %jit3A_167 = arith.constant 64 : i32
      %eq3A = arith.constant 0 : i32
      %eq3A_168 = arith.cmpi eq, %jit3A_167, %eq3A : i32
      %jit3A_169 = arith.constant 1 : i32
      %select_n3A_170 = arith.select %eq3A_168, %jit3A_169, %jit3A_167 : i32
      %rem3A_171 = arith.remsi %scan3A_150, %select_n3A_170 : i32
      %ne3A_172 = arith.constant 0 : i32
      %ne3A_173 = arith.cmpi ne, %rem3A_171, %ne3A_172 : i32
      %lt3A = arith.constant 0 : i32
      %lt3A_174 = arith.cmpi slt, %rem3A_171, %lt3A : i32
      %lt3A_175 = arith.constant 0 : i32
      %lt3A_176 = arith.cmpi slt, %select_n3A_170, %lt3A_175 : i32
      %ne3A_177 = arith.xori %lt3A_174, %lt3A_176 : i1
      %and3A_178 = arith.andi %ne3A_177, %ne3A_173 : i1
      %add3A_179 = arith.addi %rem3A_171, %select_n3A_170 : i32
      %select_n3A_180 = arith.select %and3A_178, %add3A_179, %rem3A_171 : i32
      %mul3A_181 = arith.constant 16 : i32
      %mul3A_182 = arith.muli %select_n3A_180, %mul3A_181 : i32
      %get3A = arith.index_cast %select_n3A : i32 to index
      %get3A_183 = arith.index_cast %mul3A_182 : i32 to index
      %get3A_184 = tpu.vector_load %arg7[%get3A, %get3A_183] {strides = array<i32>} : memref<16x1024xf32, #tpu.memory_space<vmem>>, vector<16xf32>,
      %get3A_185 = arith.index_cast %select_n3A : i32 to index
      %get3A_186 = arith.index_cast %mul3A_182 : i32 to index
      %get3A_187 = tpu.vector_load %arg8[%get3A_185, %get3A_186] {strides = array<i32>} : memref<16x1024xf32, #tpu.memory_space<vmem>>, vector<16xf32>,
      %add3A_188 = arith.addf %get3A_184, %get3A_187 : vector<16xf32>
      %swap3A = arith.index_cast %select_n3A : i32 to index
      %swap3A_189 = arith.index_cast %mul3A_182 : i32 to index
      %swap3A_190 = tpu.vector_load %arg7[%swap3A, %swap3A_189] {strides = array<i32>} : memref<16x1024xf32, #tpu.memory_space<vmem>>, vector<16xf32>,
      tpu.vector_store %arg7[%swap3A, %swap3A_189], %add3A_188 {strides = array<i32>} : memref<16x1024xf32, #tpu.memory_space<vmem>>, vector<16xf32>,
    }
    %scan3A_36 = arith.constant 1024 : i32
    %add3A_37 = arith.constant 0 : i32
    %add3A_38 = arith.addi %mul3A_2, %add3A_37 : i32
    %dma_start3A_39 = arith.constant 0 : i32
    %dma_start3A_40 = tpu.memref_slice %arg4[%add3A_38, %dma_start3A_39] : memref<2048x1024xf32, #tpu.memory_space<hbm>> -> memref<16x1024xf32, #tpu.memory_space<hbm>>
    %dma_start3A_41 = arith.constant 0 : i32
    %dma_start3A_42 = tpu.memref_slice %arg4[%add3A_38, %dma_start3A_41] : memref<2048x1024xf32, #tpu.memory_space<hbm>> -> memref<16x1024xf32, #tpu.memory_space<hbm>>
    tpu.enqueue_dma source(%arg7 : memref<16x1024xf32, #tpu.memory_space<vmem>>) target(%dma_start3A_42 : memref<16x1024xf32, #tpu.memory_space<hbm>>) target_semaphore(%arg13 : memref<!tpu.dma_semaphore, #tpu.memory_space<semaphore_mem>>)
    %add3A_43 = arith.constant 0 : i32
    %add3A_44 = arith.addi %mul3A_2, %add3A_43 : i32
    %dma_wait3A_45 = arith.constant 0 : i32
    %dma_wait3A_46 = tpu.memref_slice %arg4[%add3A_44, %dma_wait3A_45] : memref<2048x1024xf32, #tpu.memory_space<hbm>> -> memref<16x1024xf32, #tpu.memory_space<hbm>>
    %dma_wait3A_47 = arith.constant 0 : i32
    %dma_wait3A_48 = tpu.memref_slice %arg4[%add3A_44, %dma_wait3A_47] : memref<2048x1024xf32, #tpu.memory_space<hbm>> -> memref<16x1024xf32, #tpu.memory_space<hbm>>
    tpu.wait_dma2 semaphore(%arg13 : memref<!tpu.dma_semaphore, #tpu.memory_space<semaphore_mem>>) src(%arg7 : memref<16x1024xf32, #tpu.memory_space<vmem>>) dst(%dma_wait3A_48 : memref<16x1024xf32, #tpu.memory_space<hbm>>)
    %dma_start3A_49 = arith.constant 32 : i32
    %dma_start3A_50 = tpu.memref_slice %arg5[%dma_start3A_49] : memref<64xi32, #tpu.memory_space<vmem>> -> memref<16xi32, #tpu.memory_space<vmem>>
    %dma_start3A_51 = arith.constant 0 : i32
    %dma_start3A_52 = arith.constant 0 : i32
    %dma_start3A_53 = tpu.memref_slice %arg2[%dma_start3A_51, %dma_start3A_52] : memref<6144x1024xf32, #tpu.memory_space<hbm>> -> memref<6144x1024xf32, #tpu.memory_space<hbm>>
    tpu.enqueue_indirect_dma source(%dma_start3A_53 : memref<6144x1024xf32, #tpu.memory_space<hbm>>) target(%arg7 : memref<16x1024xf32, #tpu.memory_space<vmem>>) offsets(%dma_start3A_50 : memref<16xi32, #tpu.memory_space<vmem>>) semaphore(%arg11 : memref<!tpu.dma_semaphore, #tpu.memory_space<semaphore_mem>>)
    %dma_start3A_54 = arith.constant 32 : i32
    %dma_start3A_55 = tpu.memref_slice %arg6[%dma_start3A_54] : memref<64xi32, #tpu.memory_space<vmem>> -> memref<16xi32, #tpu.memory_space<vmem>>
    %dma_start3A_56 = arith.constant 0 : i32
    %dma_start3A_57 = arith.constant 0 : i32
    %dma_start3A_58 = tpu.memref_slice %arg2[%dma_start3A_56, %dma_start3A_57] : memref<6144x1024xf32, #tpu.memory_space<hbm>> -> memref<6144x1024xf32, #tpu.memory_space<hbm>>
    tpu.enqueue_indirect_dma source(%dma_start3A_58 : memref<6144x1024xf32, #tpu.memory_space<hbm>>) target(%arg8 : memref<16x1024xf32, #tpu.memory_space<vmem>>) offsets(%dma_start3A_55 : memref<16xi32, #tpu.memory_space<vmem>>) semaphore(%arg11 : memref<!tpu.dma_semaphore, #tpu.memory_space<semaphore_mem>>)
    %dma_wait3A_59 = arith.constant 16 : i32
    %dma_wait3A_60 = tpu.memref_slice %arg5[%dma_wait3A_59] : memref<64xi32, #tpu.memory_space<vmem>> -> memref<16xi32, #tpu.memory_space<vmem>>
    %dma_wait3A_61 = arith.constant 0 : i32
    %dma_wait3A_62 = arith.constant 0 : i32
    %dma_wait3A_63 = tpu.memref_slice %arg2[%dma_wait3A_61, %dma_wait3A_62] : memref<6144x1024xf32, #tpu.memory_space<hbm>> -> memref<6144x1024xf32, #tpu.memory_space<hbm>>
    tpu.wait_indirect_dma semaphore(%arg12 : memref<!tpu.dma_semaphore, #tpu.memory_space<semaphore_mem>>) src(%dma_wait3A_63 : memref<6144x1024xf32, #tpu.memory_space<hbm>>) dst(%arg9 : memref<16x1024xf32, #tpu.memory_space<vmem>>)
    %dma_wait3A_64 = arith.constant 16 : i32
    %dma_wait3A_65 = tpu.memref_slice %arg6[%dma_wait3A_64] : memref<64xi32, #tpu.memory_space<vmem>> -> memref<16xi32, #tpu.memory_space<vmem>>
    %dma_wait3A_66 = arith.constant 0 : i32
    %dma_wait3A_67 = arith.constant 0 : i32
    %dma_wait3A_68 = tpu.memref_slice %arg2[%dma_wait3A_66, %dma_wait3A_67] : memref<6144x1024xf32, #tpu.memory_space<hbm>> -> memref<6144x1024xf32, #tpu.memory_space<hbm>>
    tpu.wait_indirect_dma semaphore(%arg12 : memref<!tpu.dma_semaphore, #tpu.memory_space<semaphore_mem>>) src(%dma_wait3A_68 : memref<6144x1024xf32, #tpu.memory_space<hbm>>) dst(%arg10 : memref<16x1024xf32, #tpu.memory_space<vmem>>)
    %scan3A_69 = arith.constant 0 : i32
    %scan3A_70 = arith.constant 1024 : i32
    %scan3A_71 = arith.addi %scan3A_69, %scan3A_70 : i32
    %scan3A_72 = arith.constant 1 : i32
    scf.for %scan3A_150 = %scan3A_69 to %scan3A_71 step %scan3A_72  : i32 {
      %jit3A = arith.constant 64 : i32
      %div3A = arith.divsi %scan3A_150, %jit3A : i32
      %sign3A = arith.constant 0 : i32
      %sign3A_151 = arith.cmpi sgt, %scan3A_150, %sign3A : i32
      %sign3A_152 = arith.extui %sign3A_151 : i1 to i32
      %sign3A_153 = arith.constant 0 : i32
      %sign3A_154 = arith.cmpi slt, %scan3A_150, %sign3A_153 : i32
      %sign3A_155 = arith.extui %sign3A_154 : i1 to i32
      %sign3A_156 = arith.subi %sign3A_152, %sign3A_155 : i32
      %sign3A_157 = arith.constant 0 : i32
      %sign3A_158 = arith.cmpi sgt, %jit3A, %sign3A_157 : i32
      %sign3A_159 = arith.extui %sign3A_158 : i1 to i32
      %sign3A_160 = arith.constant 0 : i32
      %sign3A_161 = arith.cmpi slt, %jit3A, %sign3A_160 : i32
      %sign3A_162 = arith.extui %sign3A_161 : i1 to i32
      %sign3A_163 = arith.subi %sign3A_159, %sign3A_162 : i32
      %ne3A = arith.cmpi ne, %sign3A_156, %sign3A_163 : i32
      %rem3A = arith.remsi %scan3A_150, %jit3A : i32
      %ne3A_164 = arith.constant 0 : i32
      %ne3A_165 = arith.cmpi ne, %rem3A, %ne3A_164 : i32
      %and3A = arith.andi %ne3A, %ne3A_165 : i1
      %sub3A = arith.constant 1 : i32
      %sub3A_166 = arith.subi %div3A, %sub3A : i32
      %select_n3A = arith.select %and3A, %sub3A_166, %div3A : i32
      %jit3A_167 = arith.constant 64 : i32
      %eq3A = arith.constant 0 : i32
      %eq3A_168 = arith.cmpi eq, %jit3A_167, %eq3A : i32
      %jit3A_169 = arith.constant 1 : i32
      %select_n3A_170 = arith.select %eq3A_168, %jit3A_169, %jit3A_167 : i32
      %rem3A_171 = arith.remsi %scan3A_150, %select_n3A_170 : i32
      %ne3A_172 = arith.constant 0 : i32
      %ne3A_173 = arith.cmpi ne, %rem3A_171, %ne3A_172 : i32
      %lt3A = arith.constant 0 : i32
      %lt3A_174 = arith.cmpi slt, %rem3A_171, %lt3A : i32
      %lt3A_175 = arith.constant 0 : i32
      %lt3A_176 = arith.cmpi slt, %select_n3A_170, %lt3A_175 : i32
      %ne3A_177 = arith.xori %lt3A_174, %lt3A_176 : i1
      %and3A_178 = arith.andi %ne3A_177, %ne3A_173 : i1
      %add3A_179 = arith.addi %rem3A_171, %select_n3A_170 : i32
      %select_n3A_180 = arith.select %and3A_178, %add3A_179, %rem3A_171 : i32
      %mul3A_181 = arith.constant 16 : i32
      %mul3A_182 = arith.muli %select_n3A_180, %mul3A_181 : i32
      %get3A = arith.index_cast %select_n3A : i32 to index
      %get3A_183 = arith.index_cast %mul3A_182 : i32 to index
      %get3A_184 = tpu.vector_load %arg9[%get3A, %get3A_183] {strides = array<i32>} : memref<16x1024xf32, #tpu.memory_space<vmem>>, vector<16xf32>,
      %get3A_185 = arith.index_cast %select_n3A : i32 to index
      %get3A_186 = arith.index_cast %mul3A_182 : i32 to index
      %get3A_187 = tpu.vector_load %arg10[%get3A_185, %get3A_186] {strides = array<i32>} : memref<16x1024xf32, #tpu.memory_space<vmem>>, vector<16xf32>,
      %add3A_188 = arith.addf %get3A_184, %get3A_187 : vector<16xf32>
      %swap3A = arith.index_cast %select_n3A : i32 to index
      %swap3A_189 = arith.index_cast %mul3A_182 : i32 to index
      %swap3A_190 = tpu.vector_load %arg9[%swap3A, %swap3A_189] {strides = array<i32>} : memref<16x1024xf32, #tpu.memory_space<vmem>>, vector<16xf32>,
      tpu.vector_store %arg9[%swap3A, %swap3A_189], %add3A_188 {strides = array<i32>} : memref<16x1024xf32, #tpu.memory_space<vmem>>, vector<16xf32>,
    }
    %scan3A_73 = arith.constant 1024 : i32
    %add3A_74 = arith.constant 16 : i32
    %add3A_75 = arith.addi %mul3A_2, %add3A_74 : i32
    %dma_start3A_76 = arith.constant 0 : i32
    %dma_start3A_77 = tpu.memref_slice %arg4[%add3A_75, %dma_start3A_76] : memref<2048x1024xf32, #tpu.memory_space<hbm>> -> memref<16x1024xf32, #tpu.memory_space<hbm>>
    %dma_start3A_78 = arith.constant 0 : i32
    %dma_start3A_79 = tpu.memref_slice %arg4[%add3A_75, %dma_start3A_78] : memref<2048x1024xf32, #tpu.memory_space<hbm>> -> memref<16x1024xf32, #tpu.memory_space<hbm>>
    tpu.enqueue_dma source(%arg9 : memref<16x1024xf32, #tpu.memory_space<vmem>>) target(%dma_start3A_79 : memref<16x1024xf32, #tpu.memory_space<hbm>>) target_semaphore(%arg14 : memref<!tpu.dma_semaphore, #tpu.memory_space<semaphore_mem>>)
    %add3A_80 = arith.constant 16 : i32
    %add3A_81 = arith.addi %mul3A_2, %add3A_80 : i32
    %dma_wait3A_82 = arith.constant 0 : i32
    %dma_wait3A_83 = tpu.memref_slice %arg4[%add3A_81, %dma_wait3A_82] : memref<2048x1024xf32, #tpu.memory_space<hbm>> -> memref<16x1024xf32, #tpu.memory_space<hbm>>
    %dma_wait3A_84 = arith.constant 0 : i32
    %dma_wait3A_85 = tpu.memref_slice %arg4[%add3A_81, %dma_wait3A_84] : memref<2048x1024xf32, #tpu.memory_space<hbm>> -> memref<16x1024xf32, #tpu.memory_space<hbm>>
    tpu.wait_dma2 semaphore(%arg14 : memref<!tpu.dma_semaphore, #tpu.memory_space<semaphore_mem>>) src(%arg9 : memref<16x1024xf32, #tpu.memory_space<vmem>>) dst(%dma_wait3A_85 : memref<16x1024xf32, #tpu.memory_space<hbm>>)
    %dma_start3A_86 = arith.constant 48 : i32
    %dma_start3A_87 = tpu.memref_slice %arg5[%dma_start3A_86] : memref<64xi32, #tpu.memory_space<vmem>> -> memref<16xi32, #tpu.memory_space<vmem>>
    %dma_start3A_88 = arith.constant 0 : i32
    %dma_start3A_89 = arith.constant 0 : i32
    %dma_start3A_90 = tpu.memref_slice %arg2[%dma_start3A_88, %dma_start3A_89] : memref<6144x1024xf32, #tpu.memory_space<hbm>> -> memref<6144x1024xf32, #tpu.memory_space<hbm>>
    tpu.enqueue_indirect_dma source(%dma_start3A_90 : memref<6144x1024xf32, #tpu.memory_space<hbm>>) target(%arg9 : memref<16x1024xf32, #tpu.memory_space<vmem>>) offsets(%dma_start3A_87 : memref<16xi32, #tpu.memory_space<vmem>>) semaphore(%arg12 : memref<!tpu.dma_semaphore, #tpu.memory_space<semaphore_mem>>)
    %dma_start3A_91 = arith.constant 48 : i32
    %dma_start3A_92 = tpu.memref_slice %arg6[%dma_start3A_91] : memref<64xi32, #tpu.memory_space<vmem>> -> memref<16xi32, #tpu.memory_space<vmem>>
    %dma_start3A_93 = arith.constant 0 : i32
    %dma_start3A_94 = arith.constant 0 : i32
    %dma_start3A_95 = tpu.memref_slice %arg2[%dma_start3A_93, %dma_start3A_94] : memref<6144x1024xf32, #tpu.memory_space<hbm>> -> memref<6144x1024xf32, #tpu.memory_space<hbm>>
    tpu.enqueue_indirect_dma source(%dma_start3A_95 : memref<6144x1024xf32, #tpu.memory_space<hbm>>) target(%arg10 : memref<16x1024xf32, #tpu.memory_space<vmem>>) offsets(%dma_start3A_92 : memref<16xi32, #tpu.memory_space<vmem>>) semaphore(%arg12 : memref<!tpu.dma_semaphore, #tpu.memory_space<semaphore_mem>>)
    %dma_wait3A_96 = arith.constant 32 : i32
    %dma_wait3A_97 = tpu.memref_slice %arg5[%dma_wait3A_96] : memref<64xi32, #tpu.memory_space<vmem>> -> memref<16xi32, #tpu.memory_space<vmem>>
    %dma_wait3A_98 = arith.constant 0 : i32
    %dma_wait3A_99 = arith.constant 0 : i32
    %dma_wait3A_100 = tpu.memref_slice %arg2[%dma_wait3A_98, %dma_wait3A_99] : memref<6144x1024xf32, #tpu.memory_space<hbm>> -> memref<6144x1024xf32, #tpu.memory_space<hbm>>
    tpu.wait_indirect_dma semaphore(%arg11 : memref<!tpu.dma_semaphore, #tpu.memory_space<semaphore_mem>>) src(%dma_wait3A_100 : memref<6144x1024xf32, #tpu.memory_space<hbm>>) dst(%arg7 : memref<16x1024xf32, #tpu.memory_space<vmem>>)
    %dma_wait3A_101 = arith.constant 32 : i32
    %dma_wait3A_102 = tpu.memref_slice %arg6[%dma_wait3A_101] : memref<64xi32, #tpu.memory_space<vmem>> -> memref<16xi32, #tpu.memory_space<vmem>>
    %dma_wait3A_103 = arith.constant 0 : i32
    %dma_wait3A_104 = arith.constant 0 : i32
    %dma_wait3A_105 = tpu.memref_slice %arg2[%dma_wait3A_103, %dma_wait3A_104] : memref<6144x1024xf32, #tpu.memory_space<hbm>> -> memref<6144x1024xf32, #tpu.memory_space<hbm>>
    tpu.wait_indirect_dma semaphore(%arg11 : memref<!tpu.dma_semaphore, #tpu.memory_space<semaphore_mem>>) src(%dma_wait3A_105 : memref<6144x1024xf32, #tpu.memory_space<hbm>>) dst(%arg8 : memref<16x1024xf32, #tpu.memory_space<vmem>>)
    %scan3A_106 = arith.constant 0 : i32
    %scan3A_107 = arith.constant 1024 : i32
    %scan3A_108 = arith.addi %scan3A_106, %scan3A_107 : i32
    %scan3A_109 = arith.constant 1 : i32
    scf.for %scan3A_150 = %scan3A_106 to %scan3A_108 step %scan3A_109  : i32 {
      %jit3A = arith.constant 64 : i32
      %div3A = arith.divsi %scan3A_150, %jit3A : i32
      %sign3A = arith.constant 0 : i32
      %sign3A_151 = arith.cmpi sgt, %scan3A_150, %sign3A : i32
      %sign3A_152 = arith.extui %sign3A_151 : i1 to i32
      %sign3A_153 = arith.constant 0 : i32
      %sign3A_154 = arith.cmpi slt, %scan3A_150, %sign3A_153 : i32
      %sign3A_155 = arith.extui %sign3A_154 : i1 to i32
      %sign3A_156 = arith.subi %sign3A_152, %sign3A_155 : i32
      %sign3A_157 = arith.constant 0 : i32
      %sign3A_158 = arith.cmpi sgt, %jit3A, %sign3A_157 : i32
      %sign3A_159 = arith.extui %sign3A_158 : i1 to i32
      %sign3A_160 = arith.constant 0 : i32
      %sign3A_161 = arith.cmpi slt, %jit3A, %sign3A_160 : i32
      %sign3A_162 = arith.extui %sign3A_161 : i1 to i32
      %sign3A_163 = arith.subi %sign3A_159, %sign3A_162 : i32
      %ne3A = arith.cmpi ne, %sign3A_156, %sign3A_163 : i32
      %rem3A = arith.remsi %scan3A_150, %jit3A : i32
      %ne3A_164 = arith.constant 0 : i32
      %ne3A_165 = arith.cmpi ne, %rem3A, %ne3A_164 : i32
      %and3A = arith.andi %ne3A, %ne3A_165 : i1
      %sub3A = arith.constant 1 : i32
      %sub3A_166 = arith.subi %div3A, %sub3A : i32
      %select_n3A = arith.select %and3A, %sub3A_166, %div3A : i32
      %jit3A_167 = arith.constant 64 : i32
      %eq3A = arith.constant 0 : i32
      %eq3A_168 = arith.cmpi eq, %jit3A_167, %eq3A : i32
      %jit3A_169 = arith.constant 1 : i32
      %select_n3A_170 = arith.select %eq3A_168, %jit3A_169, %jit3A_167 : i32
      %rem3A_171 = arith.remsi %scan3A_150, %select_n3A_170 : i32
      %ne3A_172 = arith.constant 0 : i32
      %ne3A_173 = arith.cmpi ne, %rem3A_171, %ne3A_172 : i32
      %lt3A = arith.constant 0 : i32
      %lt3A_174 = arith.cmpi slt, %rem3A_171, %lt3A : i32
      %lt3A_175 = arith.constant 0 : i32
      %lt3A_176 = arith.cmpi slt, %select_n3A_170, %lt3A_175 : i32
      %ne3A_177 = arith.xori %lt3A_174, %lt3A_176 : i1
      %and3A_178 = arith.andi %ne3A_177, %ne3A_173 : i1
      %add3A_179 = arith.addi %rem3A_171, %select_n3A_170 : i32
      %select_n3A_180 = arith.select %and3A_178, %add3A_179, %rem3A_171 : i32
      %mul3A_181 = arith.constant 16 : i32
      %mul3A_182 = arith.muli %select_n3A_180, %mul3A_181 : i32
      %get3A = arith.index_cast %select_n3A : i32 to index
      %get3A_183 = arith.index_cast %mul3A_182 : i32 to index
      %get3A_184 = tpu.vector_load %arg7[%get3A, %get3A_183] {strides = array<i32>} : memref<16x1024xf32, #tpu.memory_space<vmem>>, vector<16xf32>,
      %get3A_185 = arith.index_cast %select_n3A : i32 to index
      %get3A_186 = arith.index_cast %mul3A_182 : i32 to index
      %get3A_187 = tpu.vector_load %arg8[%get3A_185, %get3A_186] {strides = array<i32>} : memref<16x1024xf32, #tpu.memory_space<vmem>>, vector<16xf32>,
      %add3A_188 = arith.addf %get3A_184, %get3A_187 : vector<16xf32>
      %swap3A = arith.index_cast %select_n3A : i32 to index
      %swap3A_189 = arith.index_cast %mul3A_182 : i32 to index
      %swap3A_190 = tpu.vector_load %arg7[%swap3A, %swap3A_189] {strides = array<i32>} : memref<16x1024xf32, #tpu.memory_space<vmem>>, vector<16xf32>,
      tpu.vector_store %arg7[%swap3A, %swap3A_189], %add3A_188 {strides = array<i32>} : memref<16x1024xf32, #tpu.memory_space<vmem>>, vector<16xf32>,
    }
    %scan3A_110 = arith.constant 1024 : i32
    %add3A_111 = arith.constant 32 : i32
    %add3A_112 = arith.addi %mul3A_2, %add3A_111 : i32
    %dma_start3A_113 = arith.constant 0 : i32
    %dma_start3A_114 = tpu.memref_slice %arg4[%add3A_112, %dma_start3A_113] : memref<2048x1024xf32, #tpu.memory_space<hbm>> -> memref<16x1024xf32, #tpu.memory_space<hbm>>
    %dma_start3A_115 = arith.constant 0 : i32
    %dma_start3A_116 = tpu.memref_slice %arg4[%add3A_112, %dma_start3A_115] : memref<2048x1024xf32, #tpu.memory_space<hbm>> -> memref<16x1024xf32, #tpu.memory_space<hbm>>
    tpu.enqueue_dma source(%arg7 : memref<16x1024xf32, #tpu.memory_space<vmem>>) target(%dma_start3A_116 : memref<16x1024xf32, #tpu.memory_space<hbm>>) target_semaphore(%arg13 : memref<!tpu.dma_semaphore, #tpu.memory_space<semaphore_mem>>)
    %dma_wait3A_117 = arith.constant 48 : i32
    %dma_wait3A_118 = tpu.memref_slice %arg5[%dma_wait3A_117] : memref<64xi32, #tpu.memory_space<vmem>> -> memref<16xi32, #tpu.memory_space<vmem>>
    %dma_wait3A_119 = arith.constant 0 : i32
    %dma_wait3A_120 = arith.constant 0 : i32
    %dma_wait3A_121 = tpu.memref_slice %arg2[%dma_wait3A_119, %dma_wait3A_120] : memref<6144x1024xf32, #tpu.memory_space<hbm>> -> memref<6144x1024xf32, #tpu.memory_space<hbm>>
    tpu.wait_indirect_dma semaphore(%arg12 : memref<!tpu.dma_semaphore, #tpu.memory_space<semaphore_mem>>) src(%dma_wait3A_121 : memref<6144x1024xf32, #tpu.memory_space<hbm>>) dst(%arg9 : memref<16x1024xf32, #tpu.memory_space<vmem>>)
    %dma_wait3A_122 = arith.constant 48 : i32
    %dma_wait3A_123 = tpu.memref_slice %arg6[%dma_wait3A_122] : memref<64xi32, #tpu.memory_space<vmem>> -> memref<16xi32, #tpu.memory_space<vmem>>
    %dma_wait3A_124 = arith.constant 0 : i32
    %dma_wait3A_125 = arith.constant 0 : i32
    %dma_wait3A_126 = tpu.memref_slice %arg2[%dma_wait3A_124, %dma_wait3A_125] : memref<6144x1024xf32, #tpu.memory_space<hbm>> -> memref<6144x1024xf32, #tpu.memory_space<hbm>>
    tpu.wait_indirect_dma semaphore(%arg12 : memref<!tpu.dma_semaphore, #tpu.memory_space<semaphore_mem>>) src(%dma_wait3A_126 : memref<6144x1024xf32, #tpu.memory_space<hbm>>) dst(%arg10 : memref<16x1024xf32, #tpu.memory_space<vmem>>)
    %scan3A_127 = arith.constant 0 : i32
    %scan3A_128 = arith.constant 1024 : i32
    %scan3A_129 = arith.addi %scan3A_127, %scan3A_128 : i32
    %scan3A_130 = arith.constant 1 : i32
    scf.for %scan3A_150 = %scan3A_127 to %scan3A_129 step %scan3A_130  : i32 {
      %jit3A = arith.constant 64 : i32
      %div3A = arith.divsi %scan3A_150, %jit3A : i32
      %sign3A = arith.constant 0 : i32
      %sign3A_151 = arith.cmpi sgt, %scan3A_150, %sign3A : i32
      %sign3A_152 = arith.extui %sign3A_151 : i1 to i32
      %sign3A_153 = arith.constant 0 : i32
      %sign3A_154 = arith.cmpi slt, %scan3A_150, %sign3A_153 : i32
      %sign3A_155 = arith.extui %sign3A_154 : i1 to i32
      %sign3A_156 = arith.subi %sign3A_152, %sign3A_155 : i32
      %sign3A_157 = arith.constant 0 : i32
      %sign3A_158 = arith.cmpi sgt, %jit3A, %sign3A_157 : i32
      %sign3A_159 = arith.extui %sign3A_158 : i1 to i32
      %sign3A_160 = arith.constant 0 : i32
      %sign3A_161 = arith.cmpi slt, %jit3A, %sign3A_160 : i32
      %sign3A_162 = arith.extui %sign3A_161 : i1 to i32
      %sign3A_163 = arith.subi %sign3A_159, %sign3A_162 : i32
      %ne3A = arith.cmpi ne, %sign3A_156, %sign3A_163 : i32
      %rem3A = arith.remsi %scan3A_150, %jit3A : i32
      %ne3A_164 = arith.constant 0 : i32
      %ne3A_165 = arith.cmpi ne, %rem3A, %ne3A_164 : i32
      %and3A = arith.andi %ne3A, %ne3A_165 : i1
      %sub3A = arith.constant 1 : i32
      %sub3A_166 = arith.subi %div3A, %sub3A : i32
      %select_n3A = arith.select %and3A, %sub3A_166, %div3A : i32
      %jit3A_167 = arith.constant 64 : i32
      %eq3A = arith.constant 0 : i32
      %eq3A_168 = arith.cmpi eq, %jit3A_167, %eq3A : i32
      %jit3A_169 = arith.constant 1 : i32
      %select_n3A_170 = arith.select %eq3A_168, %jit3A_169, %jit3A_167 : i32
      %rem3A_171 = arith.remsi %scan3A_150, %select_n3A_170 : i32
      %ne3A_172 = arith.constant 0 : i32
      %ne3A_173 = arith.cmpi ne, %rem3A_171, %ne3A_172 : i32
      %lt3A = arith.constant 0 : i32
      %lt3A_174 = arith.cmpi slt, %rem3A_171, %lt3A : i32
      %lt3A_175 = arith.constant 0 : i32
      %lt3A_176 = arith.cmpi slt, %select_n3A_170, %lt3A_175 : i32
      %ne3A_177 = arith.xori %lt3A_174, %lt3A_176 : i1
      %and3A_178 = arith.andi %ne3A_177, %ne3A_173 : i1
      %add3A_179 = arith.addi %rem3A_171, %select_n3A_170 : i32
      %select_n3A_180 = arith.select %and3A_178, %add3A_179, %rem3A_171 : i32
      %mul3A_181 = arith.constant 16 : i32
      %mul3A_182 = arith.muli %select_n3A_180, %mul3A_181 : i32
      %get3A = arith.index_cast %select_n3A : i32 to index
      %get3A_183 = arith.index_cast %mul3A_182 : i32 to index
      %get3A_184 = tpu.vector_load %arg9[%get3A, %get3A_183] {strides = array<i32>} : memref<16x1024xf32, #tpu.memory_space<vmem>>, vector<16xf32>,
      %get3A_185 = arith.index_cast %select_n3A : i32 to index
      %get3A_186 = arith.index_cast %mul3A_182 : i32 to index
      %get3A_187 = tpu.vector_load %arg10[%get3A_185, %get3A_186] {strides = array<i32>} : memref<16x1024xf32, #tpu.memory_space<vmem>>, vector<16xf32>,
      %add3A_188 = arith.addf %get3A_184, %get3A_187 : vector<16xf32>
      %swap3A = arith.index_cast %select_n3A : i32 to index
      %swap3A_189 = arith.index_cast %mul3A_182 : i32 to index
      %swap3A_190 = tpu.vector_load %arg9[%swap3A, %swap3A_189] {strides = array<i32>} : memref<16x1024xf32, #tpu.memory_space<vmem>>, vector<16xf32>,
      tpu.vector_store %arg9[%swap3A, %swap3A_189], %add3A_188 {strides = array<i32>} : memref<16x1024xf32, #tpu.memory_space<vmem>>, vector<16xf32>,
    }
    %scan3A_131 = arith.constant 1024 : i32
    %add3A_132 = arith.constant 48 : i32
    %add3A_133 = arith.addi %mul3A_2, %add3A_132 : i32
    %dma_start3A_134 = arith.constant 0 : i32
    %dma_start3A_135 = tpu.memref_slice %arg4[%add3A_133, %dma_start3A_134] : memref<2048x1024xf32, #tpu.memory_space<hbm>> -> memref<16x1024xf32, #tpu.memory_space<hbm>>
    %dma_start3A_136 = arith.constant 0 : i32
    %dma_start3A_137 = tpu.memref_slice %arg4[%add3A_133, %dma_start3A_136] : memref<2048x1024xf32, #tpu.memory_space<hbm>> -> memref<16x1024xf32, #tpu.memory_space<hbm>>
    tpu.enqueue_dma source(%arg9 : memref<16x1024xf32, #tpu.memory_space<vmem>>) target(%dma_start3A_137 : memref<16x1024xf32, #tpu.memory_space<hbm>>) target_semaphore(%arg14 : memref<!tpu.dma_semaphore, #tpu.memory_space<semaphore_mem>>)
    %add3A_138 = arith.constant 32 : i32
    %add3A_139 = arith.addi %mul3A_2, %add3A_138 : i32
    %dma_wait3A_140 = arith.constant 0 : i32
    %dma_wait3A_141 = tpu.memref_slice %arg4[%add3A_139, %dma_wait3A_140] : memref<2048x1024xf32, #tpu.memory_space<hbm>> -> memref<16x1024xf32, #tpu.memory_space<hbm>>
    %dma_wait3A_142 = arith.constant 0 : i32
    %dma_wait3A_143 = tpu.memref_slice %arg4[%add3A_139, %dma_wait3A_142] : memref<2048x1024xf32, #tpu.memory_space<hbm>> -> memref<16x1024xf32, #tpu.memory_space<hbm>>
    tpu.wait_dma2 semaphore(%arg13 : memref<!tpu.dma_semaphore, #tpu.memory_space<semaphore_mem>>) src(%arg7 : memref<16x1024xf32, #tpu.memory_space<vmem>>) dst(%dma_wait3A_143 : memref<16x1024xf32, #tpu.memory_space<hbm>>)
    %add3A_144 = arith.constant 48 : i32
    %add3A_145 = arith.addi %mul3A_2, %add3A_144 : i32
    %dma_wait3A_146 = arith.constant 0 : i32
    %dma_wait3A_147 = tpu.memref_slice %arg4[%add3A_145, %dma_wait3A_146] : memref<2048x1024xf32, #tpu.memory_space<hbm>> -> memref<16x1024xf32, #tpu.memory_space<hbm>>
    %dma_wait3A_148 = arith.constant 0 : i32
    %dma_wait3A_149 = tpu.memref_slice %arg4[%add3A_145, %dma_wait3A_148] : memref<2048x1024xf32, #tpu.memory_space<hbm>> -> memref<16x1024xf32, #tpu.memory_space<hbm>>
    tpu.wait_dma2 semaphore(%arg14 : memref<!tpu.dma_semaphore, #tpu.memory_space<semaphore_mem>>) src(%arg9 : memref<16x1024xf32, #tpu.memory_space<vmem>>) dst(%dma_wait3A_149 : memref<16x1024xf32, #tpu.memory_space<hbm>>)
    return
  }
}

module attributes {stable_mosaic.version = 14 : i64} {
  func.func @_routing_body(%arg0: memref<2048x1024xf32, #tpu.memory_space<vmem>>, %arg1: memref<1024x8xf32, #tpu.memory_space<vmem>>, %arg2: memref<4096x1xi32, #tpu.memory_space<vmem>>, %arg3: memref<4096x1xf32, #tpu.memory_space<vmem>>, %arg4: memref<1x8xi32, #tpu.memory_space<vmem>>, %arg5: memref<1x8xi32, #tpu.memory_space<vmem>>) attributes {dimension_semantics = [], scalar_prefetch = 0 : i64, scratch_operands = 0 : i64, tpu.core_type = #tpu.core_type<tc>} {
    %get3A = arith.constant 0 : index
    %get3A_0 = arith.constant 0 : index
    %get3A_1 = vector.load %arg0[%get3A, %get3A_0] : memref<2048x1024xf32, #tpu.memory_space<vmem>>, vector<2048x1024xf32>
    %get3A_2 = arith.constant 0 : index
    %get3A_3 = arith.constant 0 : index
    %get3A_4 = vector.load %arg1[%get3A_2, %get3A_3] : memref<1024x8xf32, #tpu.memory_space<vmem>>, vector<1024x8xf32>
    %dot_general3A = arith.constant dense<0.000000e+00> : vector<2048x8xf32>
    %dot_general3A_5 = tpu.matmul %get3A_1, %get3A_4, %dot_general3A {dimension_numbers = #tpu.dot_dimension_numbers<[1], [0], [0], [1], [0, 0, 1, 1], [], []>, transpose_lhs_hint = false} : vector<2048x1024xf32>, vector<1024x8xf32>, vector<2048x8xf32> -> vector<2048x8xf32>
    %iota3A = tpu.iota {dimensions = array<i32: 1>} : vector<2048x8xi32>
    %reduce_max3A = arith.constant dense<0xFF800000> : vector<2048xf32>
    %reduce_max3A_6 = vector.multi_reduction <maximumf>, %dot_general3A_5, %reduce_max3A [1] : vector<2048x8xf32> to vector<2048xf32>
    %broadcast_in_dim3A = vector.shape_cast %reduce_max3A_6 : vector<2048xf32> to vector<2048x1xf32>
    %eq3A = vector.broadcast %broadcast_in_dim3A : vector<2048x1xf32> to vector<2048x8xf32>
    %eq3A_7 = arith.cmpf oeq, %dot_general3A_5, %eq3A : vector<2048x8xf32>
    %jit3A = arith.constant 8 : i32
    %broadcast_in_dim3A_8 = vector.broadcast %jit3A : i32 to vector<2048x8xi32>
    %select_n3A = arith.select %eq3A_7, %iota3A, %broadcast_in_dim3A_8 : vector<2048x8xi1>, vector<2048x8xi32>
    %reduce_min3A = arith.constant dense<2147483647> : vector<2048xi32>
    %reduce_min3A_9 = vector.multi_reduction <minsi>, %select_n3A, %reduce_min3A [1] : vector<2048x8xi32> to vector<2048xi32>
    %broadcast_in_dim3A_10 = vector.shape_cast %reduce_min3A_9 : vector<2048xi32> to vector<2048x1xi32>
    %eq3A_11 = vector.broadcast %broadcast_in_dim3A_10 : vector<2048x1xi32> to vector<2048x8xi32>
    %eq3A_12 = arith.cmpi eq, %iota3A, %eq3A_11 : vector<2048x8xi32>
    %jit3A_13 = arith.constant 0xFF800000 : f32
    %broadcast_in_dim3A_14 = vector.broadcast %jit3A_13 : f32 to vector<2048x8xf32>
    %select_n3A_15 = arith.select %eq3A_12, %broadcast_in_dim3A_14, %dot_general3A_5 : vector<2048x8xi1>, vector<2048x8xf32>
    %reduce_max3A_16 = arith.constant dense<0xFF800000> : vector<2048xf32>
    %reduce_max3A_17 = vector.multi_reduction <maximumf>, %select_n3A_15, %reduce_max3A_16 [1] : vector<2048x8xf32> to vector<2048xf32>
    %broadcast_in_dim3A_18 = vector.shape_cast %reduce_max3A_17 : vector<2048xf32> to vector<2048x1xf32>
    %eq3A_19 = vector.broadcast %broadcast_in_dim3A_18 : vector<2048x1xf32> to vector<2048x8xf32>
    %eq3A_20 = arith.cmpf oeq, %select_n3A_15, %eq3A_19 : vector<2048x8xf32>
    %jit3A_21 = arith.constant 8 : i32
    %broadcast_in_dim3A_22 = vector.broadcast %jit3A_21 : i32 to vector<2048x8xi32>
    %select_n3A_23 = arith.select %eq3A_20, %iota3A, %broadcast_in_dim3A_22 : vector<2048x8xi1>, vector<2048x8xi32>
    %reduce_min3A_24 = arith.constant dense<2147483647> : vector<2048xi32>
    %reduce_min3A_25 = vector.multi_reduction <minsi>, %select_n3A_23, %reduce_min3A_24 [1] : vector<2048x8xi32> to vector<2048xi32>
    %broadcast_in_dim3A_26 = vector.shape_cast %reduce_min3A_25 : vector<2048xi32> to vector<2048x1xi32>
    %sub3A = arith.subf %broadcast_in_dim3A_18, %broadcast_in_dim3A : vector<2048x1xf32>
    %exp3A = math.exp %sub3A : vector<2048x1xf32>
    %add3A = arith.constant 1.000000e+00 : f32
    %add3A_27 = vector.broadcast %add3A : f32 to vector<2048x1xf32>
    %add3A_28 = arith.addf %add3A_27, %exp3A : vector<2048x1xf32>
    %div3A = arith.constant 1.000000e+00 : f32
    %div3A_29 = vector.broadcast %div3A : f32 to vector<2048x1xf32>
    %div3A_30 = arith.divf %div3A_29, %add3A_28 : vector<2048x1xf32>
    %sub3A_31 = arith.constant 1.000000e+00 : f32
    %sub3A_32 = vector.broadcast %sub3A_31 : f32 to vector<2048x1xf32>
    %sub3A_33 = arith.subf %sub3A_32, %div3A_30 : vector<2048x1xf32>
    %concatenate3A = tpu.concatenate %broadcast_in_dim3A_10, %broadcast_in_dim3A_26 in 0 : vector<2048x1xi32>, vector<2048x1xi32> -> vector<4096x1xi32>
    %concatenate3A_34 = tpu.concatenate %div3A_30, %sub3A_33 in 0 : vector<2048x1xf32>, vector<2048x1xf32> -> vector<4096x1xf32>
    %iota3A_35 = tpu.iota {dimensions = array<i32: 1>} : vector<4096x8xi32>
    %eq3A_36 = vector.broadcast %concatenate3A : vector<4096x1xi32> to vector<4096x8xi32>
    %eq3A_37 = arith.cmpi eq, %iota3A_35, %eq3A_36 : vector<4096x8xi32>
    %convert_element_type3A = arith.extui %eq3A_37 : vector<4096x8xi1> to vector<4096x8xi32>
    %convert_element_type3A_38 = arith.sitofp %convert_element_type3A : vector<4096x8xi32> to vector<4096x8xf32>
    %iota3A_39 = tpu.iota {dimensions = array<i32: 0>} : vector<512x512xi32>
    %iota3A_40 = tpu.iota {dimensions = array<i32: 1>} : vector<512x512xi32>
    %gt3A = arith.cmpi sgt, %iota3A_39, %iota3A_40 : vector<512x512xi32>
    %convert_element_type3A_41 = arith.extui %gt3A : vector<512x512xi1> to vector<512x512xi32>
    %convert_element_type3A_42 = arith.sitofp %convert_element_type3A_41 : vector<512x512xi32> to vector<512x512xf32>
    %broadcast_in_dim3A_43 = arith.constant 0.000000e+00 : f32
    %broadcast_in_dim3A_44 = vector.broadcast %broadcast_in_dim3A_43 : f32 to vector<1x8xf32>
    %slice3A = vector.extract_strided_slice %convert_element_type3A_38 {offsets = [0, 0], sizes = [512, 8], strides = [1, 1]} : vector<4096x8xf32> to vector<512x8xf32>
    %dot_general3A_45 = arith.constant dense<0.000000e+00> : vector<512x8xf32>
    %dot_general3A_46 = tpu.matmul %convert_element_type3A_42, %slice3A, %dot_general3A_45 {dimension_numbers = #tpu.dot_dimension_numbers<[1], [0], [0], [1], [0, 0, 1, 1], [], []>, transpose_lhs_hint = false} : vector<512x512xf32>, vector<512x8xf32>, vector<512x8xf32> -> vector<512x8xf32>
    %add3A_47 = vector.broadcast %broadcast_in_dim3A_44 : vector<1x8xf32> to vector<512x8xf32>
    %add3A_48 = arith.addf %dot_general3A_46, %add3A_47 : vector<512x8xf32>
    %reduce_sum3A = arith.constant dense<0.000000e+00> : vector<8xf32>
    %reduce_sum3A_49 = vector.multi_reduction <add>, %slice3A, %reduce_sum3A [0] : vector<512x8xf32> to vector<8xf32>
    %broadcast_in_dim3A_50 = vector.shape_cast %reduce_sum3A_49 : vector<8xf32> to vector<1x8xf32>
    %add3A_51 = arith.addf %broadcast_in_dim3A_44, %broadcast_in_dim3A_50 : vector<1x8xf32>
    %slice3A_52 = vector.extract_strided_slice %convert_element_type3A_38 {offsets = [512, 0], sizes = [512, 8], strides = [1, 1]} : vector<4096x8xf32> to vector<512x8xf32>
    %dot_general3A_53 = arith.constant dense<0.000000e+00> : vector<512x8xf32>
    %dot_general3A_54 = tpu.matmul %convert_element_type3A_42, %slice3A_52, %dot_general3A_53 {dimension_numbers = #tpu.dot_dimension_numbers<[1], [0], [0], [1], [0, 0, 1, 1], [], []>, transpose_lhs_hint = false} : vector<512x512xf32>, vector<512x8xf32>, vector<512x8xf32> -> vector<512x8xf32>
    %add3A_55 = vector.broadcast %add3A_51 : vector<1x8xf32> to vector<512x8xf32>
    %add3A_56 = arith.addf %dot_general3A_54, %add3A_55 : vector<512x8xf32>
    %reduce_sum3A_57 = arith.constant dense<0.000000e+00> : vector<8xf32>
    %reduce_sum3A_58 = vector.multi_reduction <add>, %slice3A_52, %reduce_sum3A_57 [0] : vector<512x8xf32> to vector<8xf32>
    %broadcast_in_dim3A_59 = vector.shape_cast %reduce_sum3A_58 : vector<8xf32> to vector<1x8xf32>
    %add3A_60 = arith.addf %add3A_51, %broadcast_in_dim3A_59 : vector<1x8xf32>
    %slice3A_61 = vector.extract_strided_slice %convert_element_type3A_38 {offsets = [1024, 0], sizes = [512, 8], strides = [1, 1]} : vector<4096x8xf32> to vector<512x8xf32>
    %dot_general3A_62 = arith.constant dense<0.000000e+00> : vector<512x8xf32>
    %dot_general3A_63 = tpu.matmul %convert_element_type3A_42, %slice3A_61, %dot_general3A_62 {dimension_numbers = #tpu.dot_dimension_numbers<[1], [0], [0], [1], [0, 0, 1, 1], [], []>, transpose_lhs_hint = false} : vector<512x512xf32>, vector<512x8xf32>, vector<512x8xf32> -> vector<512x8xf32>
    %add3A_64 = vector.broadcast %add3A_60 : vector<1x8xf32> to vector<512x8xf32>
    %add3A_65 = arith.addf %dot_general3A_63, %add3A_64 : vector<512x8xf32>
    %reduce_sum3A_66 = arith.constant dense<0.000000e+00> : vector<8xf32>
    %reduce_sum3A_67 = vector.multi_reduction <add>, %slice3A_61, %reduce_sum3A_66 [0] : vector<512x8xf32> to vector<8xf32>
    %broadcast_in_dim3A_68 = vector.shape_cast %reduce_sum3A_67 : vector<8xf32> to vector<1x8xf32>
    %add3A_69 = arith.addf %add3A_60, %broadcast_in_dim3A_68 : vector<1x8xf32>
    %slice3A_70 = vector.extract_strided_slice %convert_element_type3A_38 {offsets = [1536, 0], sizes = [512, 8], strides = [1, 1]} : vector<4096x8xf32> to vector<512x8xf32>
    %dot_general3A_71 = arith.constant dense<0.000000e+00> : vector<512x8xf32>
    %dot_general3A_72 = tpu.matmul %convert_element_type3A_42, %slice3A_70, %dot_general3A_71 {dimension_numbers = #tpu.dot_dimension_numbers<[1], [0], [0], [1], [0, 0, 1, 1], [], []>, transpose_lhs_hint = false} : vector<512x512xf32>, vector<512x8xf32>, vector<512x8xf32> -> vector<512x8xf32>
    %add3A_73 = vector.broadcast %add3A_69 : vector<1x8xf32> to vector<512x8xf32>
    %add3A_74 = arith.addf %dot_general3A_72, %add3A_73 : vector<512x8xf32>
    %reduce_sum3A_75 = arith.constant dense<0.000000e+00> : vector<8xf32>
    %reduce_sum3A_76 = vector.multi_reduction <add>, %slice3A_70, %reduce_sum3A_75 [0] : vector<512x8xf32> to vector<8xf32>
    %broadcast_in_dim3A_77 = vector.shape_cast %reduce_sum3A_76 : vector<8xf32> to vector<1x8xf32>
    %add3A_78 = arith.addf %add3A_69, %broadcast_in_dim3A_77 : vector<1x8xf32>
    %slice3A_79 = vector.extract_strided_slice %convert_element_type3A_38 {offsets = [2048, 0], sizes = [512, 8], strides = [1, 1]} : vector<4096x8xf32> to vector<512x8xf32>
    %dot_general3A_80 = arith.constant dense<0.000000e+00> : vector<512x8xf32>
    %dot_general3A_81 = tpu.matmul %convert_element_type3A_42, %slice3A_79, %dot_general3A_80 {dimension_numbers = #tpu.dot_dimension_numbers<[1], [0], [0], [1], [0, 0, 1, 1], [], []>, transpose_lhs_hint = false} : vector<512x512xf32>, vector<512x8xf32>, vector<512x8xf32> -> vector<512x8xf32>
    %add3A_82 = vector.broadcast %add3A_78 : vector<1x8xf32> to vector<512x8xf32>
    %add3A_83 = arith.addf %dot_general3A_81, %add3A_82 : vector<512x8xf32>
    %reduce_sum3A_84 = arith.constant dense<0.000000e+00> : vector<8xf32>
    %reduce_sum3A_85 = vector.multi_reduction <add>, %slice3A_79, %reduce_sum3A_84 [0] : vector<512x8xf32> to vector<8xf32>
    %broadcast_in_dim3A_86 = vector.shape_cast %reduce_sum3A_85 : vector<8xf32> to vector<1x8xf32>
    %add3A_87 = arith.addf %add3A_78, %broadcast_in_dim3A_86 : vector<1x8xf32>
    %slice3A_88 = vector.extract_strided_slice %convert_element_type3A_38 {offsets = [2560, 0], sizes = [512, 8], strides = [1, 1]} : vector<4096x8xf32> to vector<512x8xf32>
    %dot_general3A_89 = arith.constant dense<0.000000e+00> : vector<512x8xf32>
    %dot_general3A_90 = tpu.matmul %convert_element_type3A_42, %slice3A_88, %dot_general3A_89 {dimension_numbers = #tpu.dot_dimension_numbers<[1], [0], [0], [1], [0, 0, 1, 1], [], []>, transpose_lhs_hint = false} : vector<512x512xf32>, vector<512x8xf32>, vector<512x8xf32> -> vector<512x8xf32>
    %add3A_91 = vector.broadcast %add3A_87 : vector<1x8xf32> to vector<512x8xf32>
    %add3A_92 = arith.addf %dot_general3A_90, %add3A_91 : vector<512x8xf32>
    %reduce_sum3A_93 = arith.constant dense<0.000000e+00> : vector<8xf32>
    %reduce_sum3A_94 = vector.multi_reduction <add>, %slice3A_88, %reduce_sum3A_93 [0] : vector<512x8xf32> to vector<8xf32>
    %broadcast_in_dim3A_95 = vector.shape_cast %reduce_sum3A_94 : vector<8xf32> to vector<1x8xf32>
    %add3A_96 = arith.addf %add3A_87, %broadcast_in_dim3A_95 : vector<1x8xf32>
    %slice3A_97 = vector.extract_strided_slice %convert_element_type3A_38 {offsets = [3072, 0], sizes = [512, 8], strides = [1, 1]} : vector<4096x8xf32> to vector<512x8xf32>
    %dot_general3A_98 = arith.constant dense<0.000000e+00> : vector<512x8xf32>
    %dot_general3A_99 = tpu.matmul %convert_element_type3A_42, %slice3A_97, %dot_general3A_98 {dimension_numbers = #tpu.dot_dimension_numbers<[1], [0], [0], [1], [0, 0, 1, 1], [], []>, transpose_lhs_hint = false} : vector<512x512xf32>, vector<512x8xf32>, vector<512x8xf32> -> vector<512x8xf32>
    %add3A_100 = vector.broadcast %add3A_96 : vector<1x8xf32> to vector<512x8xf32>
    %add3A_101 = arith.addf %dot_general3A_99, %add3A_100 : vector<512x8xf32>
    %reduce_sum3A_102 = arith.constant dense<0.000000e+00> : vector<8xf32>
    %reduce_sum3A_103 = vector.multi_reduction <add>, %slice3A_97, %reduce_sum3A_102 [0] : vector<512x8xf32> to vector<8xf32>
    %broadcast_in_dim3A_104 = vector.shape_cast %reduce_sum3A_103 : vector<8xf32> to vector<1x8xf32>
    %add3A_105 = arith.addf %add3A_96, %broadcast_in_dim3A_104 : vector<1x8xf32>
    %slice3A_106 = vector.extract_strided_slice %convert_element_type3A_38 {offsets = [3584, 0], sizes = [512, 8], strides = [1, 1]} : vector<4096x8xf32> to vector<512x8xf32>
    %dot_general3A_107 = arith.constant dense<0.000000e+00> : vector<512x8xf32>
    %dot_general3A_108 = tpu.matmul %convert_element_type3A_42, %slice3A_106, %dot_general3A_107 {dimension_numbers = #tpu.dot_dimension_numbers<[1], [0], [0], [1], [0, 0, 1, 1], [], []>, transpose_lhs_hint = false} : vector<512x512xf32>, vector<512x8xf32>, vector<512x8xf32> -> vector<512x8xf32>
    %add3A_109 = vector.broadcast %add3A_105 : vector<1x8xf32> to vector<512x8xf32>
    %add3A_110 = arith.addf %dot_general3A_108, %add3A_109 : vector<512x8xf32>
    %reduce_sum3A_111 = arith.constant dense<0.000000e+00> : vector<8xf32>
    %reduce_sum3A_112 = vector.multi_reduction <add>, %slice3A_106, %reduce_sum3A_111 [0] : vector<512x8xf32> to vector<8xf32>
    %broadcast_in_dim3A_113 = vector.shape_cast %reduce_sum3A_112 : vector<8xf32> to vector<1x8xf32>
    %add3A_114 = arith.addf %add3A_105, %broadcast_in_dim3A_113 : vector<1x8xf32>
    %concatenate3A_115 = tpu.concatenate %add3A_48, %add3A_56, %add3A_65, %add3A_74, %add3A_83, %add3A_92, %add3A_101, %add3A_110 in 0 : vector<512x8xf32>, vector<512x8xf32>, vector<512x8xf32>, vector<512x8xf32>, vector<512x8xf32>, vector<512x8xf32>, vector<512x8xf32>, vector<512x8xf32> -> vector<4096x8xf32>
    %div3A_116 = arith.constant 2.560000e+02 : f32
    %div3A_117 = vector.broadcast %div3A_116 : f32 to vector<1x8xf32>
    %div3A_118 = arith.divf %add3A_114, %div3A_117 : vector<1x8xf32>
    %ceil3A = math.ceil %div3A_118 : vector<1x8xf32>
    %mul3A = arith.constant 2.560000e+02 : f32
    %mul3A_119 = vector.broadcast %mul3A : f32 to vector<1x8xf32>
    %mul3A_120 = arith.mulf %ceil3A, %mul3A_119 : vector<1x8xf32>
    %iota3A_121 = tpu.iota {dimensions = array<i32: 0>} : vector<8x8xi32>
    %iota3A_122 = tpu.iota {dimensions = array<i32: 1>} : vector<8x8xi32>
    %lt3A = arith.cmpi slt, %iota3A_121, %iota3A_122 : vector<8x8xi32>
    %convert_element_type3A_123 = arith.extui %lt3A : vector<8x8xi1> to vector<8x8xi32>
    %convert_element_type3A_124 = arith.sitofp %convert_element_type3A_123 : vector<8x8xi32> to vector<8x8xf32>
    %dot_general3A_125 = arith.constant dense<0.000000e+00> : vector<1x8xf32>
    %dot_general3A_126 = tpu.matmul %mul3A_120, %convert_element_type3A_124, %dot_general3A_125 {dimension_numbers = #tpu.dot_dimension_numbers<[1], [0], [0], [1], [0, 0, 1, 1], [], []>, transpose_lhs_hint = false} : vector<1x8xf32>, vector<8x8xf32>, vector<1x8xf32> -> vector<1x8xf32>
    %add3A_127 = vector.broadcast %dot_general3A_126 : vector<1x8xf32> to vector<4096x8xf32>
    %add3A_128 = arith.addf %concatenate3A_115, %add3A_127 : vector<4096x8xf32>
    %mul3A_129 = arith.mulf %convert_element_type3A_38, %add3A_128 : vector<4096x8xf32>
    %reduce_sum3A_130 = arith.constant dense<0.000000e+00> : vector<4096xf32>
    %reduce_sum3A_131 = vector.multi_reduction <add>, %mul3A_129, %reduce_sum3A_130 [1] : vector<4096x8xf32> to vector<4096xf32>
    %broadcast_in_dim3A_132 = vector.shape_cast %reduce_sum3A_131 : vector<4096xf32> to vector<4096x1xf32>
    %convert_element_type3A_133 = arith.fptosi %broadcast_in_dim3A_132 : vector<4096x1xf32> to vector<4096x1xi32>
    %swap3A = arith.constant 0 : index
    %swap3A_134 = arith.constant 0 : index
    %swap3A_135 = vector.load %arg2[%swap3A, %swap3A_134] : memref<4096x1xi32, #tpu.memory_space<vmem>>, vector<4096x1xi32>
    tpu.vector_store %arg2[%swap3A, %swap3A_134], %convert_element_type3A_133 {strides = array<i32>} : memref<4096x1xi32, #tpu.memory_space<vmem>>, vector<4096x1xi32>,
    %swap3A_136 = arith.constant 0 : index
    %swap3A_137 = arith.constant 0 : index
    %swap3A_138 = vector.load %arg3[%swap3A_136, %swap3A_137] : memref<4096x1xf32, #tpu.memory_space<vmem>>, vector<4096x1xf32>
    tpu.vector_store %arg3[%swap3A_136, %swap3A_137], %concatenate3A_34 {strides = array<i32>} : memref<4096x1xf32, #tpu.memory_space<vmem>>, vector<4096x1xf32>,
    %convert_element_type3A_139 = arith.fptosi %dot_general3A_126 : vector<1x8xf32> to vector<1x8xi32>
    %swap3A_140 = arith.constant 0 : index
    %swap3A_141 = arith.constant 0 : index
    %swap3A_142 = vector.load %arg4[%swap3A_140, %swap3A_141] : memref<1x8xi32, #tpu.memory_space<vmem>>, vector<1x8xi32>
    tpu.vector_store %arg4[%swap3A_140, %swap3A_141], %convert_element_type3A_139 {strides = array<i32>} : memref<1x8xi32, #tpu.memory_space<vmem>>, vector<1x8xi32>,
    %div3A_143 = arith.constant 2.560000e+02 : f32
    %div3A_144 = vector.broadcast %div3A_143 : f32 to vector<1x8xf32>
    %div3A_145 = arith.divf %mul3A_120, %div3A_144 : vector<1x8xf32>
    %convert_element_type3A_146 = arith.fptosi %div3A_145 : vector<1x8xf32> to vector<1x8xi32>
    %swap3A_147 = arith.constant 0 : index
    %swap3A_148 = arith.constant 0 : index
    %swap3A_149 = vector.load %arg5[%swap3A_147, %swap3A_148] : memref<1x8xi32, #tpu.memory_space<vmem>>, vector<1x8xi32>
    tpu.vector_store %arg5[%swap3A_147, %swap3A_148], %convert_element_type3A_146 {strides = array<i32>} : memref<1x8xi32, #tpu.memory_space<vmem>>, vector<1x8xi32>,
    return
  }
}

module attributes {stable_mosaic.version = 14 : i64} {
  func.func @_mlp_body(%arg0: i32, %arg1: i32, %arg2: memref<8xi32, #tpu.memory_space<smem>>, %arg3: memref<8xi32, #tpu.memory_space<smem>>, %arg4: memref<6144x1024xf32, #tpu.memory_space<any>>, %arg5: memref<6144x1xf32, #tpu.memory_space<any>>, %arg6: memref<1x1024x1024xf32, #tpu.memory_space<vmem>>, %arg7: memref<1x1024x1024xf32, #tpu.memory_space<vmem>>, %arg8: memref<1x1024x1024xf32, #tpu.memory_space<vmem>>, %arg9: memref<6144x1024xf32, #tpu.memory_space<any>>, %arg10: memref<6144x1024xf32, #tpu.memory_space<vmem>>, %arg11: memref<6144x1xf32, #tpu.memory_space<vmem>>, %arg12: memref<2048x1024xf32, #tpu.memory_space<vmem>>, %arg13: memref<!tpu.dma_semaphore, #tpu.memory_space<semaphore_mem>>) attributes {dimension_semantics = [#tpu.dimension_semantics<arbitrary>, #tpu.dimension_semantics<arbitrary>], iteration_bounds = array<i64: 8, 4>, scalar_prefetch = 2 : i64, scratch_operands = 4 : i64, tpu.core_type = #tpu.core_type<tc>, window_params = [{}, {}, {transform_indices = @transform_2, window_bounds = array<i64: 1, 1024, 1024>}, {transform_indices = @transform_3, window_bounds = array<i64: 1, 1024, 1024>}, {transform_indices = @transform_4, window_bounds = array<i64: 1, 1024, 1024>}, {}]} {
    %eq3A = arith.constant 0 : i32
    %eq3A_0 = arith.cmpi eq, %arg1, %eq3A : i32
    %eq3A_1 = arith.constant 0 : i32
    %eq3A_2 = arith.cmpi eq, %arg0, %eq3A_1 : i32
    %and3A = arith.andi %eq3A_0, %eq3A_2 : i1
    %convert_element_type3A = arith.extui %and3A : i1 to i32
    %cond3A = arith.constant 0 : i32
    %cond3A_3 = arith.cmpi ne, %convert_element_type3A, %cond3A : i32
    scf.if %cond3A_3 {
      tpu.enqueue_dma source(%arg4 : memref<6144x1024xf32, #tpu.memory_space<any>>) target(%arg10 : memref<6144x1024xf32, #tpu.memory_space<vmem>>) target_semaphore(%arg13 : memref<!tpu.dma_semaphore, #tpu.memory_space<semaphore_mem>>)
      tpu.wait_dma2 semaphore(%arg13 : memref<!tpu.dma_semaphore, #tpu.memory_space<semaphore_mem>>) src(%arg4 : memref<6144x1024xf32, #tpu.memory_space<any>>) dst(%arg10 : memref<6144x1024xf32, #tpu.memory_space<vmem>>)
      tpu.enqueue_dma source(%arg5 : memref<6144x1xf32, #tpu.memory_space<any>>) target(%arg11 : memref<6144x1xf32, #tpu.memory_space<vmem>>) target_semaphore(%arg13 : memref<!tpu.dma_semaphore, #tpu.memory_space<semaphore_mem>>)
      tpu.wait_dma2 semaphore(%arg13 : memref<!tpu.dma_semaphore, #tpu.memory_space<semaphore_mem>>) src(%arg5 : memref<6144x1xf32, #tpu.memory_space<any>>) dst(%arg11 : memref<6144x1xf32, #tpu.memory_space<vmem>>)
    } else {
    }
    %get3A = arith.index_cast %arg0 : i32 to index
    %get3A_4 = memref.load %arg2[%get3A] : memref<8xi32, #tpu.memory_space<smem>>
    %get3A_5 = arith.index_cast %arg0 : i32 to index
    %get3A_6 = memref.load %arg3[%get3A_5] : memref<8xi32, #tpu.memory_space<smem>>
    %while3A = arith.constant 0 : i32
    %while3A_7 = arith.constant 0 : i32
    %while3A_8 = arith.subi %get3A_6, %while3A : i32
    %while3A_9 = arith.addi %while3A, %while3A_8 : i32
    %while3A_10 = arith.constant 1 : i32
    %while3A_11 = arith.divsi %while3A_8, %while3A_10 : i32
    %while3A_12 = arith.muli %while3A_11, %while3A_10 : i32
    %while3A_13 = arith.addi %while3A, %while3A_12 : i32
    %while3A_14 = arith.constant 1 : i32
    %while3A_15 = scf.for %while3A_18 = %while3A to %while3A_13 step %while3A_14 iter_args(%while3A_19 = %while3A_7) -> (i32)  : i32 {
      %mul3A = arith.constant 256 : i32
      %mul3A_20 = arith.muli %while3A_18, %mul3A : i32
      %multiple_of3A = tpu.assume_multiple %mul3A_20, 256 : i32
      %mul3A_21 = arith.constant 256 : i32
      %mul3A_22 = arith.muli %while3A_18, %mul3A_21 : i32
      %add3A = arith.addi %get3A_4, %mul3A_22 : i32
      %multiple_of3A_23 = tpu.assume_multiple %add3A, 256 : i32
      %get3A_24 = arith.index_cast %multiple_of3A_23 : i32 to index
      %get3A_25 = arith.constant 0 : index
      %get3A_26 = vector.load %arg10[%get3A_24, %get3A_25] : memref<6144x1024xf32, #tpu.memory_space<vmem>>, vector<256x1024xf32>
      %get3A_27 = arith.constant 0 : index
      %get3A_28 = arith.constant 0 : index
      %get3A_29 = arith.constant 0 : index
      %get3A_30 = vector.load %arg6[%get3A_27, %get3A_28, %get3A_29] : memref<1x1024x1024xf32, #tpu.memory_space<vmem>>, vector<1x1024x1024xf32>
      %get3A_31 = vector.shape_cast %get3A_30 : vector<1x1024x1024xf32> to vector<1024x1024xf32>
      %dot_general3A = arith.constant dense<0.000000e+00> : vector<256x1024xf32>
      %dot_general3A_32 = tpu.matmul %get3A_26, %get3A_31, %dot_general3A {dimension_numbers = #tpu.dot_dimension_numbers<[1], [1], [0], [0], [0, 0, 1, 0], [], []>, transpose_lhs_hint = false} : vector<256x1024xf32>, vector<1024x1024xf32>, vector<256x1024xf32> -> vector<256x1024xf32>
      %get3A_33 = arith.constant 0 : index
      %get3A_34 = arith.constant 0 : index
      %get3A_35 = arith.constant 0 : index
      %get3A_36 = vector.load %arg7[%get3A_33, %get3A_34, %get3A_35] : memref<1x1024x1024xf32, #tpu.memory_space<vmem>>, vector<1x1024x1024xf32>
      %get3A_37 = vector.shape_cast %get3A_36 : vector<1x1024x1024xf32> to vector<1024x1024xf32>
      %dot_general3A_38 = arith.constant dense<0.000000e+00> : vector<256x1024xf32>
      %dot_general3A_39 = tpu.matmul %get3A_26, %get3A_37, %dot_general3A_38 {dimension_numbers = #tpu.dot_dimension_numbers<[1], [1], [0], [0], [0, 0, 1, 0], [], []>, transpose_lhs_hint = false} : vector<256x1024xf32>, vector<1024x1024xf32>, vector<256x1024xf32> -> vector<256x1024xf32>
      %neg3A = arith.constant 0.000000e+00 : f32
      %neg3A_40 = vector.broadcast %neg3A : f32 to vector<256x1024xf32>
      %neg3A_41 = arith.subf %neg3A_40, %dot_general3A_32 : vector<256x1024xf32>
      %exp3A = math.exp %neg3A_41 : vector<256x1024xf32>
      %add3A_42 = arith.constant 1.000000e+00 : f32
      %add3A_43 = vector.broadcast %add3A_42 : f32 to vector<256x1024xf32>
      %add3A_44 = arith.addf %add3A_43, %exp3A : vector<256x1024xf32>
      %div3A = arith.constant 1.000000e+00 : f32
      %div3A_45 = vector.broadcast %div3A : f32 to vector<256x1024xf32>
      %div3A_46 = arith.divf %div3A_45, %add3A_44 : vector<256x1024xf32>
      %mul3A_47 = arith.mulf %dot_general3A_32, %div3A_46 : vector<256x1024xf32>
      %mul3A_48 = arith.mulf %mul3A_47, %dot_general3A_39 : vector<256x1024xf32>
      %get3A_49 = arith.index_cast %multiple_of3A_23 : i32 to index
      %get3A_50 = arith.constant 0 : index
      %get3A_51 = vector.load %arg11[%get3A_49, %get3A_50] : memref<6144x1xf32, #tpu.memory_space<vmem>>, vector<256x1xf32>
      %mul3A_52 = vector.broadcast %get3A_51 : vector<256x1xf32> to vector<256x1024xf32>
      %mul3A_53 = arith.mulf %mul3A_48, %mul3A_52 : vector<256x1024xf32>
      %get3A_54 = arith.constant 0 : index
      %get3A_55 = arith.constant 0 : index
      %get3A_56 = arith.constant 0 : index
      %get3A_57 = vector.load %arg8[%get3A_54, %get3A_55, %get3A_56] : memref<1x1024x1024xf32, #tpu.memory_space<vmem>>, vector<1x1024x1024xf32>
      %get3A_58 = vector.shape_cast %get3A_57 : vector<1x1024x1024xf32> to vector<1024x1024xf32>
      %dot_general3A_59 = arith.constant dense<0.000000e+00> : vector<256x1024xf32>
      %dot_general3A_60 = tpu.matmul %mul3A_53, %get3A_58, %dot_general3A_59 {dimension_numbers = #tpu.dot_dimension_numbers<[1], [1], [0], [0], [0, 0, 1, 0], [], []>, transpose_lhs_hint = false} : vector<256x1024xf32>, vector<1024x1024xf32>, vector<256x1024xf32> -> vector<256x1024xf32>
      %eq3A_61 = arith.constant 0 : i32
      %eq3A_62 = arith.cmpi eq, %arg1, %eq3A_61 : i32
      %convert_element_type3A_63 = arith.extui %eq3A_62 : i1 to i32
      %cond3A_64 = arith.constant 0 : i32
      %cond3A_65 = arith.cmpi ne, %convert_element_type3A_63, %cond3A_64 : i32
      scf.if %cond3A_65 {
        %swap3A = arith.index_cast %multiple_of3A : i32 to index
        %swap3A_76 = arith.constant 0 : index
        %swap3A_77 = vector.load %arg12[%swap3A, %swap3A_76] : memref<2048x1024xf32, #tpu.memory_space<vmem>>, vector<256x1024xf32>
        tpu.vector_store %arg12[%swap3A, %swap3A_76], %dot_general3A_60 {strides = array<i32>} : memref<2048x1024xf32, #tpu.memory_space<vmem>>, vector<256x1024xf32>,
      } else {
      }
      %gt3A = arith.constant 0 : i32
      %gt3A_66 = arith.cmpi sgt, %arg1, %gt3A : i32
      %convert_element_type3A_67 = arith.extui %gt3A_66 : i1 to i32
      %cond3A_68 = arith.constant 0 : i32
      %cond3A_69 = arith.cmpi ne, %convert_element_type3A_67, %cond3A_68 : i32
      scf.if %cond3A_69 {
        %get3A_76 = arith.index_cast %multiple_of3A : i32 to index
        %get3A_77 = arith.constant 0 : index
        %get3A_78 = vector.load %arg12[%get3A_76, %get3A_77] : memref<2048x1024xf32, #tpu.memory_space<vmem>>, vector<256x1024xf32>
        %add3A_79 = arith.addf %get3A_78, %dot_general3A_60 : vector<256x1024xf32>
        %swap3A = arith.index_cast %multiple_of3A : i32 to index
        %swap3A_80 = arith.constant 0 : index
        %swap3A_81 = vector.load %arg12[%swap3A, %swap3A_80] : memref<2048x1024xf32, #tpu.memory_space<vmem>>, vector<256x1024xf32>
        tpu.vector_store %arg12[%swap3A, %swap3A_80], %add3A_79 {strides = array<i32>} : memref<2048x1024xf32, #tpu.memory_space<vmem>>, vector<256x1024xf32>,
      } else {
      }
      %eq3A_70 = arith.constant 3 : i32
      %eq3A_71 = arith.cmpi eq, %arg1, %eq3A_70 : i32
      %convert_element_type3A_72 = arith.extui %eq3A_71 : i1 to i32
      %cond3A_73 = arith.constant 0 : i32
      %cond3A_74 = arith.cmpi ne, %convert_element_type3A_72, %cond3A_73 : i32
      scf.if %cond3A_74 {
        %dma_start3A = arith.constant 0 : i32
        %dma_start3A_76 = tpu.memref_slice %arg9[%multiple_of3A_23, %dma_start3A] : memref<6144x1024xf32, #tpu.memory_space<any>> -> memref<256x1024xf32, #tpu.memory_space<any>>
        %dma_start3A_77 = arith.constant 0 : i32
        %dma_start3A_78 = tpu.memref_slice %arg12[%multiple_of3A, %dma_start3A_77] : memref<2048x1024xf32, #tpu.memory_space<vmem>> -> memref<256x1024xf32, #tpu.memory_space<vmem>>
        tpu.enqueue_dma source(%dma_start3A_78 : memref<256x1024xf32, #tpu.memory_space<vmem>>) target(%dma_start3A_76 : memref<256x1024xf32, #tpu.memory_space<any>>) target_semaphore(%arg13 : memref<!tpu.dma_semaphore, #tpu.memory_space<semaphore_mem>>)
        %dma_wait3A = arith.constant 0 : i32
        %dma_wait3A_79 = tpu.memref_slice %arg9[%multiple_of3A_23, %dma_wait3A] : memref<6144x1024xf32, #tpu.memory_space<any>> -> memref<256x1024xf32, #tpu.memory_space<any>>
        %dma_wait3A_80 = arith.constant 0 : i32
        %dma_wait3A_81 = tpu.memref_slice %arg12[%multiple_of3A, %dma_wait3A_80] : memref<2048x1024xf32, #tpu.memory_space<vmem>> -> memref<256x1024xf32, #tpu.memory_space<vmem>>
        tpu.wait_dma2 semaphore(%arg13 : memref<!tpu.dma_semaphore, #tpu.memory_space<semaphore_mem>>) src(%dma_wait3A_81 : memref<256x1024xf32, #tpu.memory_space<vmem>>) dst(%dma_wait3A_79 : memref<256x1024xf32, #tpu.memory_space<any>>)
      } else {
      }
      %while3A_75 = arith.constant 0 : i32
      scf.yield %while3A_75 : i32
    }
    %while3A_16 = arith.constant 1 : i32
    %while3A_17 = scf.for %while3A_18 = %while3A_13 to %while3A_9 step %while3A_16 iter_args(%while3A_19 = %while3A_15) -> (i32)  : i32 {
      %mul3A = arith.constant 256 : i32
      %mul3A_20 = arith.muli %while3A_18, %mul3A : i32
      %multiple_of3A = tpu.assume_multiple %mul3A_20, 256 : i32
      %mul3A_21 = arith.constant 256 : i32
      %mul3A_22 = arith.muli %while3A_18, %mul3A_21 : i32
      %add3A = arith.addi %get3A_4, %mul3A_22 : i32
      %multiple_of3A_23 = tpu.assume_multiple %add3A, 256 : i32
      %get3A_24 = arith.index_cast %multiple_of3A_23 : i32 to index
      %get3A_25 = arith.constant 0 : index
      %get3A_26 = vector.load %arg10[%get3A_24, %get3A_25] : memref<6144x1024xf32, #tpu.memory_space<vmem>>, vector<256x1024xf32>
      %get3A_27 = arith.constant 0 : index
      %get3A_28 = arith.constant 0 : index
      %get3A_29 = arith.constant 0 : index
      %get3A_30 = vector.load %arg6[%get3A_27, %get3A_28, %get3A_29] : memref<1x1024x1024xf32, #tpu.memory_space<vmem>>, vector<1x1024x1024xf32>
      %get3A_31 = vector.shape_cast %get3A_30 : vector<1x1024x1024xf32> to vector<1024x1024xf32>
      %dot_general3A = arith.constant dense<0.000000e+00> : vector<256x1024xf32>
      %dot_general3A_32 = tpu.matmul %get3A_26, %get3A_31, %dot_general3A {dimension_numbers = #tpu.dot_dimension_numbers<[1], [1], [0], [0], [0, 0, 1, 0], [], []>, transpose_lhs_hint = false} : vector<256x1024xf32>, vector<1024x1024xf32>, vector<256x1024xf32> -> vector<256x1024xf32>
      %get3A_33 = arith.constant 0 : index
      %get3A_34 = arith.constant 0 : index
      %get3A_35 = arith.constant 0 : index
      %get3A_36 = vector.load %arg7[%get3A_33, %get3A_34, %get3A_35] : memref<1x1024x1024xf32, #tpu.memory_space<vmem>>, vector<1x1024x1024xf32>
      %get3A_37 = vector.shape_cast %get3A_36 : vector<1x1024x1024xf32> to vector<1024x1024xf32>
      %dot_general3A_38 = arith.constant dense<0.000000e+00> : vector<256x1024xf32>
      %dot_general3A_39 = tpu.matmul %get3A_26, %get3A_37, %dot_general3A_38 {dimension_numbers = #tpu.dot_dimension_numbers<[1], [1], [0], [0], [0, 0, 1, 0], [], []>, transpose_lhs_hint = false} : vector<256x1024xf32>, vector<1024x1024xf32>, vector<256x1024xf32> -> vector<256x1024xf32>
      %neg3A = arith.constant 0.000000e+00 : f32
      %neg3A_40 = vector.broadcast %neg3A : f32 to vector<256x1024xf32>
      %neg3A_41 = arith.subf %neg3A_40, %dot_general3A_32 : vector<256x1024xf32>
      %exp3A = math.exp %neg3A_41 : vector<256x1024xf32>
      %add3A_42 = arith.constant 1.000000e+00 : f32
      %add3A_43 = vector.broadcast %add3A_42 : f32 to vector<256x1024xf32>
      %add3A_44 = arith.addf %add3A_43, %exp3A : vector<256x1024xf32>
      %div3A = arith.constant 1.000000e+00 : f32
      %div3A_45 = vector.broadcast %div3A : f32 to vector<256x1024xf32>
      %div3A_46 = arith.divf %div3A_45, %add3A_44 : vector<256x1024xf32>
      %mul3A_47 = arith.mulf %dot_general3A_32, %div3A_46 : vector<256x1024xf32>
      %mul3A_48 = arith.mulf %mul3A_47, %dot_general3A_39 : vector<256x1024xf32>
      %get3A_49 = arith.index_cast %multiple_of3A_23 : i32 to index
      %get3A_50 = arith.constant 0 : index
      %get3A_51 = vector.load %arg11[%get3A_49, %get3A_50] : memref<6144x1xf32, #tpu.memory_space<vmem>>, vector<256x1xf32>
      %mul3A_52 = vector.broadcast %get3A_51 : vector<256x1xf32> to vector<256x1024xf32>
      %mul3A_53 = arith.mulf %mul3A_48, %mul3A_52 : vector<256x1024xf32>
      %get3A_54 = arith.constant 0 : index
      %get3A_55 = arith.constant 0 : index
      %get3A_56 = arith.constant 0 : index
      %get3A_57 = vector.load %arg8[%get3A_54, %get3A_55, %get3A_56] : memref<1x1024x1024xf32, #tpu.memory_space<vmem>>, vector<1x1024x1024xf32>
      %get3A_58 = vector.shape_cast %get3A_57 : vector<1x1024x1024xf32> to vector<1024x1024xf32>
      %dot_general3A_59 = arith.constant dense<0.000000e+00> : vector<256x1024xf32>
      %dot_general3A_60 = tpu.matmul %mul3A_53, %get3A_58, %dot_general3A_59 {dimension_numbers = #tpu.dot_dimension_numbers<[1], [1], [0], [0], [0, 0, 1, 0], [], []>, transpose_lhs_hint = false} : vector<256x1024xf32>, vector<1024x1024xf32>, vector<256x1024xf32> -> vector<256x1024xf32>
      %eq3A_61 = arith.constant 0 : i32
      %eq3A_62 = arith.cmpi eq, %arg1, %eq3A_61 : i32
      %convert_element_type3A_63 = arith.extui %eq3A_62 : i1 to i32
      %cond3A_64 = arith.constant 0 : i32
      %cond3A_65 = arith.cmpi ne, %convert_element_type3A_63, %cond3A_64 : i32
      scf.if %cond3A_65 {
        %swap3A = arith.index_cast %multiple_of3A : i32 to index
        %swap3A_76 = arith.constant 0 : index
        %swap3A_77 = vector.load %arg12[%swap3A, %swap3A_76] : memref<2048x1024xf32, #tpu.memory_space<vmem>>, vector<256x1024xf32>
        tpu.vector_store %arg12[%swap3A, %swap3A_76], %dot_general3A_60 {strides = array<i32>} : memref<2048x1024xf32, #tpu.memory_space<vmem>>, vector<256x1024xf32>,
      } else {
      }
      %gt3A = arith.constant 0 : i32
      %gt3A_66 = arith.cmpi sgt, %arg1, %gt3A : i32
      %convert_element_type3A_67 = arith.extui %gt3A_66 : i1 to i32
      %cond3A_68 = arith.constant 0 : i32
      %cond3A_69 = arith.cmpi ne, %convert_element_type3A_67, %cond3A_68 : i32
      scf.if %cond3A_69 {
        %get3A_76 = arith.index_cast %multiple_of3A : i32 to index
        %get3A_77 = arith.constant 0 : index
        %get3A_78 = vector.load %arg12[%get3A_76, %get3A_77] : memref<2048x1024xf32, #tpu.memory_space<vmem>>, vector<256x1024xf32>
        %add3A_79 = arith.addf %get3A_78, %dot_general3A_60 : vector<256x1024xf32>
        %swap3A = arith.index_cast %multiple_of3A : i32 to index
        %swap3A_80 = arith.constant 0 : index
        %swap3A_81 = vector.load %arg12[%swap3A, %swap3A_80] : memref<2048x1024xf32, #tpu.memory_space<vmem>>, vector<256x1024xf32>
        tpu.vector_store %arg12[%swap3A, %swap3A_80], %add3A_79 {strides = array<i32>} : memref<2048x1024xf32, #tpu.memory_space<vmem>>, vector<256x1024xf32>,
      } else {
      }
      %eq3A_70 = arith.constant 3 : i32
      %eq3A_71 = arith.cmpi eq, %arg1, %eq3A_70 : i32
      %convert_element_type3A_72 = arith.extui %eq3A_71 : i1 to i32
      %cond3A_73 = arith.constant 0 : i32
      %cond3A_74 = arith.cmpi ne, %convert_element_type3A_72, %cond3A_73 : i32
      scf.if %cond3A_74 {
        %dma_start3A = arith.constant 0 : i32
        %dma_start3A_76 = tpu.memref_slice %arg9[%multiple_of3A_23, %dma_start3A] : memref<6144x1024xf32, #tpu.memory_space<any>> -> memref<256x1024xf32, #tpu.memory_space<any>>
        %dma_start3A_77 = arith.constant 0 : i32
        %dma_start3A_78 = tpu.memref_slice %arg12[%multiple_of3A, %dma_start3A_77] : memref<2048x1024xf32, #tpu.memory_space<vmem>> -> memref<256x1024xf32, #tpu.memory_space<vmem>>
        tpu.enqueue_dma source(%dma_start3A_78 : memref<256x1024xf32, #tpu.memory_space<vmem>>) target(%dma_start3A_76 : memref<256x1024xf32, #tpu.memory_space<any>>) target_semaphore(%arg13 : memref<!tpu.dma_semaphore, #tpu.memory_space<semaphore_mem>>)
        %dma_wait3A = arith.constant 0 : i32
        %dma_wait3A_79 = tpu.memref_slice %arg9[%multiple_of3A_23, %dma_wait3A] : memref<6144x1024xf32, #tpu.memory_space<any>> -> memref<256x1024xf32, #tpu.memory_space<any>>
        %dma_wait3A_80 = arith.constant 0 : i32
        %dma_wait3A_81 = tpu.memref_slice %arg12[%multiple_of3A, %dma_wait3A_80] : memref<2048x1024xf32, #tpu.memory_space<vmem>> -> memref<256x1024xf32, #tpu.memory_space<vmem>>
        tpu.wait_dma2 semaphore(%arg13 : memref<!tpu.dma_semaphore, #tpu.memory_space<semaphore_mem>>) src(%dma_wait3A_81 : memref<256x1024xf32, #tpu.memory_space<vmem>>) dst(%dma_wait3A_79 : memref<256x1024xf32, #tpu.memory_space<any>>)
      } else {
      }
      %while3A_75 = arith.constant 0 : i32
      scf.yield %while3A_75 : i32
    }
    return
  }
  func.func @transform_2(%arg0: i32, %arg1: i32, %arg2: memref<8xi32, #tpu.memory_space<smem>>, %arg3: memref<8xi32, #tpu.memory_space<smem>>) -> (i32, i32, i32) {
    %c0_i32 = arith.constant 0 : i32
    %c0_i32_0 = arith.constant 0 : i32
    return %arg0, %arg1, %c0_i32 : i32, i32, i32
  }
  func.func @transform_3(%arg0: i32, %arg1: i32, %arg2: memref<8xi32, #tpu.memory_space<smem>>, %arg3: memref<8xi32, #tpu.memory_space<smem>>) -> (i32, i32, i32) {
    %add3A = arith.constant 4 : i32
    %add3A_0 = arith.addi %add3A, %arg1 : i32
    %c0_i32 = arith.constant 0 : i32
    %c0_i32_1 = arith.constant 0 : i32
    return %arg0, %add3A_0, %c0_i32 : i32, i32, i32
  }
  func.func @transform_4(%arg0: i32, %arg1: i32, %arg2: memref<8xi32, #tpu.memory_space<smem>>, %arg3: memref<8xi32, #tpu.memory_space<smem>>) -> (i32, i32, i32) {
    %c0_i32 = arith.constant 0 : i32
    %c0_i32_0 = arith.constant 0 : i32
    return %arg0, %c0_i32, %arg1 : i32, i32, i32
  }
}

</mosaic_0001>

<sc_bundles>
// kernel: kernel.10.cloned.1.call-start
scs
__scs_entry_jumppad:
0x0: {  	(pc) =	sbr.rel $0x88, $3  }
0x1: {  	(tag) =	ssettag $0x0;
	lr =	simm.s32 $0x1  }
0x2: {  	[smem:$0x3F9D] =	sst lr;
	_ =	strace $0xD0000000  }
0x3: {  	_ = 	snop  }
0x4: {  	_ = 	snop  }
0x5: {  	_ = 	snop  }
0x6: {  	_ = 	snop  }
0x7: {  	_ = 	snop  }
__scs_overlays_trampoline_lowered:
0x8: {  	[smem:$0x3FAC] =	sst s0  }
0x9: {  	[smem:$0x3FAD] =	sst s1  }
0xa: {  	[smem:$0x3FAE] =	sst s2  }
0xb: {  	[smem:$0x3FAF] =	sst s3  }
0xc: {  	[smem:$0x3FB0] =	sst s4  }
0xd: {  	[smem:$0x3FB1] =	sst s5  }
0xe: {  	[smem:$0x3FB2] =	sst s6  }
0xf: {  	[smem:$0x3FB3] =	sst s7  }
0x10: {  	[smem:$0x3FB4] =	sst s8  }
0x11: {  	[smem:$0x3FB5] =	sst s9;
	s0 =	simm.s32 @!p0 $0x0  }
0x12: {  	s1 =	sld [smem:$0x3F9B];
	s0 =	simm.s32 @p0 $0x1  }
0x13: {  	[smem:$0x3FB6] =	sst s0;
	s0 =	simm.s32 @!p1 $0x0  }
0x14: {  	s2 =	sld [smem:$0x3F9A];
	s0 =	simm.s32 @p1 $0x1  }
0x15: {  	[smem:$0x3FB7] =	sst s0;
	s0 =	simm.s32 @!p2 $0x0  }
0x16: {  	s3 =	sld [smem:$0x3FDB];
	s0 =	simm.s32 @p2 $0x1  }
0x17: {  	s4 =	simm.s32 $0x1BF5;
	[smem:$0x3FB9] =	sst s0  }
0x18: {  	s0 =	sld [smem:$0x3F9C];
	_ =	swait.ge [sflag:s4], $0x0  }
0x19: {  	s7 =	sld [smem:$0x3F9D]  }
0x1a: {  	s8 =	sadd.s32 $0xFFFFE003, lr  }
0x1b: {  	s9 =	sadd.s32 $0xFFFFFEF7, lr;
	s5 =	simm.s32 $0xFFFFFFFF;
	p2 =	slt.u32 s8, $0xFFFFF086  }
0x1c: {  	p1 =	slt.u32 s9, $0xF7A;
	s5 =	simm.s32 @!p2 $0x0  }
0x1d: {  	s5 =	simm.s32 @p1 $0x1;
	p0 =	seq.s32 s7, s2  }
0x1e: {  	s7 =	smul.u32 @!p0 $0xF7A, s2;
	p2 =	seq.s32 @!p0 s5, $0x0  }
0x1f: {  	s9 =	smul.u32 $0xF7A, s1;
	s8 =	simm.s32 @!p0 $0x1BF5;
	p2 =	por !p2, p0  }
0x20: {  	[sflag:s8] =	ssyncset.s32 @!p0 $0xFFFFF086;
	s6 =	sadd.s32 @!p0 s3, s7;
	s7 =	simm.s32 @!p0 $0x108  }
0x21: {  	s3 =	sadd.s32 s3, s9;
	s6 =	sadd.s32 @!p0 $0x88, s6;
	s7 =	simm.s32 @p2 $0x1082  }
0x22: {  	[simem:s7], [sflag:s8] =	dma.local @!p0 [hbm:s6], $0xF7A  }
0x23: {  	s9 =	sor.u32 $0xD0000000, s2;
	s6 =	simm.s32 $0x108;
	_ =	swait.ge @!p0 [sflag:s8], $0x0  }
0x24: {  	s3 =	sadd.s32 $0x88, s3;
	s6 =	simm.s32 @!p1 $0x1082;
	[sflag:s4] =	ssyncset.s32 $0xFFFFF086  }
0x25: {  	[simem:s6], [sflag:s4] =	dma.local [hbm:s3], $0xF7A  }
0x26: {  	[smem:$0x3F9D] =	sst s1;
	(tag) =	ssettag s2;
	_ =	strace s9  }
0x27: {  	s1 =	sld [smem:$0x3FAD]  }
0x28: {  	s2 =	sld [smem:$0x3FAE]  }
0x29: {  	s4 =	sld [smem:$0x3FB0]  }
0x2a: {  	p0 =	seq.s32 s5, $0x0;
	s5 =	sld [smem:$0x3FB1]  }
0x2b: {  	s6 =	sld [smem:$0x3FB2]  }
0x2c: {  	s7 =	sld [smem:$0x3FB3]  }
0x2d: {  	s3 =	simm.s32 $0x108;
	s8 =	sld [smem:$0x3FB4]  }
0x2e: {  	s3 =	simm.s32 @!p0 $0x1082;
	s9 =	sld [smem:$0x3FB5]  }
0x2f: {  	lr =	sadd.s32 s0, s3;
	s0 =	sld [smem:$0x3FAC]  }
0x30: {  	s3 =	sld [smem:$0x3FAF]  }
0x31: {  	[smem:$0x3FB8] =	sst s10  }
0x32: {  	s10 =	sld [smem:$0x3FB6];
	_ =	sdelay $0x3  }
0x33: {  	p0 =	seq.s32 s10, $0x1;
	s10 =	sld [smem:$0x3FB8];
	_ =	sdelay $0x3  }
0x34: {  	[smem:$0x3FB8] =	sst s10  }
0x35: {  	s10 =	sld [smem:$0x3FB7];
	_ =	sdelay $0x3  }
0x36: {  	p1 =	seq.s32 s10, $0x1;
	s10 =	sld [smem:$0x3FB8];
	_ =	sdelay $0x3  }
0x37: {  	[smem:$0x3FB8] =	sst s10  }
0x38: {  	s10 =	sld [smem:$0x3FB9]  }
0x39: {  	_ = 	snop;
	(pc) =	sbr.ind lr, $3  }
0x3a: {  	_ = 	snop  }
0x3b: {  	_ = 	snop  }
0x3c: {  	p2 =	seq.s32 s10, $0x1;
	s10 =	sld [smem:$0x3FB8]  }
0x3d: {  	_ =	shalt  }
0x3e: {  	_ =	shalt  }
0x3f: {  	_ =	shalt  }
0x40: {  	_ =	shalt  }
0x41: {  	_ =	shalt  }
0x42: {  	_ =	shalt  }
0x43: {  	_ =	shalt  }
0x44: {  	_ =	shalt  }
0x45: {  	_ =	shalt  }
0x46: {  	_ =	shalt  }
0x47: {  	_ =	shalt  }
0x48: {  	_ =	shalt  }
0x49: {  	_ =	shalt  }
0x4a: {  	_ =	shalt  }
0x4b: {  	_ =	shalt  }
0x4c: {  	_ =	shalt  }
0x4d: {  	_ =	shalt  }
0x4e: {  	_ =	shalt  }
0x4f: {  	_ =	shalt  }
0x50: {  	_ =	shalt  }
0x51: {  	_ =	shalt  }
0x52: {  	_ =	shalt  }
0x53: {  	_ =	shalt  }
0x54: {  	_ =	shalt  }
0x55: {  	_ =	shalt  }
0x56: {  	_ =	shalt  }
0x57: {  	_ =	shalt  }
0x58: {  	_ =	shalt  }
0x59: {  	_ =	shalt  }
0x5a: {  	_ =	shalt  }
0x5b: {  	_ =	shalt  }
0x5c: {  	_ =	shalt  }
0x5d: {  	_ =	shalt  }
0x5e: {  	_ =	shalt  }
0x5f: {  	_ =	shalt  }
0x60: {  	_ =	shalt  }
0x61: {  	_ =	shalt  }
0x62: {  	_ =	shalt  }
0x63: {  	_ =	shalt  }
0x64: {  	_ =	shalt  }
0x65: {  	_ =	shalt  }
0x66: {  	_ =	shalt  }
0x67: {  	_ =	shalt  }
0x68: {  	_ =	shalt  }
0x69: {  	_ =	shalt  }
0x6a: {  	_ =	shalt  }
0x6b: {  	_ =	shalt  }
0x6c: {  	_ =	shalt  }
0x6d: {  	_ =	shalt  }
0x6e: {  	_ =	shalt  }
0x6f: {  	_ =	shalt  }
0x70: {  	_ =	shalt  }
0x71: {  	_ =	shalt  }
0x72: {  	_ =	shalt  }
0x73: {  	_ =	shalt  }
0x74: {  	_ =	shalt  }
0x75: {  	_ =	shalt  }
0x76: {  	_ =	shalt  }
0x77: {  	_ =	shalt  }
0x78: {  	_ =	shalt  }
0x79: {  	_ =	shalt  }
0x7a: {  	_ =	shalt  }
0x7b: {  	_ =	shalt  }
0x7c: {  	_ =	shalt  }
0x7d: {  	_ =	shalt  }
0x7e: {  	_ =	shalt  }
0x7f: {  	_ =	shalt  }
0x80: {  	_ =	shalt  }
0x81: {  	_ =	shalt  }
0x82: {  	_ =	shalt  }
0x83: {  	_ =	shalt  }
0x84: {  	_ =	shalt  }
0x85: {  	_ =	shalt  }
0x86: {  	_ =	shalt  }
0x87: {  	_ =	shalt  }
.Lfunc_end0:
.L_simem_size_0:
called_computation.1_lowered:
.L_overlay_start_0:
0x88: {  	s2 =	sld [smem:$0x3FD9]  }
0x89: {  	s3 =	sld [smem:$0x3FFE];
	_ =	sdelay $0x1  }
0x8a: {  	s1 =	srdreg.scid  }
0x8b: {  	s0 =	sand.u32 $0x1, s1  }
0x8c: {  	s17 =	sshll.u32 s0, $0xA;
	s2 =	sadd.s32 s3, s2  }
0x8d: {  	s2 =	sadd.s32 s2, s17  }
0x8e: {  	[smem:$0x3FC4] =	sst s2  }
0x8f: {  	_ = 	snop  }
0x90: {  	s2 =	sld [smem:$0x3FC9];
	(tm) =	ssettm $0x1  }
0x91: {  	s18 =	sld [smem:$0x3FFB];
	_ =	sdelay $0x3  }
0x92: {  	_ =	strace s18  }
0x93: {  	s3 =	sld [smem:$0x3FFC];
	_ =	sdelay $0x3  }
0x94: {  	_ =	strace s3  }
0x95: {  	s3 =	sld [smem:$0x3FFD];
	_ =	sdelay $0x3  }
0x96: {  	_ =	strace s3  }
0x97: {  	_ =	strace $0x8FFFFFFF  }
0x98: {  	s19 =	sld [smem:$0x3FDB];
	_ =	sdelay $0x1  }
0x99: {  	s4 =	simm.s32 $_scs_section_size  }
0x9a: {  	s5 =	simm.s32 $_size__tile_overlayer_lowered;
	s6 =	simm.s32 $_tile_overlayer_lowered  }
0x9b: {  	s22 =	simm.s32 $0x1BFF;
	s21 =	sshll.u32 s6, $0x1;
	s3 =	sadd.s32 s4, s19  }
0x9c: {  	s7 =	simm.s32 $0x0;
	s20 =	sshll.u32 s5, $0x1;
	s5 =	sadd.s32 s21, s3  }
0x9d: {  	[timem:s7], [sflag:s22] =	dma.local [hbm:s5], s20  }
0x9e: {  	_ =	swait.ge [sflag:s22], s20  }
0x9f: {  	s4 =	ssub.s32 $0x0, s20;
	[sflag:s22] =	ssyncset.done $0x0  }
0xa0: {  	[sflag:s22] =	ssyncadd.s32 s4;
	_ =	sdelay $0x1  }
0xa1: {  	s23 =	simm.s32 $0x1B8B  }
0xa2: {  	_ =	swait.ge [sflag:s23], $0x1  }
0xa3: {  	[sflag:s23] =	ssyncset.done $0x0  }
0xa4: {  	s25 =	simm.s32 $0x1B8E;
	s24 =	sld [smem:$0x3FFE];
	[sflag:s23] =	ssyncadd.s32 $0xFFFFFFFF  }
0xa5: {  	s26 =	simm.s32 $execute0_lowered;
	[smem:$0x3FD2] =	sst s25  }
0xa6: {  	s5 =	sshll.u32 s26, $0x1;
	_ =	strace $0x80000049;
	[dreg:$0x1] =	wrdreg $0xFFFFFFFF  }
0xa7: {  	s28 =	simm.s32 $_size_execute0_lowered;
	s3 =	sadd.s32 s3, s5;
	[dreg:$0x0] =	wrdreg $0x0  }
0xa8: {  	s5 =	sshll.u32 s28, $0x1;
	[dreg:$0x2] =	wrdreg s3  }
0xa9: {  	[dreg:$0x3] =	wrdreg s5  }
0xaa: {  	[dreg:$0x4] =	wrdreg $0xC0  }
0xab: {  	_ =	task [dreg:s7], $0x5FFFF  }
0xac: {  	[dreg:$0x1] =	wrdreg $0xFFFFFFFF  }
0xad: {  	[dreg:$0x0] =	wrdreg $0x60  }
0xae: {  	[dreg:$0x2] =	wrdreg s2  }
0xaf: {  	[dreg:$0x3] =	wrdreg s24  }
0xb0: {  	[dreg:$0x4] =	wrdreg $0x9  }
0xb1: {  	_ =	task.clear_ibuf [dreg:s7], $0x5FFFF;
	_ =	strace $0x90000049  }
0xb2: {  	s29 =	simm.s32 $0x9;
	_ =	strace $0x8000004B  }
0xb3: {  	_ =	swait.ge [sflag:s29], $0x1  }
0xb4: {  	[sflag:s29] =	ssyncadd.s32 $0xFFFFFFFF  }
0xb5: {  	_ =	strace $0x9000004B  }
0xb6: {  	_ =	sfence  }
0xb7: {  	s30 =	sld [smem:$0x0];
	_ =	sdelay $0x2  }
0xb8: {  	s31 =	sshll.u32 s1, $0xD;
	s1 =	sshrl.u32 s1, $0x2  }
0xb9: {  	s3 =	sand.u32 $0x4000, s31;
	s1 =	sadd.s32 s1, s30  }
0xba: {  	s0 =	sor.u32 s3, s0;
	s1 =	sshll.u32 s1, $0x11  }
0xbb: {  	s0 =	sor.u32 s1, s0  }
0xbc: {  	s0 =	sadd.s32 $0x8F2B, s0  }
0xbd: {  	[sflag:s0] =	ssyncadd.remote.s32 $0x1  }
0xbe: {  	_ =	sfence.sel $0xFFFF  }
0xbf: {  	[dreg:$0x0] =	wrdreg $0xFFFFFFFF;
	(pc) =	sbr.abs _section_cstart, $3  }
0xc0: {  	[dreg:$0x1] =	wrdreg $0xFFFFFFFF  }
0xc1: {  	_ =	task.clear_ibuf [dreg:s7], $0x2FFFF;
	_ =	strace $0x9FFFFFFF  }
0xc2: {  	(tm) =	ssettm $0x7FFFFFFF  }
0xc3: {  	_ =	shalt  }
tec
execute0_lowered:
.L_overlay_start_1:
0x0: {  	(tag) =	ssettag $0x1  }
0x1: {  	s0 =	srdreg.scid  }
0x2: {  	s1 =	stileid.u32;
	s2 =	rddreg [dreg:$0x0]  }
0x3: {  	s4 =	rddreg [dreg:$0x1];
	s3 =	simm.s32 $0x0;
	s18 =	simm.s32 $0x900  }
0x4: {  	s19 =	simm.s32 $0x1100;
	s20 =	simm.s32 $0x1900;
	s21 =	simm.s32 $0x2100  }
0x5: {  	s22 =	simm.s32 $0x2900;
	s23 =	simm.s32 $0x3100;
	s24 =	simm.s32 $0x3900  }
0x6: {  	s25 =	simm.s32 $0x4100;
	s28 =	simm.s32 $0x5100;
	s29 =	simm.s32 $0x5900  }
0x7: {  	s30 =	simm.s32 $0x6100;
	s31 =	simm.s32 $0x6900;
	s12 =	simm.s32 $0x8900  }
0x8: {  	s11 =	simm.s32 $0xA100;
	s0 =	sand.u32 $0x1, s0;
	s1 =	sshll.u32 s1, $0x1  }
0x9: {  	s13 =	simm.s32 $0xA900;
	s14 =	simm.s32 $0xB100;
	s1 =	sor.u32 s0, s1  }
0xa: {  	s15 =	simm.s32 $0xB900;
	s16 =	simm.s32 $0xC100;
	s5 =	smul.u32 $0x18, s1  }
0xb: {  	[smem:$0x7FF] =	sst s3;
	s0 =	ssub.s32 $0x2, s0;
	s6 =	smul.u32 $0x6000, s1  }
0xc: {  	_ =	strace $0x8000004A;
	s1 =	smul.u32 $0x30000, s1;
	s7 =	sshrl.u32 s0, $0x1  }
0xd: {  	s0 =	ssub.s32 s0, s7;
	s7 =	sadd.s32 $0x300, s2;
	s5 =	sadd.s32 s5, s4  }
0xe: {  	s4 =	sadd.s32 $0x1C00, s4;
	s1 =	sshrl.u32 s1, $0x3;
	s5 =	sadd.s32 $0x1800, s5  }
0xf: {  	s10 =	smax.u32 s0, $0x1;
	s6 =	sadd.s32 s4, s6;
	[dreg:$0x3] =	wrdreg s5  }
0x10: {  	s1 =	sadd.s32 s4, s1;
	[dreg:$0x7] =	wrdreg s6;
	s26 =	sadd.s32 $0x1800, s6  }
0x11: {  	v2 =	vlaneseq.u32;
	s4 =	sadd.s32 $0x3000, s1;
	s5 =	sadd.s32 $0x100, s2;
	[dreg:$0x4] =	wrdreg s26  }
0x12: {  	vm0 =	vmmov $0xffff;
	v1 =	vshrl.u32 v2, $0x3;
	s1 =	sadd.s32 $0x4800, s1;
	s6 =	sadd.s32 $0x200, s2;
	[dreg:$0x5] =	wrdreg s4  }
0x13: {  	v0 =	vand.u32 $0x7, v2;
	v2 =	vor.u32 $0x8, v2;
	v1 =	vmul.u32 $0x8, v1;
	[dreg:$0x6] =	wrdreg s1;
	s26 =	simm.s32 $0x4900;
	s1 =	simm.s32 $0x3  }
.LBB2_1:
0x14: {  	s17 =	rddreg [dreg:$0x3];
	s0 =	simm.s32 $0x5  }
0x15: {  	[tilespmem:s3], [sflag:$0x5] =	stream.linear.gather [hbm4b:s17+s3], $0xC0, $0x38;
	[tilespmem:$0x18100] =	vst v63  }
0x16: {  	_ =	swait.ge [sflag:s0], $0xC0  }
0x17: {  	[sflag:s0] =	ssyncset.done $0x0  }
0x18: {  	[sflag:s0] =	ssyncadd.s32 $0xFFFFFF40  }
0x19: {  	v3 =	vld [tilespmem:$0x0];
	_ =	sdelay $0x4  }
0x1a: {  	v4 =	vshll.u32 v3, $0x3  }
0x1b: {  	v3 =	vand.u32 $0x7, v3;
	v4 =	vand.u32 $0xFFFFFFC0, v4  }
0x1c: {  	v3 =	vor.u32 v3, v4  }
0x1d: {  	v4 =	vperm.xlane v3, v0;
	_ =	sdelay $0x1  }
0x1e: {  	v4 =	vadd.s32 v1, v4;
	_ =	sdelay $0x3  }
0x1f: {  	s4 =	simm.s32 $0x100  }
0x20: {  	[tilespmem:s4], [sflag:$0x1] =	stream.indirect_vreg.gather [hbm4b:s2+s3], $0x80, v4, vm0, $0xb8;
	[tilespmem:$0x18100] =	vst v63  }
0x21: {  	v3 =	vperm.xlane v3, v2  }
0x22: {  	[tilespmem:s18], [sflag:$0x1] =	stream.indirect_vreg.gather [hbm4b:s5+s3], $0x80, v4, vm0, $0xb8;
	[tilespmem:$0x18100] =	vst v63  }
0x23: {  	v3 =	vadd.s32 v1, v3  }
0x24: {  	[tilespmem:s19], [sflag:$0x1] =	stream.indirect_vreg.gather [hbm4b:s6+s3], $0x80, v4, vm0, $0xb8;
	[tilespmem:$0x18100] =	vst v63  }
0x25: {  	_ = 	snop  }
0x26: {  	[tilespmem:s20], [sflag:$0x1] =	stream.indirect_vreg.gather [hbm4b:s7+s3], $0x80, v4, vm0, $0xb8;
	[tilespmem:$0x18100] =	vst v63  }
0x27: {  	_ = 	snop  }
0x28: {  	[tilespmem:s21], [sflag:$0x1] =	stream.indirect_vreg.gather [hbm4b:s2+s3], $0x80, v3, vm0, $0xb8;
	[tilespmem:$0x18100] =	vst v63  }
0x29: {  	_ = 	snop  }
0x2a: {  	[tilespmem:s22], [sflag:$0x1] =	stream.indirect_vreg.gather [hbm4b:s5+s3], $0x80, v3, vm0, $0xb8;
	[tilespmem:$0x18100] =	vst v63  }
0x2b: {  	_ = 	snop  }
0x2c: {  	[tilespmem:s23], [sflag:$0x1] =	stream.indirect_vreg.gather [hbm4b:s6+s3], $0x80, v3, vm0, $0xb8;
	[tilespmem:$0x18100] =	vst v63  }
0x2d: {  	_ = 	snop  }
0x2e: {  	[tilespmem:s24], [sflag:$0x1] =	stream.indirect_vreg.gather [hbm4b:s7+s3], $0x80, v3, vm0, $0xb8;
	[tilespmem:$0x18100] =	vst v63  }
0x2f: {  	v3 =	vld [tilespmem:$0x10];
	_ =	sdelay $0x4  }
0x30: {  	v53 =	vshll.u32 v3, $0x3  }
0x31: {  	v3 =	vand.u32 $0x7, v3;
	v4 =	vand.u32 $0xFFFFFFC0, v53  }
0x32: {  	v3 =	vor.u32 v3, v4  }
0x33: {  	v4 =	vperm.xlane v3, v0;
	_ =	sdelay $0x1  }
0x34: {  	v4 =	vadd.s32 v1, v4;
	_ =	sdelay $0x4  }
0x35: {  	[tilespmem:s25], [sflag:$0x1] =	stream.indirect_vreg.gather [hbm4b:s2+s3], $0x80, v4, vm0, $0xb8;
	[tilespmem:$0x18100] =	vst v63  }
0x36: {  	v3 =	vperm.xlane v3, v2  }
0x37: {  	[tilespmem:s26], [sflag:$0x1] =	stream.indirect_vreg.gather [hbm4b:s5+s3], $0x80, v4, vm0, $0xb8;
	[tilespmem:$0x18100] =	vst v63  }
0x38: {  	v3 =	vadd.s32 v1, v3  }
0x39: {  	[tilespmem:s28], [sflag:$0x1] =	stream.indirect_vreg.gather [hbm4b:s6+s3], $0x80, v4, vm0, $0xb8;
	[tilespmem:$0x18100] =	vst v63  }
0x3a: {  	_ = 	snop  }
0x3b: {  	[tilespmem:s29], [sflag:$0x1] =	stream.indirect_vreg.gather [hbm4b:s7+s3], $0x80, v4, vm0, $0xb8;
	[tilespmem:$0x18100] =	vst v63  }
0x3c: {  	_ = 	snop  }
0x3d: {  	[tilespmem:s30], [sflag:$0x1] =	stream.indirect_vreg.gather [hbm4b:s2+s3], $0x80, v3, vm0, $0xb8;
	[tilespmem:$0x18100] =	vst v63  }
0x3e: {  	_ = 	snop  }
0x3f: {  	[tilespmem:s31], [sflag:$0x1] =	stream.indirect_vreg.gather [hbm4b:s5+s3], $0x80, v3, vm0, $0xb8;
	[tilespmem:$0x18100] =	vst v63  }
0x40: {  	s8 =	simm.s32 $0x7100  }
0x41: {  	[tilespmem:s8], [sflag:$0x1] =	stream.indirect_vreg.gather [hbm4b:s6+s3], $0x80, v3, vm0, $0xb8;
	[tilespmem:$0x18100] =	vst v63  }
0x42: {  	s9 =	simm.s32 $0x7900  }
0x43: {  	[tilespmem:s9], [sflag:$0x1] =	stream.indirect_vreg.gather [hbm4b:s7+s3], $0x80, v3, vm0, $0xb8;
	[tilespmem:$0x18100] =	vst v63  }
0x44: {  	v3 =	vld [tilespmem:$0x20];
	_ =	sdelay $0x4  }
0x45: {  	v54 =	vshll.u32 v3, $0x3  }
0x46: {  	v3 =	vand.u32 $0x7, v3;
	v4 =	vand.u32 $0xFFFFFFC0, v54  }
0x47: {  	v3 =	vor.u32 v3, v4  }
0x48: {  	v4 =	vperm.xlane v3, v0;
	_ =	sdelay $0x1  }
0x49: {  	v4 =	vadd.s32 v1, v4;
	_ =	sdelay $0x3  }
0x4a: {  	s4 =	simm.s32 $0x8100  }
0x4b: {  	[tilespmem:s4], [sflag:$0x1] =	stream.indirect_vreg.gather [hbm4b:s2+s3], $0x80, v4, vm0, $0xb8;
	[tilespmem:$0x18100] =	vst v63  }
0x4c: {  	v3 =	vperm.xlane v3, v2  }
0x4d: {  	[tilespmem:s12], [sflag:$0x1] =	stream.indirect_vreg.gather [hbm4b:s5+s3], $0x80, v4, vm0, $0xb8;
	[tilespmem:$0x18100] =	vst v63  }
0x4e: {  	s9 =	simm.s32 $0x9100;
	v3 =	vadd.s32 v1, v3  }
0x4f: {  	[tilespmem:s9], [sflag:$0x1] =	stream.indirect_vreg.gather [hbm4b:s6+s3], $0x80, v4, vm0, $0xb8;
	[tilespmem:$0x18100] =	vst v63  }
0x50: {  	s17 =	simm.s32 $0x9900  }
0x51: {  	[tilespmem:s17], [sflag:$0x1] =	stream.indirect_vreg.gather [hbm4b:s7+s3], $0x80, v4, vm0, $0xb8;
	[tilespmem:$0x18100] =	vst v63  }
0x52: {  	_ = 	snop  }
0x53: {  	[tilespmem:s11], [sflag:$0x1] =	stream.indirect_vreg.gather [hbm4b:s2+s3], $0x80, v3, vm0, $0xb8;
	[tilespmem:$0x18100] =	vst v63  }
0x54: {  	_ = 	snop  }
0x55: {  	[tilespmem:s13], [sflag:$0x1] =	stream.indirect_vreg.gather [hbm4b:s5+s3], $0x80, v3, vm0, $0xb8;
	[tilespmem:$0x18100] =	vst v63  }
0x56: {  	_ = 	snop  }
0x57: {  	[tilespmem:s14], [sflag:$0x1] =	stream.indirect_vreg.gather [hbm4b:s6+s3], $0x80, v3, vm0, $0xb8;
	[tilespmem:$0x18100] =	vst v63  }
0x58: {  	_ = 	snop  }
0x59: {  	[tilespmem:s15], [sflag:$0x1] =	stream.indirect_vreg.gather [hbm4b:s7+s3], $0x80, v3, vm0, $0xb8;
	[tilespmem:$0x18100] =	vst v63  }
0x5a: {  	v3 =	vld [tilespmem:$0x30];
	_ =	sdelay $0x4  }
0x5b: {  	v55 =	vshll.u32 v3, $0x3  }
0x5c: {  	v3 =	vand.u32 $0x7, v3;
	v4 =	vand.u32 $0xFFFFFFC0, v55  }
0x5d: {  	v3 =	vor.u32 v3, v4  }
0x5e: {  	v4 =	vperm.xlane v3, v0;
	_ =	sdelay $0x1  }
0x5f: {  	v4 =	vadd.s32 v1, v4;
	_ =	sdelay $0x4  }
0x60: {  	[tilespmem:s16], [sflag:$0x2] =	stream.indirect_vreg.gather [hbm4b:s2+s3], $0x80, v4, vm0, $0xb8;
	[tilespmem:$0x18100] =	vst v63  }
0x61: {  	s8 =	simm.s32 $0xC900;
	v3 =	vperm.xlane v3, v2  }
0x62: {  	[tilespmem:s8], [sflag:$0x2] =	stream.indirect_vreg.gather [hbm4b:s5+s3], $0x80, v4, vm0, $0xb8;
	[tilespmem:$0x18100] =	vst v63  }
0x63: {  	s17 =	simm.s32 $0xD100;
	v3 =	vadd.s32 v1, v3  }
0x64: {  	[tilespmem:s17], [sflag:$0x2] =	stream.indirect_vreg.gather [hbm4b:s6+s3], $0x80, v4, vm0, $0xb8;
	[tilespmem:$0x18100] =	vst v63  }
0x65: {  	s8 =	simm.s32 $0xD900  }
0x66: {  	[tilespmem:s8], [sflag:$0x2] =	stream.indirect_vreg.gather [hbm4b:s7+s3], $0x80, v4, vm0, $0xb8;
	[tilespmem:$0x18100] =	vst v63  }
0x67: {  	s17 =	simm.s32 $0xE100  }
0x68: {  	[tilespmem:s17], [sflag:$0x2] =	stream.indirect_vreg.gather [hbm4b:s2+s3], $0x80, v3, vm0, $0xb8;
	[tilespmem:$0x18100] =	vst v63  }
0x69: {  	s8 =	simm.s32 $0xE900  }
0x6a: {  	[tilespmem:s8], [sflag:$0x2] =	stream.indirect_vreg.gather [hbm4b:s5+s3], $0x80, v3, vm0, $0xb8;
	[tilespmem:$0x18100] =	vst v63  }
0x6b: {  	s17 =	simm.s32 $0xF100  }
0x6c: {  	[tilespmem:s17], [sflag:$0x2] =	stream.indirect_vreg.gather [hbm4b:s6+s3], $0x80, v3, vm0, $0xb8;
	[tilespmem:$0x18100] =	vst v63  }
0x6d: {  	s8 =	simm.s32 $0xF900  }
0x6e: {  	[tilespmem:s8], [sflag:$0x2] =	stream.indirect_vreg.gather [hbm4b:s7+s3], $0x80, v3, vm0, $0xb8;
	[tilespmem:$0x18100] =	vst v63  }
0x6f: {  	v3 =	vld [tilespmem:$0x40];
	_ =	sdelay $0x4  }
0x70: {  	v56 =	vshll.u32 v3, $0x3  }
0x71: {  	v3 =	vand.u32 $0x7, v3;
	v4 =	vand.u32 $0xFFFFFFC0, v56  }
0x72: {  	v3 =	vor.u32 v3, v4  }
0x73: {  	v4 =	vperm.xlane v3, v0;
	_ =	sdelay $0x1  }
0x74: {  	v4 =	vadd.s32 v1, v4;
	_ =	sdelay $0x3  }
0x75: {  	s17 =	simm.s32 $0x10100  }
0x76: {  	[tilespmem:s17], [sflag:$0x2] =	stream.indirect_vreg.gather [hbm4b:s2+s3], $0x80, v4, vm0, $0xb8;
	[tilespmem:$0x18100] =	vst v63  }
0x77: {  	s8 =	simm.s32 $0x10900;
	v3 =	vperm.xlane v3, v2  }
0x78: {  	[tilespmem:s8], [sflag:$0x2] =	stream.indirect_vreg.gather [hbm4b:s5+s3], $0x80, v4, vm0, $0xb8;
	[tilespmem:$0x18100] =	vst v63  }
0x79: {  	v3 =	vadd.s32 v1, v3;
	s17 =	simm.s32 $0x11100  }
0x7a: {  	[tilespmem:s17], [sflag:$0x2] =	stream.indirect_vreg.gather [hbm4b:s6+s3], $0x80, v4, vm0, $0xb8;
	[tilespmem:$0x18100] =	vst v63  }
0x7b: {  	s8 =	simm.s32 $0x11900  }
0x7c: {  	[tilespmem:s8], [sflag:$0x2] =	stream.indirect_vreg.gather [hbm4b:s7+s3], $0x80, v4, vm0, $0xb8;
	[tilespmem:$0x18100] =	vst v63  }
0x7d: {  	s17 =	simm.s32 $0x12100  }
0x7e: {  	[tilespmem:s17], [sflag:$0x2] =	stream.indirect_vreg.gather [hbm4b:s2+s3], $0x80, v3, vm0, $0xb8;
	[tilespmem:$0x18100] =	vst v63  }
0x7f: {  	s8 =	simm.s32 $0x12900  }
0x80: {  	[tilespmem:s8], [sflag:$0x2] =	stream.indirect_vreg.gather [hbm4b:s5+s3], $0x80, v3, vm0, $0xb8;
	[tilespmem:$0x18100] =	vst v63  }
0x81: {  	s17 =	simm.s32 $0x13100  }
0x82: {  	[tilespmem:s17], [sflag:$0x2] =	stream.indirect_vreg.gather [hbm4b:s6+s3], $0x80, v3, vm0, $0xb8;
	[tilespmem:$0x18100] =	vst v63  }
0x83: {  	s8 =	simm.s32 $0x13900  }
0x84: {  	[tilespmem:s8], [sflag:$0x2] =	stream.indirect_vreg.gather [hbm4b:s7+s3], $0x80, v3, vm0, $0xb8;
	[tilespmem:$0x18100] =	vst v63  }
0x85: {  	v3 =	vld [tilespmem:$0x50];
	_ =	sdelay $0x4  }
0x86: {  	v57 =	vshll.u32 v3, $0x3  }
0x87: {  	v3 =	vand.u32 $0x7, v3;
	v4 =	vand.u32 $0xFFFFFFC0, v57  }
0x88: {  	v3 =	vor.u32 v3, v4  }
0x89: {  	v4 =	vperm.xlane v3, v0;
	_ =	sdelay $0x1  }
0x8a: {  	v4 =	vadd.s32 v1, v4;
	_ =	sdelay $0x3  }
0x8b: {  	s17 =	simm.s32 $0x14100  }
0x8c: {  	[tilespmem:s17], [sflag:$0x2] =	stream.indirect_vreg.gather [hbm4b:s2+s3], $0x80, v4, vm0, $0xb8;
	[tilespmem:$0x18100] =	vst v63  }
0x8d: {  	s8 =	simm.s32 $0x14900;
	v3 =	vperm.xlane v3, v2  }
0x8e: {  	[tilespmem:s8], [sflag:$0x2] =	stream.indirect_vreg.gather [hbm4b:s5+s3], $0x80, v4, vm0, $0xb8;
	[tilespmem:$0x18100] =	vst v63  }
0x8f: {  	v3 =	vadd.s32 v1, v3;
	s17 =	simm.s32 $0x15100  }
0x90: {  	[tilespmem:s17], [sflag:$0x2] =	stream.indirect_vreg.gather [hbm4b:s6+s3], $0x80, v4, vm0, $0xb8;
	[tilespmem:$0x18100] =	vst v63  }
0x91: {  	s8 =	simm.s32 $0x15900  }
0x92: {  	[tilespmem:s8], [sflag:$0x2] =	stream.indirect_vreg.gather [hbm4b:s7+s3], $0x80, v4, vm0, $0xb8;
	[tilespmem:$0x18100] =	vst v63  }
0x93: {  	s17 =	simm.s32 $0x16100  }
0x94: {  	[tilespmem:s17], [sflag:$0x2] =	stream.indirect_vreg.gather [hbm4b:s2+s3], $0x80, v3, vm0, $0xb8;
	[tilespmem:$0x18100] =	vst v63  }
0x95: {  	s8 =	simm.s32 $0x16900  }
0x96: {  	[tilespmem:s8], [sflag:$0x2] =	stream.indirect_vreg.gather [hbm4b:s5+s3], $0x80, v3, vm0, $0xb8;
	[tilespmem:$0x18100] =	vst v63  }
0x97: {  	s17 =	simm.s32 $0x17100  }
0x98: {  	[tilespmem:s17], [sflag:$0x2] =	stream.indirect_vreg.gather [hbm4b:s6+s3], $0x80, v3, vm0, $0xb8;
	[tilespmem:$0x18100] =	vst v63  }
0x99: {  	s0 =	simm.s32 $0x1;
	s8 =	simm.s32 $0x17900  }
0x9a: {  	[tilespmem:s8], [sflag:$0x2] =	stream.indirect_vreg.gather [hbm4b:s7+s3], $0x80, v3, vm0, $0xb8;
	[tilespmem:$0x18100] =	vst v63  }
0x9b: {  	_ =	swait.ge [sflag:s0], $0xC000  }
0x9c: {  	[sflag:s0] =	ssyncset.done $0x0  }
0x9d: {  	s8 =	simm.s32 $0x100;
	s17 =	rddreg [dreg:$0x7];
	[sflag:s0] =	ssyncadd.s32 $0xFFFF4000  }
0x9e: {  	[hbm4b:s17+s3] =	stream.linear.scatter [tilespmem:s8], [sflag:$0x3], $0xC000, $0x38;
	[tilespmem:$0x18100] =	vst v63  }
0x9f: {  	_ =	swait.ge [sflag:s1], $0xC000  }
0xa0: {  	[sflag:s1] =	ssyncset.done $0x0  }
0xa1: {  	[sflag:s1] =	ssyncadd.s32 $0xFFFF4000  }
0xa2: {  	v3 =	vld [tilespmem:$0x60];
	_ =	sdelay $0x4  }
0xa3: {  	v58 =	vshll.u32 v3, $0x3  }
0xa4: {  	v3 =	vand.u32 $0x7, v3;
	v4 =	vand.u32 $0xFFFFFFC0, v58  }
0xa5: {  	v3 =	vor.u32 v3, v4  }
0xa6: {  	v4 =	vperm.xlane v3, v0;
	_ =	sdelay $0x1  }
0xa7: {  	v4 =	vadd.s32 v1, v4;
	_ =	sdelay $0x4  }
0xa8: {  	[tilespmem:s8], [sflag:$0x1] =	stream.indirect_vreg.gather [hbm4b:s2+s3], $0x80, v4, vm0, $0xb8;
	[tilespmem:$0x18100] =	vst v63  }
0xa9: {  	v3 =	vperm.xlane v3, v2  }
0xaa: {  	[tilespmem:s18], [sflag:$0x1] =	stream.indirect_vreg.gather [hbm4b:s5+s3], $0x80, v4, vm0, $0xb8;
	[tilespmem:$0x18100] =	vst v63  }
0xab: {  	v3 =	vadd.s32 v1, v3  }
0xac: {  	[tilespmem:s19], [sflag:$0x1] =	stream.indirect_vreg.gather [hbm4b:s6+s3], $0x80, v4, vm0, $0xb8;
	[tilespmem:$0x18100] =	vst v63  }
0xad: {  	_ = 	snop  }
0xae: {  	[tilespmem:s20], [sflag:$0x1] =	stream.indirect_vreg.gather [hbm4b:s7+s3], $0x80, v4, vm0, $0xb8;
	[tilespmem:$0x18100] =	vst v63  }
0xaf: {  	_ = 	snop  }
0xb0: {  	[tilespmem:s21], [sflag:$0x1] =	stream.indirect_vreg.gather [hbm4b:s2+s3], $0x80, v3, vm0, $0xb8;
	[tilespmem:$0x18100] =	vst v63  }
0xb1: {  	_ = 	snop  }
0xb2: {  	[tilespmem:s22], [sflag:$0x1] =	stream.indirect_vreg.gather [hbm4b:s5+s3], $0x80, v3, vm0, $0xb8;
	[tilespmem:$0x18100] =	vst v63  }
0xb3: {  	_ = 	snop  }
0xb4: {  	[tilespmem:s23], [sflag:$0x1] =	stream.indirect_vreg.gather [hbm4b:s6+s3], $0x80, v3, vm0, $0xb8;
	[tilespmem:$0x18100] =	vst v63  }
0xb5: {  	_ = 	snop  }
0xb6: {  	[tilespmem:s24], [sflag:$0x1] =	stream.indirect_vreg.gather [hbm4b:s7+s3], $0x80, v3, vm0, $0xb8;
	[tilespmem:$0x18100] =	vst v63  }
0xb7: {  	v3 =	vld [tilespmem:$0x70];
	_ =	sdelay $0x4  }
0xb8: {  	v59 =	vshll.u32 v3, $0x3  }
0xb9: {  	v3 =	vand.u32 $0x7, v3;
	v4 =	vand.u32 $0xFFFFFFC0, v59  }
0xba: {  	v3 =	vor.u32 v3, v4  }
0xbb: {  	v4 =	vperm.xlane v3, v0;
	_ =	sdelay $0x1  }
0xbc: {  	v4 =	vadd.s32 v1, v4;
	_ =	sdelay $0x4  }
0xbd: {  	[tilespmem:s25], [sflag:$0x1] =	stream.indirect_vreg.gather [hbm4b:s2+s3], $0x80, v4, vm0, $0xb8;
	[tilespmem:$0x18100] =	vst v63  }
0xbe: {  	v3 =	vperm.xlane v3, v2  }
0xbf: {  	[tilespmem:s26], [sflag:$0x1] =	stream.indirect_vreg.gather [hbm4b:s5+s3], $0x80, v4, vm0, $0xb8;
	[tilespmem:$0x18100] =	vst v63  }
0xc0: {  	v3 =	vadd.s32 v1, v3  }
0xc1: {  	[tilespmem:s28], [sflag:$0x1] =	stream.indirect_vreg.gather [hbm4b:s6+s3], $0x80, v4, vm0, $0xb8;
	[tilespmem:$0x18100] =	vst v63  }
0xc2: {  	_ = 	snop  }
0xc3: {  	[tilespmem:s29], [sflag:$0x1] =	stream.indirect_vreg.gather [hbm4b:s7+s3], $0x80, v4, vm0, $0xb8;
	[tilespmem:$0x18100] =	vst v63  }
0xc4: {  	_ = 	snop  }
0xc5: {  	[tilespmem:s30], [sflag:$0x1] =	stream.indirect_vreg.gather [hbm4b:s2+s3], $0x80, v3, vm0, $0xb8;
	[tilespmem:$0x18100] =	vst v63  }
0xc6: {  	_ = 	snop  }
0xc7: {  	[tilespmem:s31], [sflag:$0x1] =	stream.indirect_vreg.gather [hbm4b:s5+s3], $0x80, v3, vm0, $0xb8;
	[tilespmem:$0x18100] =	vst v63  }
0xc8: {  	s17 =	simm.s32 $0x7100  }
0xc9: {  	[tilespmem:s17], [sflag:$0x1] =	stream.indirect_vreg.gather [hbm4b:s6+s3], $0x80, v3, vm0, $0xb8;
	[tilespmem:$0x18100] =	vst v63  }
0xca: {  	s17 =	simm.s32 $0x7900  }
0xcb: {  	[tilespmem:s17], [sflag:$0x1] =	stream.indirect_vreg.gather [hbm4b:s7+s3], $0x80, v3, vm0, $0xb8;
	[tilespmem:$0x18100] =	vst v63  }
0xcc: {  	v3 =	vld [tilespmem:$0x80];
	_ =	sdelay $0x4  }
0xcd: {  	v60 =	vshll.u32 v3, $0x3  }
0xce: {  	v3 =	vand.u32 $0x7, v3;
	v4 =	vand.u32 $0xFFFFFFC0, v60  }
0xcf: {  	v3 =	vor.u32 v3, v4  }
0xd0: {  	v4 =	vperm.xlane v3, v0;
	_ =	sdelay $0x1  }
0xd1: {  	v4 =	vadd.s32 v1, v4;
	_ =	sdelay $0x4  }
0xd2: {  	[tilespmem:s4], [sflag:$0x1] =	stream.indirect_vreg.gather [hbm4b:s2+s3], $0x80, v4, vm0, $0xb8;
	[tilespmem:$0x18100] =	vst v63  }
0xd3: {  	v3 =	vperm.xlane v3, v2  }
0xd4: {  	[tilespmem:s12], [sflag:$0x1] =	stream.indirect_vreg.gather [hbm4b:s5+s3], $0x80, v4, vm0, $0xb8;
	[tilespmem:$0x18100] =	vst v63  }
0xd5: {  	v3 =	vadd.s32 v1, v3  }
0xd6: {  	[tilespmem:s9], [sflag:$0x1] =	stream.indirect_vreg.gather [hbm4b:s6+s3], $0x80, v4, vm0, $0xb8;
	[tilespmem:$0x18100] =	vst v63  }
0xd7: {  	s8 =	simm.s32 $0x9900  }
0xd8: {  	[tilespmem:s8], [sflag:$0x1] =	stream.indirect_vreg.gather [hbm4b:s7+s3], $0x80, v4, vm0, $0xb8;
	[tilespmem:$0x18100] =	vst v63  }
0xd9: {  	_ = 	snop  }
0xda: {  	[tilespmem:s11], [sflag:$0x1] =	stream.indirect_vreg.gather [hbm4b:s2+s3], $0x80, v3, vm0, $0xb8;
	[tilespmem:$0x18100] =	vst v63  }
0xdb: {  	_ = 	snop  }
0xdc: {  	[tilespmem:s13], [sflag:$0x1] =	stream.indirect_vreg.gather [hbm4b:s5+s3], $0x80, v3, vm0, $0xb8;
	[tilespmem:$0x18100] =	vst v63  }
0xdd: {  	_ = 	snop  }
0xde: {  	[tilespmem:s14], [sflag:$0x1] =	stream.indirect_vreg.gather [hbm4b:s6+s3], $0x80, v3, vm0, $0xb8;
	[tilespmem:$0x18100] =	vst v63  }
0xdf: {  	s4 =	simm.s32 $0x2  }
0xe0: {  	[tilespmem:s15], [sflag:$0x1] =	stream.indirect_vreg.gather [hbm4b:s7+s3], $0x80, v3, vm0, $0xb8;
	[tilespmem:$0x18100] =	vst v63  }
0xe1: {  	_ =	swait.ge [sflag:s4], $0xC000  }
0xe2: {  	[sflag:s4] =	ssyncset.done $0x0  }
0xe3: {  	s9 =	rddreg [dreg:$0x4];
	[sflag:s4] =	ssyncadd.s32 $0xFFFF4000  }
0xe4: {  	[hbm4b:s9+s3] =	stream.linear.scatter [tilespmem:s16], [sflag:$0x4], $0xC000, $0x38;
	[tilespmem:$0x18100] =	vst v63  }
0xe5: {  	s9 =	simm.s32 $0x4  }
0xe6: {  	_ =	swait.ge [sflag:s9], $0xC000  }
0xe7: {  	[sflag:s9] =	ssyncset.done $0x0  }
0xe8: {  	[sflag:s9] =	ssyncadd.s32 $0xFFFF4000  }
0xe9: {  	v3 =	vld [tilespmem:$0x90];
	_ =	sdelay $0x4  }
0xea: {  	v61 =	vshll.u32 v3, $0x3  }
0xeb: {  	v3 =	vand.u32 $0x7, v3;
	v4 =	vand.u32 $0xFFFFFFC0, v61  }
0xec: {  	v3 =	vor.u32 v3, v4  }
0xed: {  	v4 =	vperm.xlane v3, v0;
	_ =	sdelay $0x1  }
0xee: {  	v4 =	vadd.s32 v1, v4;
	_ =	sdelay $0x4  }
0xef: {  	[tilespmem:s16], [sflag:$0x2] =	stream.indirect_vreg.gather [hbm4b:s2+s3], $0x80, v4, vm0, $0xb8;
	[tilespmem:$0x18100] =	vst v63  }
0xf0: {  	s17 =	simm.s32 $0xC900;
	v3 =	vperm.xlane v3, v2  }
0xf1: {  	[tilespmem:s17], [sflag:$0x2] =	stream.indirect_vreg.gather [hbm4b:s5+s3], $0x80, v4, vm0, $0xb8;
	[tilespmem:$0x18100] =	vst v63  }
0xf2: {  	v3 =	vadd.s32 v1, v3;
	s17 =	simm.s32 $0xD100  }
0xf3: {  	[tilespmem:s17], [sflag:$0x2] =	stream.indirect_vreg.gather [hbm4b:s6+s3], $0x80, v4, vm0, $0xb8;
	[tilespmem:$0x18100] =	vst v63  }
0xf4: {  	s17 =	simm.s32 $0xD900  }
0xf5: {  	[tilespmem:s17], [sflag:$0x2] =	stream.indirect_vreg.gather [hbm4b:s7+s3], $0x80, v4, vm0, $0xb8;
	[tilespmem:$0x18100] =	vst v63  }
0xf6: {  	s17 =	simm.s32 $0xE100  }
0xf7: {  	[tilespmem:s17], [sflag:$0x2] =	stream.indirect_vreg.gather [hbm4b:s2+s3], $0x80, v3, vm0, $0xb8;
	[tilespmem:$0x18100] =	vst v63  }
0xf8: {  	s17 =	simm.s32 $0xE900  }
0xf9: {  	[tilespmem:s17], [sflag:$0x2] =	stream.indirect_vreg.gather [hbm4b:s5+s3], $0x80, v3, vm0, $0xb8;
	[tilespmem:$0x18100] =	vst v63  }
0xfa: {  	s17 =	simm.s32 $0xF100  }
0xfb: {  	[tilespmem:s17], [sflag:$0x2] =	stream.indirect_vreg.gather [hbm4b:s6+s3], $0x80, v3, vm0, $0xb8;
	[tilespmem:$0x18100] =	vst v63  }
0xfc: {  	s17 =	simm.s32 $0xF900  }
0xfd: {  	[tilespmem:s17], [sflag:$0x2] =	stream.indirect_vreg.gather [hbm4b:s7+s3], $0x80, v3, vm0, $0xb8;
	[tilespmem:$0x18100] =	vst v63  }
0xfe: {  	v3 =	vld [tilespmem:$0xA0];
	_ =	sdelay $0x4  }
0xff: {  	v62 =	vshll.u32 v3, $0x3  }
0x100: {  	v3 =	vand.u32 $0x7, v3;
	v4 =	vand.u32 $0xFFFFFFC0, v62  }
0x101: {  	v3 =	vor.u32 v3, v4  }
0x102: {  	v4 =	vperm.xlane v3, v0;
	_ =	sdelay $0x1  }
0x103: {  	v4 =	vadd.s32 v1, v4;
	_ =	sdelay $0x3  }
0x104: {  	s17 =	simm.s32 $0x10100  }
0x105: {  	[tilespmem:s17], [sflag:$0x2] =	stream.indirect_vreg.gather [hbm4b:s2+s3], $0x80, v4, vm0, $0xb8;
	[tilespmem:$0x18100] =	vst v63  }
0x106: {  	v3 =	vperm.xlane v3, v2;
	s17 =	simm.s32 $0x10900  }
0x107: {  	[tilespmem:s17], [sflag:$0x2] =	stream.indirect_vreg.gather [hbm4b:s5+s3], $0x80, v4, vm0, $0xb8;
	[tilespmem:$0x18100] =	vst v63  }
0x108: {  	v3 =	vadd.s32 v1, v3;
	s17 =	simm.s32 $0x11100  }
0x109: {  	[tilespmem:s17], [sflag:$0x2] =	stream.indirect_vreg.gather [hbm4b:s6+s3], $0x80, v4, vm0, $0xb8;
	[tilespmem:$0x18100] =	vst v63  }
0x10a: {  	s17 =	simm.s32 $0x11900  }
0x10b: {  	[tilespmem:s17], [sflag:$0x2] =	stream.indirect_vreg.gather [hbm4b:s7+s3], $0x80, v4, vm0, $0xb8;
	[tilespmem:$0x18100] =	vst v63  }
0x10c: {  	s17 =	simm.s32 $0x12100  }
0x10d: {  	[tilespmem:s17], [sflag:$0x2] =	stream.indirect_vreg.gather [hbm4b:s2+s3], $0x80, v3, vm0, $0xb8;
	[tilespmem:$0x18100] =	vst v63  }
0x10e: {  	s17 =	simm.s32 $0x12900  }
0x10f: {  	[tilespmem:s17], [sflag:$0x2] =	stream.indirect_vreg.gather [hbm4b:s5+s3], $0x80, v3, vm0, $0xb8;
	[tilespmem:$0x18100] =	vst v63  }
0x110: {  	s17 =	simm.s32 $0x13100  }
0x111: {  	[tilespmem:s17], [sflag:$0x2] =	stream.indirect_vreg.gather [hbm4b:s6+s3], $0x80, v3, vm0, $0xb8;
	[tilespmem:$0x18100] =	vst v63  }
0x112: {  	s17 =	simm.s32 $0x13900  }
0x113: {  	[tilespmem:s17], [sflag:$0x2] =	stream.indirect_vreg.gather [hbm4b:s7+s3], $0x80, v3, vm0, $0xb8;
	[tilespmem:$0x18100] =	vst v63  }
0x114: {  	v3 =	vld [tilespmem:$0xB0];
	_ =	sdelay $0x4  }
0x115: {  	v63 =	vshll.u32 v3, $0x3  }
0x116: {  	v3 =	vand.u32 $0x7, v3;
	v4 =	vand.u32 $0xFFFFFFC0, v63  }
0x117: {  	v3 =	vor.u32 v3, v4  }
0x118: {  	v4 =	vperm.xlane v3, v0;
	_ =	sdelay $0x1  }
0x119: {  	v4 =	vadd.s32 v1, v4;
	_ =	sdelay $0x3  }
0x11a: {  	s17 =	simm.s32 $0x14100  }
0x11b: {  	[tilespmem:s17], [sflag:$0x2] =	stream.indirect_vreg.gather [hbm4b:s2+s3], $0x80, v4, vm0, $0xb8;
	[tilespmem:$0x18100] =	vst v63  }
0x11c: {  	v3 =	vperm.xlane v3, v2;
	s17 =	simm.s32 $0x14900  }
0x11d: {  	[tilespmem:s17], [sflag:$0x2] =	stream.indirect_vreg.gather [hbm4b:s5+s3], $0x80, v4, vm0, $0xb8;
	[tilespmem:$0x18100] =	vst v63  }
0x11e: {  	v3 =	vadd.s32 v1, v3;
	s17 =	simm.s32 $0x15100  }
0x11f: {  	[tilespmem:s17], [sflag:$0x2] =	stream.indirect_vreg.gather [hbm4b:s6+s3], $0x80, v4, vm0, $0xb8;
	[tilespmem:$0x18100] =	vst v63  }
0x120: {  	s17 =	simm.s32 $0x15900  }
0x121: {  	[tilespmem:s17], [sflag:$0x2] =	stream.indirect_vreg.gather [hbm4b:s7+s3], $0x80, v4, vm0, $0xb8;
	[tilespmem:$0x18100] =	vst v63  }
0x122: {  	s17 =	simm.s32 $0x16100  }
0x123: {  	[tilespmem:s17], [sflag:$0x2] =	stream.indirect_vreg.gather [hbm4b:s2+s3], $0x80, v3, vm0, $0xb8;
	[tilespmem:$0x18100] =	vst v63  }
0x124: {  	s17 =	simm.s32 $0x16900  }
0x125: {  	[tilespmem:s17], [sflag:$0x2] =	stream.indirect_vreg.gather [hbm4b:s5+s3], $0x80, v3, vm0, $0xb8;
	[tilespmem:$0x18100] =	vst v63  }
0x126: {  	s17 =	simm.s32 $0x17100  }
0x127: {  	[tilespmem:s17], [sflag:$0x2] =	stream.indirect_vreg.gather [hbm4b:s6+s3], $0x80, v3, vm0, $0xb8;
	[tilespmem:$0x18100] =	vst v63  }
0x128: {  	s17 =	simm.s32 $0x17900  }
0x129: {  	[tilespmem:s17], [sflag:$0x2] =	stream.indirect_vreg.gather [hbm4b:s7+s3], $0x80, v3, vm0, $0xb8;
	[tilespmem:$0x18100] =	vst v63  }
0x12a: {  	_ =	swait.ge [sflag:s0], $0xC000  }
0x12b: {  	[sflag:s0] =	ssyncset.done $0x0  }
0x12c: {  	s8 =	simm.s32 $0x100;
	s17 =	rddreg [dreg:$0x5];
	[sflag:s0] =	ssyncadd.s32 $0xFFFF4000  }
0x12d: {  	[hbm4b:s17+s3] =	stream.linear.scatter [tilespmem:s8], [sflag:$0x3], $0xC000, $0x38;
	[tilespmem:$0x18100] =	vst v63  }
0x12e: {  	_ =	swait.ge [sflag:s4], $0xC000  }
0x12f: {  	[sflag:s4] =	ssyncset.done $0x0  }
0x130: {  	s8 =	rddreg [dreg:$0x6];
	[sflag:s4] =	ssyncadd.s32 $0xFFFF4000  }
0x131: {  	[hbm4b:s8+s3] =	stream.linear.scatter [tilespmem:s16], [sflag:$0x4], $0xC000, $0x38;
	[tilespmem:$0x18100] =	vst v63  }
0x132: {  	p0 =	sne.s32 s10, $0x1;
	_ =	swait.ge [sflag:s1], $0xC000  }
.Ltmp0:
0x133: {  	[sflag:s1] =	ssyncset.done $0x0;
	(pc) =	sbr.rel @p0 .LBB2_1-.Ltmp0, $4  }
0x134: {  	[sflag:s1] =	ssyncadd.s32 $0xFFFF4000  }
0x135: {  	_ =	swait.ge [sflag:s9], $0xC000  }
0x136: {  	[sflag:s9] =	ssyncset.done $0x0  }
0x137: {  	s10 =	sadd.s32 $0xFFFFFFFF, s10;
	[sflag:s9] =	ssyncadd.s32 $0xFFFF4000  }
0x138: {  	_ =	sfence.sel $0x180000  }
0x139: {  	[bflag:$0x0] =	sbarrier.arrive $0xFFFF  }
0x13a: {  	_ =	strace $0x9000004A  }
0x13b: {  	s0 =	stileid.u32;
	[bflag:$0x2] =	sbarrier.arrive $0xFFFF  }
0x13c: {  	p0 =	sne.s32 s0, $0x0;
	s0 =	rddreg [dreg:$0x2]  }
0x13d: {  	s0 =	sadd.s32 @!p0 $0x100000, s0  }
0x13e: {  	[sflag:s0] =	ssyncadd.tile.s32 @!p0 $0x1;
	_ =	shalt  }
.Lfunc_end2:
_tile_overlayer_lowered:
.L_overlay_start_2:
0x13f: {  	(tag) =	ssettag $0x2  }
0x140: {  	s0 =	rddreg [dreg:$0x0];
	s2 =	stileid.u32  }
0x141: {  	s1 =	rddreg [dreg:$0x1];
	p0 =	sne.s32 s2, $0x0  }
0x142: {  	s3 =	rddreg [dreg:$0x2];
	[bflag:$0x3] =	sbarrier.arrive $0xFFFF;
	s2 =	simm.s32 @!p0 $0x1C05  }
0x143: {  	[timem:s3], [sflag:s2] =	dma.local @!p0 [hbm:s0], s1  }
0x144: {  	s0 =	simm.s32 @!p0 $0x5  }
0x145: {  	_ =	swait.ge @!p0 [sflag:s0], s1  }
0x146: {  	s1 =	ssub.s32 @!p0 $0x0, s1;
	[sflag:s0] =	ssyncset.done @!p0 $0x0  }
0x147: {  	[sflag:s0] =	ssyncadd.s32 @!p0 s1  }
0x148: {  	[bflag:$0x3] =	sbarrier.arrive $0xFFFF  }
0x149: {  	_ =	shalt  }

// kernel: kernel.13.cloned.1.call-start
scs
__scs_entry_jumppad:
0x0: {  	(pc) =	sbr.rel $0x88, $3  }
0x1: {  	(tag) =	ssettag $0x0;
	lr =	simm.s32 $0x1  }
0x2: {  	[smem:$0x3F9D] =	sst lr;
	_ =	strace $0xD0000000  }
0x3: {  	_ = 	snop  }
0x4: {  	_ = 	snop  }
0x5: {  	_ = 	snop  }
0x6: {  	_ = 	snop  }
0x7: {  	_ = 	snop  }
__scs_overlays_trampoline_lowered:
0x8: {  	[smem:$0x3FAC] =	sst s0  }
0x9: {  	[smem:$0x3FAD] =	sst s1  }
0xa: {  	[smem:$0x3FAE] =	sst s2  }
0xb: {  	[smem:$0x3FAF] =	sst s3  }
0xc: {  	[smem:$0x3FB0] =	sst s4  }
0xd: {  	[smem:$0x3FB1] =	sst s5  }
0xe: {  	[smem:$0x3FB2] =	sst s6  }
0xf: {  	[smem:$0x3FB3] =	sst s7  }
0x10: {  	[smem:$0x3FB4] =	sst s8  }
0x11: {  	[smem:$0x3FB5] =	sst s9;
	s0 =	simm.s32 @!p0 $0x0  }
0x12: {  	s1 =	sld [smem:$0x3F9B];
	s0 =	simm.s32 @p0 $0x1  }
0x13: {  	[smem:$0x3FB6] =	sst s0;
	s0 =	simm.s32 @!p1 $0x0  }
0x14: {  	s2 =	sld [smem:$0x3F9A];
	s0 =	simm.s32 @p1 $0x1  }
0x15: {  	[smem:$0x3FB7] =	sst s0;
	s0 =	simm.s32 @!p2 $0x0  }
0x16: {  	s3 =	sld [smem:$0x3FDB];
	s0 =	simm.s32 @p2 $0x1  }
0x17: {  	s4 =	simm.s32 $0x1BF5;
	[smem:$0x3FB9] =	sst s0  }
0x18: {  	s0 =	sld [smem:$0x3F9C];
	_ =	swait.ge [sflag:s4], $0x0  }
0x19: {  	s7 =	sld [smem:$0x3F9D]  }
0x1a: {  	s8 =	sadd.s32 $0xFFFFE003, lr  }
0x1b: {  	s9 =	sadd.s32 $0xFFFFFEF7, lr;
	s5 =	simm.s32 $0xFFFFFFFF;
	p2 =	slt.u32 s8, $0xFFFFF086  }
0x1c: {  	p1 =	slt.u32 s9, $0xF7A;
	s5 =	simm.s32 @!p2 $0x0  }
0x1d: {  	s5 =	simm.s32 @p1 $0x1;
	p0 =	seq.s32 s7, s2  }
0x1e: {  	s7 =	smul.u32 @!p0 $0xF7A, s2;
	p2 =	seq.s32 @!p0 s5, $0x0  }
0x1f: {  	s9 =	smul.u32 $0xF7A, s1;
	s8 =	simm.s32 @!p0 $0x1BF5;
	p2 =	por !p2, p0  }
0x20: {  	[sflag:s8] =	ssyncset.s32 @!p0 $0xFFFFF086;
	s6 =	sadd.s32 @!p0 s3, s7;
	s7 =	simm.s32 @!p0 $0x108  }
0x21: {  	s3 =	sadd.s32 s3, s9;
	s6 =	sadd.s32 @!p0 $0x88, s6;
	s7 =	simm.s32 @p2 $0x1082  }
0x22: {  	[simem:s7], [sflag:s8] =	dma.local @!p0 [hbm:s6], $0xF7A  }
0x23: {  	s9 =	sor.u32 $0xD0000000, s2;
	s6 =	simm.s32 $0x108;
	_ =	swait.ge @!p0 [sflag:s8], $0x0  }
0x24: {  	s3 =	sadd.s32 $0x88, s3;
	s6 =	simm.s32 @!p1 $0x1082;
	[sflag:s4] =	ssyncset.s32 $0xFFFFF086  }
0x25: {  	[simem:s6], [sflag:s4] =	dma.local [hbm:s3], $0xF7A  }
0x26: {  	[smem:$0x3F9D] =	sst s1;
	(tag) =	ssettag s2;
	_ =	strace s9  }
0x27: {  	s1 =	sld [smem:$0x3FAD]  }
0x28: {  	s2 =	sld [smem:$0x3FAE]  }
0x29: {  	s4 =	sld [smem:$0x3FB0]  }
0x2a: {  	p0 =	seq.s32 s5, $0x0;
	s5 =	sld [smem:$0x3FB1]  }
0x2b: {  	s6 =	sld [smem:$0x3FB2]  }
0x2c: {  	s7 =	sld [smem:$0x3FB3]  }
0x2d: {  	s3 =	simm.s32 $0x108;
	s8 =	sld [smem:$0x3FB4]  }
0x2e: {  	s3 =	simm.s32 @!p0 $0x1082;
	s9 =	sld [smem:$0x3FB5]  }
0x2f: {  	lr =	sadd.s32 s0, s3;
	s0 =	sld [smem:$0x3FAC]  }
0x30: {  	s3 =	sld [smem:$0x3FAF]  }
0x31: {  	[smem:$0x3FB8] =	sst s10  }
0x32: {  	s10 =	sld [smem:$0x3FB6];
	_ =	sdelay $0x3  }
0x33: {  	p0 =	seq.s32 s10, $0x1;
	s10 =	sld [smem:$0x3FB8];
	_ =	sdelay $0x3  }
0x34: {  	[smem:$0x3FB8] =	sst s10  }
0x35: {  	s10 =	sld [smem:$0x3FB7];
	_ =	sdelay $0x3  }
0x36: {  	p1 =	seq.s32 s10, $0x1;
	s10 =	sld [smem:$0x3FB8];
	_ =	sdelay $0x3  }
0x37: {  	[smem:$0x3FB8] =	sst s10  }
0x38: {  	s10 =	sld [smem:$0x3FB9]  }
0x39: {  	_ = 	snop;
	(pc) =	sbr.ind lr, $3  }
0x3a: {  	_ = 	snop  }
0x3b: {  	_ = 	snop  }
0x3c: {  	p2 =	seq.s32 s10, $0x1;
	s10 =	sld [smem:$0x3FB8]  }
0x3d: {  	_ =	shalt  }
0x3e: {  	_ =	shalt  }
0x3f: {  	_ =	shalt  }
0x40: {  	_ =	shalt  }
0x41: {  	_ =	shalt  }
0x42: {  	_ =	shalt  }
0x43: {  	_ =	shalt  }
0x44: {  	_ =	shalt  }
0x45: {  	_ =	shalt  }
0x46: {  	_ =	shalt  }
0x47: {  	_ =	shalt  }
0x48: {  	_ =	shalt  }
0x49: {  	_ =	shalt  }
0x4a: {  	_ =	shalt  }
0x4b: {  	_ =	shalt  }
0x4c: {  	_ =	shalt  }
0x4d: {  	_ =	shalt  }
0x4e: {  	_ =	shalt  }
0x4f: {  	_ =	shalt  }
0x50: {  	_ =	shalt  }
0x51: {  	_ =	shalt  }
0x52: {  	_ =	shalt  }
0x53: {  	_ =	shalt  }
0x54: {  	_ =	shalt  }
0x55: {  	_ =	shalt  }
0x56: {  	_ =	shalt  }
0x57: {  	_ =	shalt  }
0x58: {  	_ =	shalt  }
0x59: {  	_ =	shalt  }
0x5a: {  	_ =	shalt  }
0x5b: {  	_ =	shalt  }
0x5c: {  	_ =	shalt  }
0x5d: {  	_ =	shalt  }
0x5e: {  	_ =	shalt  }
0x5f: {  	_ =	shalt  }
0x60: {  	_ =	shalt  }
0x61: {  	_ =	shalt  }
0x62: {  	_ =	shalt  }
0x63: {  	_ =	shalt  }
0x64: {  	_ =	shalt  }
0x65: {  	_ =	shalt  }
0x66: {  	_ =	shalt  }
0x67: {  	_ =	shalt  }
0x68: {  	_ =	shalt  }
0x69: {  	_ =	shalt  }
0x6a: {  	_ =	shalt  }
0x6b: {  	_ =	shalt  }
0x6c: {  	_ =	shalt  }
0x6d: {  	_ =	shalt  }
0x6e: {  	_ =	shalt  }
0x6f: {  	_ =	shalt  }
0x70: {  	_ =	shalt  }
0x71: {  	_ =	shalt  }
0x72: {  	_ =	shalt  }
0x73: {  	_ =	shalt  }
0x74: {  	_ =	shalt  }
0x75: {  	_ =	shalt  }
0x76: {  	_ =	shalt  }
0x77: {  	_ =	shalt  }
0x78: {  	_ =	shalt  }
0x79: {  	_ =	shalt  }
0x7a: {  	_ =	shalt  }
0x7b: {  	_ =	shalt  }
0x7c: {  	_ =	shalt  }
0x7d: {  	_ =	shalt  }
0x7e: {  	_ =	shalt  }
0x7f: {  	_ =	shalt  }
0x80: {  	_ =	shalt  }
0x81: {  	_ =	shalt  }
0x82: {  	_ =	shalt  }
0x83: {  	_ =	shalt  }
0x84: {  	_ =	shalt  }
0x85: {  	_ =	shalt  }
0x86: {  	_ =	shalt  }
0x87: {  	_ =	shalt  }
.Lfunc_end0:
.L_simem_size_0:
called_computation.2_lowered:
.L_overlay_start_0:
0x88: {  	s2 =	sld [smem:$0x3FD9]  }
0x89: {  	s3 =	sld [smem:$0x3FFE];
	_ =	sdelay $0x1  }
0x8a: {  	s1 =	srdreg.scid  }
0x8b: {  	s0 =	sand.u32 $0x1, s1  }
0x8c: {  	s17 =	sshll.u32 s0, $0xA;
	s2 =	sadd.s32 s3, s2  }
0x8d: {  	s2 =	sadd.s32 s2, s17  }
0x8e: {  	[smem:$0x3FC4] =	sst s2  }
0x8f: {  	_ = 	snop  }
0x90: {  	s2 =	sld [smem:$0x3FD0];
	(tm) =	ssettm $0x1  }
0x91: {  	s18 =	sld [smem:$0x3FFB];
	_ =	sdelay $0x3  }
0x92: {  	_ =	strace s18  }
0x93: {  	s3 =	sld [smem:$0x3FFC];
	_ =	sdelay $0x3  }
0x94: {  	_ =	strace s3  }
0x95: {  	s3 =	sld [smem:$0x3FFD];
	_ =	sdelay $0x3  }
0x96: {  	_ =	strace s3  }
0x97: {  	_ =	strace $0x8FFFFFFF  }
0x98: {  	s19 =	sld [smem:$0x3FDB];
	_ =	sdelay $0x1  }
0x99: {  	s4 =	simm.s32 $_scs_section_size  }
0x9a: {  	s5 =	simm.s32 $_size__tile_overlayer_lowered;
	s6 =	simm.s32 $_tile_overlayer_lowered  }
0x9b: {  	s22 =	simm.s32 $0x1BFF;
	s21 =	sshll.u32 s6, $0x1;
	s3 =	sadd.s32 s4, s19  }
0x9c: {  	s7 =	simm.s32 $0x0;
	s20 =	sshll.u32 s5, $0x1;
	s5 =	sadd.s32 s21, s3  }
0x9d: {  	[timem:s7], [sflag:s22] =	dma.local [hbm:s5], s20  }
0x9e: {  	_ =	swait.ge [sflag:s22], s20  }
0x9f: {  	s4 =	ssub.s32 $0x0, s20;
	[sflag:s22] =	ssyncset.done $0x0  }
0xa0: {  	[sflag:s22] =	ssyncadd.s32 s4;
	_ =	sdelay $0x1  }
0xa1: {  	s23 =	simm.s32 $0x1B8B  }
0xa2: {  	_ =	swait.ge [sflag:s23], $0x1  }
0xa3: {  	[sflag:s23] =	ssyncset.done $0x0  }
0xa4: {  	s25 =	simm.s32 $0x1B8E;
	s24 =	sld [smem:$0x3FFE];
	[sflag:s23] =	ssyncadd.s32 $0xFFFFFFFF  }
0xa5: {  	s26 =	simm.s32 $execute0_lowered;
	[smem:$0x3FD2] =	sst s25  }
0xa6: {  	s5 =	sshll.u32 s26, $0x1;
	_ =	strace $0x8000004C;
	[dreg:$0x1] =	wrdreg $0xFFFFFFFF  }
0xa7: {  	s28 =	simm.s32 $_size_execute0_lowered;
	s3 =	sadd.s32 s3, s5;
	[dreg:$0x0] =	wrdreg $0x0  }
0xa8: {  	s5 =	sshll.u32 s28, $0x1;
	[dreg:$0x2] =	wrdreg s3  }
0xa9: {  	[dreg:$0x3] =	wrdreg s5  }
0xaa: {  	[dreg:$0x4] =	wrdreg $0xC0  }
0xab: {  	_ =	task [dreg:s7], $0x5FFFF  }
0xac: {  	[dreg:$0x1] =	wrdreg $0xFFFFFFFF  }
0xad: {  	[dreg:$0x0] =	wrdreg $0x60  }
0xae: {  	[dreg:$0x2] =	wrdreg s24  }
0xaf: {  	[dreg:$0x3] =	wrdreg s2  }
0xb0: {  	[dreg:$0x4] =	wrdreg $0x9  }
0xb1: {  	_ =	task.clear_ibuf [dreg:s7], $0x5FFFF;
	_ =	strace $0x9000004C  }
0xb2: {  	s29 =	simm.s32 $0x9;
	_ =	strace $0x8000004E  }
0xb3: {  	_ =	swait.ge [sflag:s29], $0x1  }
0xb4: {  	[sflag:s29] =	ssyncadd.s32 $0xFFFFFFFF  }
0xb5: {  	_ =	strace $0x9000004E  }
0xb6: {  	_ =	sfence  }
0xb7: {  	s30 =	sld [smem:$0x0];
	_ =	sdelay $0x2  }
0xb8: {  	s31 =	sshll.u32 s1, $0xD;
	s1 =	sshrl.u32 s1, $0x2  }
0xb9: {  	s3 =	sand.u32 $0x4000, s31;
	s1 =	sadd.s32 s1, s30  }
0xba: {  	s0 =	sor.u32 s3, s0;
	s1 =	sshll.u32 s1, $0x11  }
0xbb: {  	s0 =	sor.u32 s1, s0  }
0xbc: {  	s0 =	sadd.s32 $0x8F2B, s0  }
0xbd: {  	[sflag:s0] =	ssyncadd.remote.s32 $0x1  }
0xbe: {  	_ =	sfence.sel $0xFFFF  }
0xbf: {  	[dreg:$0x0] =	wrdreg $0xFFFFFFFF;
	(pc) =	sbr.abs _section_cstart, $3  }
0xc0: {  	[dreg:$0x1] =	wrdreg $0xFFFFFFFF  }
0xc1: {  	_ =	task.clear_ibuf [dreg:s7], $0x2FFFF;
	_ =	strace $0x9FFFFFFF  }
0xc2: {  	(tm) =	ssettm $0x7FFFFFFF  }
0xc3: {  	_ =	shalt  }
tec
execute0_lowered:
.L_overlay_start_1:
0x0: {  	(tag) =	ssettag $0x1  }
0x1: {  	s0 =	rddreg [dreg:$0x0]  }
0x2: {  	s1 =	rddreg [dreg:$0x1];
	s2 =	srdreg.scid  }
0x3: {  	s4 =	stileid.u32;
	s14 =	simm.s32 $0x5;
	s16 =	simm.s32 $0x100  }
0x4: {  	s11 =	simm.s32 $0xB900;
	s19 =	simm.s32 $0xC100;
	s12 =	simm.s32 $0xC900  }
0x5: {  	s20 =	simm.s32 $0xD100;
	s13 =	simm.s32 $0xD900;
	s21 =	simm.s32 $0xE100  }
0x6: {  	s22 =	simm.s32 $0xE900;
	s28 =	simm.s32 $0x2;
	s29 =	simm.s32 $0x4  }
0x7: {  	s30 =	simm.s32 $0x0;
	s3 =	sand.u32 $0x1, s2;
	s2 =	simm.s32 $0x0  }
0x8: {  	s4 =	sshll.u32 s4, $0x7;
	s5 =	sshll.u32 s3, $0x6;
	s6 =	ssub.s32 $0x2, s3  }
0x9: {  	s8 =	sadd.s32 $0xC1E00, s0;
	s4 =	sor.u32 s5, s4;
	s7 =	sshrl.u32 s6, $0x1  }
0xa: {  	[smem:$0x7FF] =	sst s2;
	s5 =	sshrl.u32 s4, $0x3;
	s10 =	ssub.s32 s6, s7  }
0xb: {  	_ =	strace $0x8000004D;
	s5 =	sadd.s32 s5, s0;
	s31 =	smax.u32 s10, $0x1  }
0xc: {  	s4 =	sshll.u32 s4, $0x7;
	s23 =	sadd.s32 $0x1400, s5;
	[dreg:$0x8] =	wrdreg s31  }
0xd: {  	s7 =	sadd.s32 s1, s4;
	s5 =	sadd.s32 $0x1500, s5;
	[dreg:$0x3] =	wrdreg s23  }
0xe: {  	s9 =	sadd.s32 $0xC1F00, s0;
	s24 =	sadd.s32 $0x800, s7;
	[dreg:$0x4] =	wrdreg s5  }
0xf: {  	s3 =	sadd.s32 $0xC1C00, s0;
	s25 =	sadd.s32 $0x1000, s7;
	[dreg:$0x5] =	wrdreg s24  }
0x10: {  	v2 =	vlaneseq.u32;
	s6 =	sadd.s32 $0xC1D00, s0;
	s26 =	sadd.s32 $0x1800, s7;
	[dreg:$0x6] =	wrdreg s25  }
0x11: {  	vm0 =	vmmov $0xffff;
	v1 =	vshrl.u32 v2, $0x3;
	s1 =	simm.s32 $0x8100;
	[dreg:$0x7] =	wrdreg s26;
	s23 =	simm.s32 $0xF100  }
0x12: {  	v0 =	vand.u32 $0x7, v2;
	v2 =	vor.u32 $0x8, v2;
	v1 =	vmul.u32 $0x8, v1;
	s24 =	simm.s32 $0xF900;
	s25 =	simm.s32 $0x1;
	s26 =	simm.s32 $0x3  }
.LBB2_1:
0x13: {  	s0 =	rddreg [dreg:$0x3]  }
0x14: {  	[tilespmem:s2], [sflag:$0x5] =	stream.linear.gather [hbm4b:s0+s2], $0x40, $0x38;
	[tilespmem:$0x10100] =	vst v63  }
0x15: {  	_ =	swait.ge [sflag:s14], $0x40  }
0x16: {  	[sflag:s14] =	ssyncset.done $0x0  }
0x17: {  	s4 =	simm.s32 $0x80;
	s18 =	rddreg [dreg:$0x4];
	[sflag:s14] =	ssyncadd.s32 $0xFFFFFFC0  }
0x18: {  	[tilespmem:s4], [sflag:$0x5] =	stream.linear.gather [hbm4b:s18+s2], $0x40, $0x38;
	[tilespmem:$0x10100] =	vst v63  }
0x19: {  	_ =	swait.ge [sflag:s14], $0x40  }
0x1a: {  	[sflag:s14] =	ssyncset.done $0x0  }
0x1b: {  	[sflag:s14] =	ssyncadd.s32 $0xFFFFFFC0  }
0x1c: {  	v3 =	vld [tilespmem:$0x0];
	_ =	sdelay $0x4  }
0x1d: {  	v4 =	vshll.u32 v3, $0x3  }
0x1e: {  	v3 =	vand.u32 $0x7, v3;
	v4 =	vand.u32 $0xFFFFFFC0, v4  }
0x1f: {  	v3 =	vor.u32 v3, v4  }
0x20: {  	v4 =	vperm.xlane v3, v0;
	_ =	sdelay $0x1  }
0x21: {  	v4 =	vadd.s32 v1, v4;
	_ =	sdelay $0x4  }
0x22: {  	[tilespmem:s16], [sflag:$0x1] =	stream.indirect_vreg.gather [hbm4b:s3+s2], $0x80, v4, vm0, $0xb8;
	[tilespmem:$0x10100] =	vst v63  }
0x23: {  	s5 =	simm.s32 $0x900;
	v3 =	vperm.xlane v3, v2  }
0x24: {  	[tilespmem:s5], [sflag:$0x1] =	stream.indirect_vreg.gather [hbm4b:s6+s2], $0x80, v4, vm0, $0xb8;
	[tilespmem:$0x10100] =	vst v63  }
0x25: {  	s10 =	simm.s32 $0x1100;
	v3 =	vadd.s32 v1, v3  }
0x26: {  	[tilespmem:s10], [sflag:$0x1] =	stream.indirect_vreg.gather [hbm4b:s8+s2], $0x80, v4, vm0, $0xb8;
	[tilespmem:$0x10100] =	vst v63  }
0x27: {  	s15 =	simm.s32 $0x1900  }
0x28: {  	[tilespmem:s15], [sflag:$0x1] =	stream.indirect_vreg.gather [hbm4b:s9+s2], $0x80, v4, vm0, $0xb8;
	[tilespmem:$0x10100] =	vst v63  }
0x29: {  	s17 =	simm.s32 $0x2100  }
0x2a: {  	[tilespmem:s17], [sflag:$0x1] =	stream.indirect_vreg.gather [hbm4b:s3+s2], $0x80, v3, vm0, $0xb8;
	[tilespmem:$0x10100] =	vst v63  }
0x2b: {  	s18 =	simm.s32 $0x2900  }
0x2c: {  	[tilespmem:s18], [sflag:$0x1] =	stream.indirect_vreg.gather [hbm4b:s6+s2], $0x80, v3, vm0, $0xb8;
	[tilespmem:$0x10100] =	vst v63  }
0x2d: {  	s4 =	simm.s32 $0x3100  }
0x2e: {  	[tilespmem:s4], [sflag:$0x1] =	stream.indirect_vreg.gather [hbm4b:s8+s2], $0x80, v3, vm0, $0xb8;
	[tilespmem:$0x10100] =	vst v63  }
0x2f: {  	s5 =	simm.s32 $0x3900  }
0x30: {  	[tilespmem:s5], [sflag:$0x1] =	stream.indirect_vreg.gather [hbm4b:s9+s2], $0x80, v3, vm0, $0xb8;
	[tilespmem:$0x10100] =	vst v63  }
0x31: {  	v3 =	vld [tilespmem:$0x80];
	_ =	sdelay $0x4  }
0x32: {  	v4 =	vshll.u32 v3, $0x3  }
0x33: {  	v3 =	vand.u32 $0x7, v3;
	v4 =	vand.u32 $0xFFFFFFC0, v4  }
0x34: {  	v3 =	vor.u32 v3, v4  }
0x35: {  	v4 =	vperm.xlane v3, v0;
	_ =	sdelay $0x1  }
0x36: {  	v4 =	vadd.s32 v1, v4;
	_ =	sdelay $0x3  }
0x37: {  	s10 =	simm.s32 $0x4100  }
0x38: {  	[tilespmem:s10], [sflag:$0x1] =	stream.indirect_vreg.gather [hbm4b:s3+s2], $0x80, v4, vm0, $0xb8;
	[tilespmem:$0x10100] =	vst v63  }
0x39: {  	s15 =	simm.s32 $0x4900;
	v3 =	vperm.xlane v3, v2  }
0x3a: {  	[tilespmem:s15], [sflag:$0x1] =	stream.indirect_vreg.gather [hbm4b:s6+s2], $0x80, v4, vm0, $0xb8;
	[tilespmem:$0x10100] =	vst v63  }
0x3b: {  	s17 =	simm.s32 $0x5100;
	v3 =	vadd.s32 v1, v3  }
0x3c: {  	[tilespmem:s17], [sflag:$0x1] =	stream.indirect_vreg.gather [hbm4b:s8+s2], $0x80, v4, vm0, $0xb8;
	[tilespmem:$0x10100] =	vst v63  }
0x3d: {  	s18 =	simm.s32 $0x5900  }
0x3e: {  	[tilespmem:s18], [sflag:$0x1] =	stream.indirect_vreg.gather [hbm4b:s9+s2], $0x80, v4, vm0, $0xb8;
	[tilespmem:$0x10100] =	vst v63  }
0x3f: {  	s4 =	simm.s32 $0x6100  }
0x40: {  	[tilespmem:s4], [sflag:$0x1] =	stream.indirect_vreg.gather [hbm4b:s3+s2], $0x80, v3, vm0, $0xb8;
	[tilespmem:$0x10100] =	vst v63  }
0x41: {  	s5 =	simm.s32 $0x6900  }
0x42: {  	[tilespmem:s5], [sflag:$0x1] =	stream.indirect_vreg.gather [hbm4b:s6+s2], $0x80, v3, vm0, $0xb8;
	[tilespmem:$0x10100] =	vst v63  }
0x43: {  	s10 =	simm.s32 $0x7100  }
0x44: {  	[tilespmem:s10], [sflag:$0x1] =	stream.indirect_vreg.gather [hbm4b:s8+s2], $0x80, v3, vm0, $0xb8;
	[tilespmem:$0x10100] =	vst v63  }
0x45: {  	s15 =	simm.s32 $0x7900  }
0x46: {  	[tilespmem:s15], [sflag:$0x1] =	stream.indirect_vreg.gather [hbm4b:s9+s2], $0x80, v3, vm0, $0xb8;
	[tilespmem:$0x10100] =	vst v63  }
0x47: {  	v3 =	vld [tilespmem:$0x10];
	_ =	sdelay $0x4  }
0x48: {  	v4 =	vshll.u32 v3, $0x3  }
0x49: {  	v3 =	vand.u32 $0x7, v3;
	v4 =	vand.u32 $0xFFFFFFC0, v4  }
0x4a: {  	v3 =	vor.u32 v3, v4  }
0x4b: {  	v4 =	vperm.xlane v3, v0;
	_ =	sdelay $0x1  }
0x4c: {  	v4 =	vadd.s32 v1, v4;
	_ =	sdelay $0x4  }
0x4d: {  	[tilespmem:s1], [sflag:$0x2] =	stream.indirect_vreg.gather [hbm4b:s3+s2], $0x80, v4, vm0, $0xb8;
	[tilespmem:$0x10100] =	vst v63  }
0x4e: {  	s17 =	simm.s32 $0x8900;
	v3 =	vperm.xlane v3, v2  }
0x4f: {  	[tilespmem:s17], [sflag:$0x2] =	stream.indirect_vreg.gather [hbm4b:s6+s2], $0x80, v4, vm0, $0xb8;
	[tilespmem:$0x10100] =	vst v63  }
0x50: {  	s18 =	simm.s32 $0x9100;
	v3 =	vadd.s32 v1, v3  }
0x51: {  	[tilespmem:s18], [sflag:$0x2] =	stream.indirect_vreg.gather [hbm4b:s8+s2], $0x80, v4, vm0, $0xb8;
	[tilespmem:$0x10100] =	vst v63  }
0x52: {  	s4 =	simm.s32 $0x9900  }
0x53: {  	[tilespmem:s4], [sflag:$0x2] =	stream.indirect_vreg.gather [hbm4b:s9+s2], $0x80, v4, vm0, $0xb8;
	[tilespmem:$0x10100] =	vst v63  }
0x54: {  	s5 =	simm.s32 $0xA100  }
0x55: {  	[tilespmem:s5], [sflag:$0x2] =	stream.indirect_vreg.gather [hbm4b:s3+s2], $0x80, v3, vm0, $0xb8;
	[tilespmem:$0x10100] =	vst v63  }
0x56: {  	s10 =	simm.s32 $0xA900  }
0x57: {  	[tilespmem:s10], [sflag:$0x2] =	stream.indirect_vreg.gather [hbm4b:s6+s2], $0x80, v3, vm0, $0xb8;
	[tilespmem:$0x10100] =	vst v63  }
0x58: {  	s15 =	simm.s32 $0xB100  }
0x59: {  	[tilespmem:s15], [sflag:$0x2] =	stream.indirect_vreg.gather [hbm4b:s8+s2], $0x80, v3, vm0, $0xb8;
	[tilespmem:$0x10100] =	vst v63  }
0x5a: {  	_ = 	snop  }
0x5b: {  	[tilespmem:s11], [sflag:$0x2] =	stream.indirect_vreg.gather [hbm4b:s9+s2], $0x80, v3, vm0, $0xb8;
	[tilespmem:$0x10100] =	vst v63  }
0x5c: {  	v3 =	vld [tilespmem:$0x90];
	_ =	sdelay $0x4  }
0x5d: {  	v4 =	vshll.u32 v3, $0x3  }
0x5e: {  	v3 =	vand.u32 $0x7, v3;
	v4 =	vand.u32 $0xFFFFFFC0, v4  }
0x5f: {  	v3 =	vor.u32 v3, v4  }
0x60: {  	v4 =	vperm.xlane v3, v0;
	_ =	sdelay $0x1  }
0x61: {  	v4 =	vadd.s32 v1, v4;
	_ =	sdelay $0x4  }
0x62: {  	[tilespmem:s19], [sflag:$0x2] =	stream.indirect_vreg.gather [hbm4b:s3+s2], $0x80, v4, vm0, $0xb8;
	[tilespmem:$0x10100] =	vst v63  }
0x63: {  	v3 =	vperm.xlane v3, v2  }
0x64: {  	[tilespmem:s12], [sflag:$0x2] =	stream.indirect_vreg.gather [hbm4b:s6+s2], $0x80, v4, vm0, $0xb8;
	[tilespmem:$0x10100] =	vst v63  }
0x65: {  	v3 =	vadd.s32 v1, v3  }
0x66: {  	[tilespmem:s20], [sflag:$0x2] =	stream.indirect_vreg.gather [hbm4b:s8+s2], $0x80, v4, vm0, $0xb8;
	[tilespmem:$0x10100] =	vst v63  }
0x67: {  	_ = 	snop  }
0x68: {  	[tilespmem:s13], [sflag:$0x2] =	stream.indirect_vreg.gather [hbm4b:s9+s2], $0x80, v4, vm0, $0xb8;
	[tilespmem:$0x10100] =	vst v63  }
0x69: {  	_ = 	snop  }
0x6a: {  	[tilespmem:s21], [sflag:$0x2] =	stream.indirect_vreg.gather [hbm4b:s3+s2], $0x80, v3, vm0, $0xb8;
	[tilespmem:$0x10100] =	vst v63  }
0x6b: {  	_ = 	snop  }
0x6c: {  	[tilespmem:s22], [sflag:$0x2] =	stream.indirect_vreg.gather [hbm4b:s6+s2], $0x80, v3, vm0, $0xb8;
	[tilespmem:$0x10100] =	vst v63  }
0x6d: {  	_ = 	snop  }
0x6e: {  	[tilespmem:s23], [sflag:$0x2] =	stream.indirect_vreg.gather [hbm4b:s8+s2], $0x80, v3, vm0, $0xb8;
	[tilespmem:$0x10100] =	vst v63  }
0x6f: {  	_ = 	snop  }
0x70: {  	[tilespmem:s24], [sflag:$0x2] =	stream.indirect_vreg.gather [hbm4b:s9+s2], $0x80, v3, vm0, $0xb8;
	[tilespmem:$0x10100] =	vst v63  }
0x71: {  	_ =	swait.ge [sflag:s25], $0x4000  }
0x72: {  	s17 =	sand.u32 $0x70, s2;
	s18 =	simm.s32 $0x0;
	[sflag:s25] =	ssyncset.done $0x0  }
0x73: {  	s4 =	sand.u32 $0x2000, s18;
	s5 =	sand.u32 $0x1C00, s2;
	[sflag:s25] =	ssyncadd.s32 $0xFFFFC000  }
0x74: {  	s0 =	sor.u32 s5, s17;
	s10 =	simm.s32 $0x0;
	_ =	swait.ge [sflag:s25], $0x4000  }
0x75: {  	s0 =	sor.u32 s4, s0;
	s15 =	sand.u32 $0x380, s10;
	[sflag:s25] =	ssyncset.done $0x0  }
0x76: {  	s31 =	sor.u32 s15, s0;
	[sflag:s25] =	ssyncadd.s32 $0xFFFFC000  }
0x77: {  	v3 =	vld [tilespmem:s31+$0x4100]  }
0x78: {  	v4 =	vld [tilespmem:s31+$0x100];
	_ =	sdelay $0x1  }
0x79: {  	s5 =	simm.s32 $0x2;
	s0 =	simm.s32 $0x10;
	s15 =	simm.s32 $0x80  }
0x7a: {  	s17 =	simm.s32 $0x10;
	s4 =	sand.u32 $0x70, s0;
	s18 =	sand.u32 $0x1C00, s15  }
0x7b: {  	s17 =	sand.u32 $0x2000, s17;
	s10 =	sor.u32 s18, s4;
	s4 =	simm.s32 $0x2  }
.LBB2_2:
0x7c: {  	p0 =	sne.s32 s4, $0x3FF;
	s5 =	sand.u32 $0x380, s5;
	s10 =	sor.u32 s17, s10;
	v4 =	vadd.f32 v3, v4  }
0x7d: {  	s5 =	sor.u32 s5, s10  }
0x7e: {  	v3 =	vld [tilespmem:s5+$0x4100];
	[tilespmem:s31+$0x100] =	vst v4;
	s31 =	smov.u32 s5  }
.Ltmp0:
0x7f: {  	v4 =	vld [tilespmem:s31+$0x100];
	(pc) =	sbr.rel @p0 .LBB2_2-.Ltmp0, $4  }
0x80: {  	_ = 	snop  }
0x81: {  	s0 =	sadd.s32 $0x10, s0;
	s15 =	sadd.s32 $0x80, s15;
	s5 =	sshll.u32 s4, $0x1  }
0x82: {  	s17 =	sshll.u32 s4, $0x4;
	s10 =	sand.u32 $0x70, s0;
	s18 =	sand.u32 $0x1C00, s15  }
0x83: {  	s17 =	sand.u32 $0x2000, s17;
	s10 =	sor.u32 s18, s10;
	s4 =	sadd.s32 $0x1, s4  }
0x84: {  	s0 =	sand.u32 $0x380, s5;
	s4 =	sor.u32 s17, s10;
	v3 =	vadd.f32 v3, v4  }
0x85: {  	s0 =	sor.u32 s0, s4  }
0x86: {  	v4 =	vld [tilespmem:s0+$0x4100];
	[tilespmem:s31+$0x100] =	vst v3  }
0x87: {  	v3 =	vld [tilespmem:s0+$0x100];
	_ =	sdelay $0x4  }
0x88: {  	v3 =	vadd.f32 v4, v3;
	_ =	sdelay $0x1  }
0x89: {  	[tilespmem:s0+$0x100] =	vst v3;
	s0 =	simm.s32 $0x0  }
0x8a: {  	[hbm4b:s7+s0] =	stream.linear.scatter [tilespmem:s16], [sflag:$0x3], $0x4000, $0x38;
	[tilespmem:$0x10100] =	vst v63  }
0x8b: {  	_ =	swait.ge [sflag:s26], $0x4000  }
0x8c: {  	[sflag:s26] =	ssyncset.done $0x0  }
0x8d: {  	[sflag:s26] =	ssyncadd.s32 $0xFFFFC000  }
0x8e: {  	v3 =	vld [tilespmem:$0x20];
	_ =	sdelay $0x4  }
0x8f: {  	v4 =	vshll.u32 v3, $0x3  }
0x90: {  	v3 =	vand.u32 $0x7, v3;
	v4 =	vand.u32 $0xFFFFFFC0, v4  }
0x91: {  	v3 =	vor.u32 v3, v4  }
0x92: {  	v4 =	vperm.xlane v3, v0;
	_ =	sdelay $0x1  }
0x93: {  	v4 =	vadd.s32 v1, v4;
	_ =	sdelay $0x4  }
0x94: {  	[tilespmem:s16], [sflag:$0x1] =	stream.indirect_vreg.gather [hbm4b:s3+s0], $0x80, v4, vm0, $0xb8;
	[tilespmem:$0x10100] =	vst v63  }
0x95: {  	s15 =	simm.s32 $0x900;
	v3 =	vperm.xlane v3, v2  }
0x96: {  	[tilespmem:s15], [sflag:$0x1] =	stream.indirect_vreg.gather [hbm4b:s6+s0], $0x80, v4, vm0, $0xb8;
	[tilespmem:$0x10100] =	vst v63  }
0x97: {  	s17 =	simm.s32 $0x1100;
	v3 =	vadd.s32 v1, v3  }
0x98: {  	[tilespmem:s17], [sflag:$0x1] =	stream.indirect_vreg.gather [hbm4b:s8+s0], $0x80, v4, vm0, $0xb8;
	[tilespmem:$0x10100] =	vst v63  }
0x99: {  	s18 =	simm.s32 $0x1900  }
0x9a: {  	[tilespmem:s18], [sflag:$0x1] =	stream.indirect_vreg.gather [hbm4b:s9+s0], $0x80, v4, vm0, $0xb8;
	[tilespmem:$0x10100] =	vst v63  }
0x9b: {  	s5 =	simm.s32 $0x2100  }
0x9c: {  	[tilespmem:s5], [sflag:$0x1] =	stream.indirect_vreg.gather [hbm4b:s3+s0], $0x80, v3, vm0, $0xb8;
	[tilespmem:$0x10100] =	vst v63  }
0x9d: {  	s10 =	simm.s32 $0x2900  }
0x9e: {  	[tilespmem:s10], [sflag:$0x1] =	stream.indirect_vreg.gather [hbm4b:s6+s0], $0x80, v3, vm0, $0xb8;
	[tilespmem:$0x10100] =	vst v63  }
0x9f: {  	s15 =	simm.s32 $0x3100  }
0xa0: {  	[tilespmem:s15], [sflag:$0x1] =	stream.indirect_vreg.gather [hbm4b:s8+s0], $0x80, v3, vm0, $0xb8;
	[tilespmem:$0x10100] =	vst v63  }
0xa1: {  	s17 =	simm.s32 $0x3900  }
0xa2: {  	[tilespmem:s17], [sflag:$0x1] =	stream.indirect_vreg.gather [hbm4b:s9+s0], $0x80, v3, vm0, $0xb8;
	[tilespmem:$0x10100] =	vst v63  }
0xa3: {  	v3 =	vld [tilespmem:$0xA0];
	_ =	sdelay $0x4  }
0xa4: {  	v4 =	vshll.u32 v3, $0x3  }
0xa5: {  	v3 =	vand.u32 $0x7, v3;
	v4 =	vand.u32 $0xFFFFFFC0, v4  }
0xa6: {  	v3 =	vor.u32 v3, v4  }
0xa7: {  	v4 =	vperm.xlane v3, v0;
	_ =	sdelay $0x1  }
0xa8: {  	v4 =	vadd.s32 v1, v4;
	_ =	sdelay $0x3  }
0xa9: {  	s18 =	simm.s32 $0x4100  }
0xaa: {  	[tilespmem:s18], [sflag:$0x1] =	stream.indirect_vreg.gather [hbm4b:s3+s0], $0x80, v4, vm0, $0xb8;
	[tilespmem:$0x10100] =	vst v63  }
0xab: {  	s5 =	simm.s32 $0x4900;
	v3 =	vperm.xlane v3, v2  }
0xac: {  	[tilespmem:s5], [sflag:$0x1] =	stream.indirect_vreg.gather [hbm4b:s6+s0], $0x80, v4, vm0, $0xb8;
	[tilespmem:$0x10100] =	vst v63  }
0xad: {  	s10 =	simm.s32 $0x5100;
	v3 =	vadd.s32 v1, v3  }
0xae: {  	[tilespmem:s10], [sflag:$0x1] =	stream.indirect_vreg.gather [hbm4b:s8+s0], $0x80, v4, vm0, $0xb8;
	[tilespmem:$0x10100] =	vst v63  }
0xaf: {  	s15 =	simm.s32 $0x5900  }
0xb0: {  	[tilespmem:s15], [sflag:$0x1] =	stream.indirect_vreg.gather [hbm4b:s9+s0], $0x80, v4, vm0, $0xb8;
	[tilespmem:$0x10100] =	vst v63  }
0xb1: {  	s17 =	simm.s32 $0x6100  }
0xb2: {  	[tilespmem:s17], [sflag:$0x1] =	stream.indirect_vreg.gather [hbm4b:s3+s0], $0x80, v3, vm0, $0xb8;
	[tilespmem:$0x10100] =	vst v63  }
0xb3: {  	s18 =	simm.s32 $0x6900  }
0xb4: {  	[tilespmem:s18], [sflag:$0x1] =	stream.indirect_vreg.gather [hbm4b:s6+s0], $0x80, v3, vm0, $0xb8;
	[tilespmem:$0x10100] =	vst v63  }
0xb5: {  	s5 =	simm.s32 $0x7100  }
0xb6: {  	[tilespmem:s5], [sflag:$0x1] =	stream.indirect_vreg.gather [hbm4b:s8+s0], $0x80, v3, vm0, $0xb8;
	[tilespmem:$0x10100] =	vst v63  }
0xb7: {  	s10 =	simm.s32 $0x7900  }
0xb8: {  	[tilespmem:s10], [sflag:$0x1] =	stream.indirect_vreg.gather [hbm4b:s9+s0], $0x80, v3, vm0, $0xb8;
	[tilespmem:$0x10100] =	vst v63  }
0xb9: {  	_ =	swait.ge [sflag:s28], $0x4000  }
0xba: {  	s15 =	sand.u32 $0x70, s0;
	s17 =	simm.s32 $0x0;
	[sflag:s28] =	ssyncset.done $0x0  }
0xbb: {  	s18 =	simm.s32 $0x0;
	s0 =	sand.u32 $0x1C00, s0;
	[sflag:s28] =	ssyncadd.s32 $0xFFFFC000  }
0xbc: {  	s5 =	sand.u32 $0x2000, s17;
	s0 =	sor.u32 s0, s15;
	_ =	swait.ge [sflag:s28], $0x4000  }
0xbd: {  	s15 =	sand.u32 $0x380, s18;
	s0 =	sor.u32 s5, s0;
	[sflag:s28] =	ssyncset.done $0x0  }
0xbe: {  	s31 =	sor.u32 s15, s0;
	[sflag:s28] =	ssyncadd.s32 $0xFFFFC000  }
0xbf: {  	v3 =	vld [tilespmem:s31+$0xC100]  }
0xc0: {  	v4 =	vld [tilespmem:s31+$0x8100];
	_ =	sdelay $0x1  }
0xc1: {  	s17 =	simm.s32 $0x10;
	s0 =	simm.s32 $0x10;
	s15 =	simm.s32 $0x80  }
0xc2: {  	s17 =	sand.u32 $0x2000, s17;
	s4 =	sand.u32 $0x70, s0;
	s18 =	sand.u32 $0x1C00, s15  }
0xc3: {  	s5 =	simm.s32 $0x2;
	s10 =	sor.u32 s18, s4;
	s4 =	simm.s32 $0x2  }
.LBB2_4:
0xc4: {  	p0 =	sne.s32 s4, $0x3FF;
	s5 =	sand.u32 $0x380, s5;
	s10 =	sor.u32 s17, s10;
	v4 =	vadd.f32 v3, v4  }
0xc5: {  	s5 =	sor.u32 s5, s10  }
0xc6: {  	v3 =	vld [tilespmem:s5+$0xC100];
	[tilespmem:s31+$0x8100] =	vst v4;
	s31 =	smov.u32 s5  }
.Ltmp1:
0xc7: {  	v4 =	vld [tilespmem:s31+$0x8100];
	(pc) =	sbr.rel @p0 .LBB2_4-.Ltmp1, $4  }
0xc8: {  	_ = 	snop  }
0xc9: {  	s0 =	sadd.s32 $0x10, s0;
	s15 =	sadd.s32 $0x80, s15;
	s5 =	sshll.u32 s4, $0x1  }
0xca: {  	s17 =	sshll.u32 s4, $0x4;
	s10 =	sand.u32 $0x70, s0;
	s18 =	sand.u32 $0x1C00, s15  }
0xcb: {  	s17 =	sand.u32 $0x2000, s17;
	s10 =	sor.u32 s18, s10;
	s4 =	sadd.s32 $0x1, s4  }
0xcc: {  	s0 =	sand.u32 $0x380, s5;
	s4 =	sor.u32 s17, s10;
	v3 =	vadd.f32 v3, v4  }
0xcd: {  	s0 =	sor.u32 s0, s4  }
0xce: {  	v4 =	vld [tilespmem:s0+$0xC100];
	[tilespmem:s31+$0x8100] =	vst v3  }
0xcf: {  	v3 =	vld [tilespmem:s0+$0x8100];
	_ =	sdelay $0x4  }
0xd0: {  	v3 =	vadd.f32 v4, v3;
	_ =	sdelay $0x1  }
0xd1: {  	s5 =	rddreg [dreg:$0x5];
	[tilespmem:s0+$0x8100] =	vst v3;
	s0 =	simm.s32 $0x0  }
0xd2: {  	[hbm4b:s5+s0] =	stream.linear.scatter [tilespmem:s1], [sflag:$0x4], $0x4000, $0x38;
	[tilespmem:$0x10100] =	vst v63  }
0xd3: {  	_ =	swait.ge [sflag:s29], $0x4000  }
0xd4: {  	[sflag:s29] =	ssyncset.done $0x0  }
0xd5: {  	[sflag:s29] =	ssyncadd.s32 $0xFFFFC000  }
0xd6: {  	v3 =	vld [tilespmem:$0x30];
	_ =	sdelay $0x4  }
0xd7: {  	v4 =	vshll.u32 v3, $0x3  }
0xd8: {  	v3 =	vand.u32 $0x7, v3;
	v4 =	vand.u32 $0xFFFFFFC0, v4  }
0xd9: {  	v3 =	vor.u32 v3, v4  }
0xda: {  	v4 =	vperm.xlane v3, v0;
	_ =	sdelay $0x1  }
0xdb: {  	v4 =	vadd.s32 v1, v4;
	_ =	sdelay $0x4  }
0xdc: {  	[tilespmem:s1], [sflag:$0x2] =	stream.indirect_vreg.gather [hbm4b:s3+s0], $0x80, v4, vm0, $0xb8;
	[tilespmem:$0x10100] =	vst v63  }
0xdd: {  	s10 =	simm.s32 $0x8900;
	v3 =	vperm.xlane v3, v2  }
0xde: {  	[tilespmem:s10], [sflag:$0x2] =	stream.indirect_vreg.gather [hbm4b:s6+s0], $0x80, v4, vm0, $0xb8;
	[tilespmem:$0x10100] =	vst v63  }
0xdf: {  	s15 =	simm.s32 $0x9100;
	v3 =	vadd.s32 v1, v3  }
0xe0: {  	[tilespmem:s15], [sflag:$0x2] =	stream.indirect_vreg.gather [hbm4b:s8+s0], $0x80, v4, vm0, $0xb8;
	[tilespmem:$0x10100] =	vst v63  }
0xe1: {  	s17 =	simm.s32 $0x9900  }
0xe2: {  	[tilespmem:s17], [sflag:$0x2] =	stream.indirect_vreg.gather [hbm4b:s9+s0], $0x80, v4, vm0, $0xb8;
	[tilespmem:$0x10100] =	vst v63  }
0xe3: {  	s18 =	simm.s32 $0xA100  }
0xe4: {  	[tilespmem:s18], [sflag:$0x2] =	stream.indirect_vreg.gather [hbm4b:s3+s0], $0x80, v3, vm0, $0xb8;
	[tilespmem:$0x10100] =	vst v63  }
0xe5: {  	s5 =	simm.s32 $0xA900  }
0xe6: {  	[tilespmem:s5], [sflag:$0x2] =	stream.indirect_vreg.gather [hbm4b:s6+s0], $0x80, v3, vm0, $0xb8;
	[tilespmem:$0x10100] =	vst v63  }
0xe7: {  	s10 =	simm.s32 $0xB100  }
0xe8: {  	[tilespmem:s10], [sflag:$0x2] =	stream.indirect_vreg.gather [hbm4b:s8+s0], $0x80, v3, vm0, $0xb8;
	[tilespmem:$0x10100] =	vst v63  }
0xe9: {  	_ = 	snop  }
0xea: {  	[tilespmem:s11], [sflag:$0x2] =	stream.indirect_vreg.gather [hbm4b:s9+s0], $0x80, v3, vm0, $0xb8;
	[tilespmem:$0x10100] =	vst v63  }
0xeb: {  	v3 =	vld [tilespmem:$0xB0];
	_ =	sdelay $0x4  }
0xec: {  	v4 =	vshll.u32 v3, $0x3  }
0xed: {  	v3 =	vand.u32 $0x7, v3;
	v4 =	vand.u32 $0xFFFFFFC0, v4  }
0xee: {  	v3 =	vor.u32 v3, v4  }
0xef: {  	v4 =	vperm.xlane v3, v0;
	_ =	sdelay $0x1  }
0xf0: {  	v4 =	vadd.s32 v1, v4;
	_ =	sdelay $0x4  }
0xf1: {  	[tilespmem:s19], [sflag:$0x2] =	stream.indirect_vreg.gather [hbm4b:s3+s0], $0x80, v4, vm0, $0xb8;
	[tilespmem:$0x10100] =	vst v63  }
0xf2: {  	v3 =	vperm.xlane v3, v2  }
0xf3: {  	[tilespmem:s12], [sflag:$0x2] =	stream.indirect_vreg.gather [hbm4b:s6+s0], $0x80, v4, vm0, $0xb8;
	[tilespmem:$0x10100] =	vst v63  }
0xf4: {  	v3 =	vadd.s32 v1, v3  }
0xf5: {  	[tilespmem:s20], [sflag:$0x2] =	stream.indirect_vreg.gather [hbm4b:s8+s0], $0x80, v4, vm0, $0xb8;
	[tilespmem:$0x10100] =	vst v63  }
0xf6: {  	_ = 	snop  }
0xf7: {  	[tilespmem:s13], [sflag:$0x2] =	stream.indirect_vreg.gather [hbm4b:s9+s0], $0x80, v4, vm0, $0xb8;
	[tilespmem:$0x10100] =	vst v63  }
0xf8: {  	_ = 	snop  }
0xf9: {  	[tilespmem:s21], [sflag:$0x2] =	stream.indirect_vreg.gather [hbm4b:s3+s0], $0x80, v3, vm0, $0xb8;
	[tilespmem:$0x10100] =	vst v63  }
0xfa: {  	_ = 	snop  }
0xfb: {  	[tilespmem:s22], [sflag:$0x2] =	stream.indirect_vreg.gather [hbm4b:s6+s0], $0x80, v3, vm0, $0xb8;
	[tilespmem:$0x10100] =	vst v63  }
0xfc: {  	_ = 	snop  }
0xfd: {  	[tilespmem:s23], [sflag:$0x2] =	stream.indirect_vreg.gather [hbm4b:s8+s0], $0x80, v3, vm0, $0xb8;
	[tilespmem:$0x10100] =	vst v63  }
0xfe: {  	_ = 	snop  }
0xff: {  	[tilespmem:s24], [sflag:$0x2] =	stream.indirect_vreg.gather [hbm4b:s9+s0], $0x80, v3, vm0, $0xb8;
	[tilespmem:$0x10100] =	vst v63  }
0x100: {  	_ =	swait.ge [sflag:s25], $0x4000  }
0x101: {  	s15 =	sand.u32 $0x70, s0;
	s17 =	simm.s32 $0x0;
	[sflag:s25] =	ssyncset.done $0x0  }
0x102: {  	s18 =	simm.s32 $0x0;
	s0 =	sand.u32 $0x1C00, s0;
	[sflag:s25] =	ssyncadd.s32 $0xFFFFC000  }
0x103: {  	s5 =	sand.u32 $0x2000, s17;
	s0 =	sor.u32 s0, s15;
	_ =	swait.ge [sflag:s25], $0x4000  }
0x104: {  	s15 =	sand.u32 $0x380, s18;
	s0 =	sor.u32 s5, s0;
	[sflag:s25] =	ssyncset.done $0x0  }
0x105: {  	s31 =	sor.u32 s15, s0;
	[sflag:s25] =	ssyncadd.s32 $0xFFFFC000  }
0x106: {  	v3 =	vld [tilespmem:s31+$0x4100]  }
0x107: {  	v4 =	vld [tilespmem:s31+$0x100];
	_ =	sdelay $0x1  }
0x108: {  	s17 =	simm.s32 $0x10;
	s0 =	simm.s32 $0x10;
	s15 =	simm.s32 $0x80  }
0x109: {  	s17 =	sand.u32 $0x2000, s17;
	s4 =	sand.u32 $0x70, s0;
	s18 =	sand.u32 $0x1C00, s15  }
0x10a: {  	s5 =	simm.s32 $0x2;
	s10 =	sor.u32 s18, s4;
	s4 =	simm.s32 $0x2  }
.LBB2_6:
0x10b: {  	p0 =	sne.s32 s4, $0x3FF;
	s5 =	sand.u32 $0x380, s5;
	s10 =	sor.u32 s17, s10;
	v4 =	vadd.f32 v3, v4  }
0x10c: {  	s5 =	sor.u32 s5, s10  }
0x10d: {  	v3 =	vld [tilespmem:s5+$0x4100];
	[tilespmem:s31+$0x100] =	vst v4;
	s31 =	smov.u32 s5  }
.Ltmp2:
0x10e: {  	v4 =	vld [tilespmem:s31+$0x100];
	(pc) =	sbr.rel @p0 .LBB2_6-.Ltmp2, $4  }
0x10f: {  	_ = 	snop  }
0x110: {  	s0 =	sadd.s32 $0x10, s0;
	s15 =	sadd.s32 $0x80, s15;
	s5 =	sshll.u32 s4, $0x1  }
0x111: {  	s17 =	sshll.u32 s4, $0x4;
	s10 =	sand.u32 $0x70, s0;
	s18 =	sand.u32 $0x1C00, s15  }
0x112: {  	s17 =	sand.u32 $0x2000, s17;
	s10 =	sor.u32 s18, s10;
	s4 =	sadd.s32 $0x1, s4  }
0x113: {  	s0 =	sand.u32 $0x380, s5;
	s4 =	sor.u32 s17, s10;
	v3 =	vadd.f32 v3, v4  }
0x114: {  	s0 =	sor.u32 s0, s4  }
0x115: {  	v4 =	vld [tilespmem:s0+$0x4100];
	[tilespmem:s31+$0x100] =	vst v3  }
0x116: {  	v3 =	vld [tilespmem:s0+$0x100];
	_ =	sdelay $0x4  }
0x117: {  	v3 =	vadd.f32 v4, v3;
	_ =	sdelay $0x1  }
0x118: {  	s5 =	simm.s32 $0x0;
	s10 =	rddreg [dreg:$0x6];
	[tilespmem:s0+$0x100] =	vst v3  }
0x119: {  	[hbm4b:s10+s5] =	stream.linear.scatter [tilespmem:s16], [sflag:$0x3], $0x4000, $0x38;
	[tilespmem:$0x10100] =	vst v63  }
0x11a: {  	_ =	swait.ge [sflag:s28], $0x4000  }
0x11b: {  	s17 =	simm.s32 $0x0;
	s18 =	simm.s32 $0x0;
	[sflag:s28] =	ssyncset.done $0x0  }
0x11c: {  	s15 =	sand.u32 $0x70, s5;
	s0 =	sand.u32 $0x1C00, s5;
	[sflag:s28] =	ssyncadd.s32 $0xFFFFC000  }
0x11d: {  	s5 =	sand.u32 $0x2000, s17;
	s0 =	sor.u32 s0, s15;
	_ =	swait.ge [sflag:s28], $0x4000  }
0x11e: {  	s15 =	sand.u32 $0x380, s18;
	s0 =	sor.u32 s5, s0;
	[sflag:s28] =	ssyncset.done $0x0  }
0x11f: {  	s31 =	sor.u32 s15, s0;
	[sflag:s28] =	ssyncadd.s32 $0xFFFFC000  }
0x120: {  	v3 =	vld [tilespmem:s31+$0xC100]  }
0x121: {  	v4 =	vld [tilespmem:s31+$0x8100];
	_ =	sdelay $0x1  }
0x122: {  	s17 =	simm.s32 $0x10;
	s0 =	simm.s32 $0x10;
	s15 =	simm.s32 $0x80  }
0x123: {  	s5 =	simm.s32 $0x2;
	s4 =	sand.u32 $0x70, s0;
	s18 =	sand.u32 $0x1C00, s15  }
0x124: {  	s17 =	sand.u32 $0x2000, s17;
	s10 =	sor.u32 s18, s4;
	s4 =	simm.s32 $0x2  }
.LBB2_8:
0x125: {  	p0 =	sne.s32 s4, $0x3FF;
	s5 =	sand.u32 $0x380, s5;
	s10 =	sor.u32 s17, s10;
	v4 =	vadd.f32 v3, v4  }
0x126: {  	s5 =	sor.u32 s5, s10  }
0x127: {  	v3 =	vld [tilespmem:s5+$0xC100];
	[tilespmem:s31+$0x8100] =	vst v4;
	s31 =	smov.u32 s5  }
.Ltmp3:
0x128: {  	v4 =	vld [tilespmem:s31+$0x8100];
	(pc) =	sbr.rel @p0 .LBB2_8-.Ltmp3, $4  }
0x129: {  	_ = 	snop  }
0x12a: {  	s0 =	sadd.s32 $0x10, s0;
	s15 =	sadd.s32 $0x80, s15;
	s5 =	sshll.u32 s4, $0x1  }
0x12b: {  	s17 =	sshll.u32 s4, $0x4;
	s10 =	sand.u32 $0x70, s0;
	s18 =	sand.u32 $0x1C00, s15  }
0x12c: {  	s17 =	sand.u32 $0x2000, s17;
	s10 =	sor.u32 s18, s10;
	s4 =	sadd.s32 $0x1, s4  }
0x12d: {  	s0 =	sand.u32 $0x380, s5;
	s4 =	sor.u32 s17, s10;
	v3 =	vadd.f32 v3, v4  }
0x12e: {  	s0 =	sor.u32 s0, s4  }
0x12f: {  	v63 =	vld [tilespmem:s0+$0xC100];
	[tilespmem:s31+$0x8100] =	vst v3  }
0x130: {  	v3 =	vld [tilespmem:s0+$0x8100];
	_ =	sdelay $0x4  }
0x131: {  	v3 =	vadd.f32 v63, v3;
	_ =	sdelay $0x1  }
0x132: {  	s18 =	rddreg [dreg:$0x7];
	[tilespmem:s0+$0x8100] =	vst v3  }
0x133: {  	[hbm4b:s18+s2] =	stream.linear.scatter [tilespmem:s1], [sflag:$0x4], $0x4000, $0x38;
	[tilespmem:$0x10100] =	vst v63  }
0x134: {  	_ =	swait.ge [sflag:s26], $0x4000  }
0x135: {  	[sflag:s26] =	ssyncset.done $0x0  }
0x136: {  	[sflag:s26] =	ssyncadd.s32 $0xFFFFC000  }
0x137: {  	_ =	swait.ge [sflag:s29], $0x4000  }
0x138: {  	s30 =	sadd.s32 $0x1, s30;
	s31 =	rddreg [dreg:$0x8]  }
0x139: {  	p0 =	sne.s32 s30, s31  }
.Ltmp4:
0x13a: {  	_ = 	snop;
	(pc) =	sbr.rel @p0 .LBB2_1-.Ltmp4, $3  }
0x13b: {  	_ =	sdelay $0x1  }
0x13c: {  	[sflag:s29] =	ssyncset.done $0x0  }
0x13d: {  	[sflag:s29] =	ssyncadd.s32 $0xFFFFC000  }
0x13e: {  	_ =	sfence.sel $0x180000  }
0x13f: {  	[bflag:$0x0] =	sbarrier.arrive $0xFFFF  }
0x140: {  	_ =	strace $0x9000004D  }
0x141: {  	s0 =	stileid.u32;
	[bflag:$0x2] =	sbarrier.arrive $0xFFFF  }
0x142: {  	p0 =	sne.s32 s0, $0x0;
	s0 =	rddreg [dreg:$0x2]  }
0x143: {  	s0 =	sadd.s32 @!p0 $0x100000, s0  }
0x144: {  	[sflag:s0] =	ssyncadd.tile.s32 @!p0 $0x1;
	_ =	shalt  }
.Lfunc_end2:
_tile_overlayer_lowered:
.L_overlay_start_2:
0x145: {  	(tag) =	ssettag $0x2  }
0x146: {  	s0 =	rddreg [dreg:$0x0];
	s2 =	stileid.u32  }
0x147: {  	s1 =	rddreg [dreg:$0x1];
	p0 =	sne.s32 s2, $0x0  }
0x148: {  	s3 =	rddreg [dreg:$0x2];
	[bflag:$0x3] =	sbarrier.arrive $0xFFFF;
	s2 =	simm.s32 @!p0 $0x1C05  }
0x149: {  	[timem:s3], [sflag:s2] =	dma.local @!p0 [hbm:s0], s1  }
0x14a: {  	s0 =	simm.s32 @!p0 $0x5  }
0x14b: {  	_ =	swait.ge @!p0 [sflag:s0], s1  }
0x14c: {  	s1 =	ssub.s32 @!p0 $0x0, s1;
	[sflag:s0] =	ssyncset.done @!p0 $0x0  }
0x14d: {  	[sflag:s0] =	ssyncadd.s32 @!p0 s1  }
0x14e: {  	[bflag:$0x3] =	sbarrier.arrive $0xFFFF  }
0x14f: {  	_ =	shalt  }

// kernel: kernel.7.cloned.1.call-start
scs
__scs_entry_jumppad:
0x0: {  	(pc) =	sbr.rel $0x88, $3  }
0x1: {  	(tag) =	ssettag $0x0;
	lr =	simm.s32 $0x1  }
0x2: {  	[smem:$0x3F9D] =	sst lr;
	_ =	strace $0xD0000000  }
0x3: {  	_ = 	snop  }
0x4: {  	_ = 	snop  }
0x5: {  	_ = 	snop  }
0x6: {  	_ = 	snop  }
0x7: {  	_ = 	snop  }
__scs_overlays_trampoline_lowered:
0x8: {  	[smem:$0x3FAC] =	sst s0  }
0x9: {  	[smem:$0x3FAD] =	sst s1  }
0xa: {  	[smem:$0x3FAE] =	sst s2  }
0xb: {  	[smem:$0x3FAF] =	sst s3  }
0xc: {  	[smem:$0x3FB0] =	sst s4  }
0xd: {  	[smem:$0x3FB1] =	sst s5  }
0xe: {  	[smem:$0x3FB2] =	sst s6  }
0xf: {  	[smem:$0x3FB3] =	sst s7  }
0x10: {  	[smem:$0x3FB4] =	sst s8  }
0x11: {  	[smem:$0x3FB5] =	sst s9;
	s0 =	simm.s32 @!p0 $0x0  }
0x12: {  	s1 =	sld [smem:$0x3F9B];
	s0 =	simm.s32 @p0 $0x1  }
0x13: {  	[smem:$0x3FB6] =	sst s0;
	s0 =	simm.s32 @!p1 $0x0  }
0x14: {  	s2 =	sld [smem:$0x3F9A];
	s0 =	simm.s32 @p1 $0x1  }
0x15: {  	[smem:$0x3FB7] =	sst s0;
	s0 =	simm.s32 @!p2 $0x0  }
0x16: {  	s3 =	sld [smem:$0x3FDB];
	s0 =	simm.s32 @p2 $0x1  }
0x17: {  	s4 =	simm.s32 $0x1BF5;
	[smem:$0x3FB9] =	sst s0  }
0x18: {  	s0 =	sld [smem:$0x3F9C];
	_ =	swait.ge [sflag:s4], $0x0  }
0x19: {  	s7 =	sld [smem:$0x3F9D]  }
0x1a: {  	s8 =	sadd.s32 $0xFFFFE003, lr  }
0x1b: {  	s9 =	sadd.s32 $0xFFFFFEF7, lr;
	s5 =	simm.s32 $0xFFFFFFFF;
	p2 =	slt.u32 s8, $0xFFFFF086  }
0x1c: {  	p1 =	slt.u32 s9, $0xF7A;
	s5 =	simm.s32 @!p2 $0x0  }
0x1d: {  	s5 =	simm.s32 @p1 $0x1;
	p0 =	seq.s32 s7, s2  }
0x1e: {  	s7 =	smul.u32 @!p0 $0xF7A, s2;
	p2 =	seq.s32 @!p0 s5, $0x0  }
0x1f: {  	s9 =	smul.u32 $0xF7A, s1;
	s8 =	simm.s32 @!p0 $0x1BF5;
	p2 =	por !p2, p0  }
0x20: {  	[sflag:s8] =	ssyncset.s32 @!p0 $0xFFFFF086;
	s6 =	sadd.s32 @!p0 s3, s7;
	s7 =	simm.s32 @!p0 $0x108  }
0x21: {  	s3 =	sadd.s32 s3, s9;
	s6 =	sadd.s32 @!p0 $0x88, s6;
	s7 =	simm.s32 @p2 $0x1082  }
0x22: {  	[simem:s7], [sflag:s8] =	dma.local @!p0 [hbm:s6], $0xF7A  }
0x23: {  	s9 =	sor.u32 $0xD0000000, s2;
	s6 =	simm.s32 $0x108;
	_ =	swait.ge @!p0 [sflag:s8], $0x0  }
0x24: {  	s3 =	sadd.s32 $0x88, s3;
	s6 =	simm.s32 @!p1 $0x1082;
	[sflag:s4] =	ssyncset.s32 $0xFFFFF086  }
0x25: {  	[simem:s6], [sflag:s4] =	dma.local [hbm:s3], $0xF7A  }
0x26: {  	[smem:$0x3F9D] =	sst s1;
	(tag) =	ssettag s2;
	_ =	strace s9  }
0x27: {  	s1 =	sld [smem:$0x3FAD]  }
0x28: {  	s2 =	sld [smem:$0x3FAE]  }
0x29: {  	s4 =	sld [smem:$0x3FB0]  }
0x2a: {  	p0 =	seq.s32 s5, $0x0;
	s5 =	sld [smem:$0x3FB1]  }
0x2b: {  	s6 =	sld [smem:$0x3FB2]  }
0x2c: {  	s7 =	sld [smem:$0x3FB3]  }
0x2d: {  	s3 =	simm.s32 $0x108;
	s8 =	sld [smem:$0x3FB4]  }
0x2e: {  	s3 =	simm.s32 @!p0 $0x1082;
	s9 =	sld [smem:$0x3FB5]  }
0x2f: {  	lr =	sadd.s32 s0, s3;
	s0 =	sld [smem:$0x3FAC]  }
0x30: {  	s3 =	sld [smem:$0x3FAF]  }
0x31: {  	[smem:$0x3FB8] =	sst s10  }
0x32: {  	s10 =	sld [smem:$0x3FB6];
	_ =	sdelay $0x3  }
0x33: {  	p0 =	seq.s32 s10, $0x1;
	s10 =	sld [smem:$0x3FB8];
	_ =	sdelay $0x3  }
0x34: {  	[smem:$0x3FB8] =	sst s10  }
0x35: {  	s10 =	sld [smem:$0x3FB7];
	_ =	sdelay $0x3  }
0x36: {  	p1 =	seq.s32 s10, $0x1;
	s10 =	sld [smem:$0x3FB8];
	_ =	sdelay $0x3  }
0x37: {  	[smem:$0x3FB8] =	sst s10  }
0x38: {  	s10 =	sld [smem:$0x3FB9]  }
0x39: {  	_ = 	snop;
	(pc) =	sbr.ind lr, $3  }
0x3a: {  	_ = 	snop  }
0x3b: {  	_ = 	snop  }
0x3c: {  	p2 =	seq.s32 s10, $0x1;
	s10 =	sld [smem:$0x3FB8]  }
0x3d: {  	_ =	shalt  }
0x3e: {  	_ =	shalt  }
0x3f: {  	_ =	shalt  }
0x40: {  	_ =	shalt  }
0x41: {  	_ =	shalt  }
0x42: {  	_ =	shalt  }
0x43: {  	_ =	shalt  }
0x44: {  	_ =	shalt  }
0x45: {  	_ =	shalt  }
0x46: {  	_ =	shalt  }
0x47: {  	_ =	shalt  }
0x48: {  	_ =	shalt  }
0x49: {  	_ =	shalt  }
0x4a: {  	_ =	shalt  }
0x4b: {  	_ =	shalt  }
0x4c: {  	_ =	shalt  }
0x4d: {  	_ =	shalt  }
0x4e: {  	_ =	shalt  }
0x4f: {  	_ =	shalt  }
0x50: {  	_ =	shalt  }
0x51: {  	_ =	shalt  }
0x52: {  	_ =	shalt  }
0x53: {  	_ =	shalt  }
0x54: {  	_ =	shalt  }
0x55: {  	_ =	shalt  }
0x56: {  	_ =	shalt  }
0x57: {  	_ =	shalt  }
0x58: {  	_ =	shalt  }
0x59: {  	_ =	shalt  }
0x5a: {  	_ =	shalt  }
0x5b: {  	_ =	shalt  }
0x5c: {  	_ =	shalt  }
0x5d: {  	_ =	shalt  }
0x5e: {  	_ =	shalt  }
0x5f: {  	_ =	shalt  }
0x60: {  	_ =	shalt  }
0x61: {  	_ =	shalt  }
0x62: {  	_ =	shalt  }
0x63: {  	_ =	shalt  }
0x64: {  	_ =	shalt  }
0x65: {  	_ =	shalt  }
0x66: {  	_ =	shalt  }
0x67: {  	_ =	shalt  }
0x68: {  	_ =	shalt  }
0x69: {  	_ =	shalt  }
0x6a: {  	_ =	shalt  }
0x6b: {  	_ =	shalt  }
0x6c: {  	_ =	shalt  }
0x6d: {  	_ =	shalt  }
0x6e: {  	_ =	shalt  }
0x6f: {  	_ =	shalt  }
0x70: {  	_ =	shalt  }
0x71: {  	_ =	shalt  }
0x72: {  	_ =	shalt  }
0x73: {  	_ =	shalt  }
0x74: {  	_ =	shalt  }
0x75: {  	_ =	shalt  }
0x76: {  	_ =	shalt  }
0x77: {  	_ =	shalt  }
0x78: {  	_ =	shalt  }
0x79: {  	_ =	shalt  }
0x7a: {  	_ =	shalt  }
0x7b: {  	_ =	shalt  }
0x7c: {  	_ =	shalt  }
0x7d: {  	_ =	shalt  }
0x7e: {  	_ =	shalt  }
0x7f: {  	_ =	shalt  }
0x80: {  	_ =	shalt  }
0x81: {  	_ =	shalt  }
0x82: {  	_ =	shalt  }
0x83: {  	_ =	shalt  }
0x84: {  	_ =	shalt  }
0x85: {  	_ =	shalt  }
0x86: {  	_ =	shalt  }
0x87: {  	_ =	shalt  }
.Lfunc_end0:
.L_simem_size_0:
called_computation_lowered:
.L_overlay_start_0:
0x88: {  	s2 =	sld [smem:$0x3FD9]  }
0x89: {  	s3 =	sld [smem:$0x3FFE];
	_ =	sdelay $0x1  }
0x8a: {  	s1 =	srdreg.scid  }
0x8b: {  	s0 =	sand.u32 $0x1, s1  }
0x8c: {  	s17 =	sshll.u32 s0, $0xA;
	s2 =	sadd.s32 s3, s2  }
0x8d: {  	s2 =	sadd.s32 s2, s17  }
0x8e: {  	[smem:$0x3FC4] =	sst s2  }
0x8f: {  	_ = 	snop  }
0x90: {  	s2 =	sld [smem:$0x3FD0];
	(tm) =	ssettm $0x1  }
0x91: {  	s18 =	sld [smem:$0x3FFB];
	_ =	sdelay $0x3  }
0x92: {  	_ =	strace s18  }
0x93: {  	s3 =	sld [smem:$0x3FFC];
	_ =	sdelay $0x3  }
0x94: {  	_ =	strace s3  }
0x95: {  	s3 =	sld [smem:$0x3FFD];
	_ =	sdelay $0x3  }
0x96: {  	_ =	strace s3  }
0x97: {  	_ =	strace $0x8FFFFFFF  }
0x98: {  	s19 =	sld [smem:$0x3FDB];
	_ =	sdelay $0x1  }
0x99: {  	s4 =	simm.s32 $_scs_section_size  }
0x9a: {  	s5 =	simm.s32 $_size__tile_overlayer_lowered;
	s6 =	simm.s32 $_tile_overlayer_lowered  }
0x9b: {  	s22 =	simm.s32 $0x1BFF;
	s21 =	sshll.u32 s6, $0x1;
	s3 =	sadd.s32 s4, s19  }
0x9c: {  	s7 =	simm.s32 $0x0;
	s20 =	sshll.u32 s5, $0x1;
	s5 =	sadd.s32 s21, s3  }
0x9d: {  	[timem:s7], [sflag:s22] =	dma.local [hbm:s5], s20  }
0x9e: {  	_ =	swait.ge [sflag:s22], s20  }
0x9f: {  	s4 =	ssub.s32 $0x0, s20;
	[sflag:s22] =	ssyncset.done $0x0  }
0xa0: {  	[sflag:s22] =	ssyncadd.s32 s4;
	_ =	sdelay $0x1  }
0xa1: {  	s23 =	simm.s32 $0x1B8B  }
0xa2: {  	_ =	swait.ge [sflag:s23], $0x1  }
0xa3: {  	[sflag:s23] =	ssyncset.done $0x0  }
0xa4: {  	s25 =	simm.s32 $0x1B8E;
	s24 =	sld [smem:$0x3FFE];
	[sflag:s23] =	ssyncadd.s32 $0xFFFFFFFF  }
0xa5: {  	s26 =	simm.s32 $execute0_lowered;
	[smem:$0x3FD2] =	sst s25  }
0xa6: {  	s5 =	sshll.u32 s26, $0x1;
	_ =	strace $0x80000046;
	[dreg:$0x1] =	wrdreg $0xFFFFFFFF  }
0xa7: {  	s28 =	simm.s32 $_size_execute0_lowered;
	s3 =	sadd.s32 s3, s5;
	[dreg:$0x0] =	wrdreg $0x0  }
0xa8: {  	s5 =	sshll.u32 s28, $0x1;
	[dreg:$0x2] =	wrdreg s3  }
0xa9: {  	[dreg:$0x3] =	wrdreg s5  }
0xaa: {  	[dreg:$0x4] =	wrdreg $0xC0  }
0xab: {  	_ =	task [dreg:s7], $0x5FFFF  }
0xac: {  	[dreg:$0x1] =	wrdreg $0xFFFFFFFF  }
0xad: {  	[dreg:$0x0] =	wrdreg $0x60  }
0xae: {  	[dreg:$0x2] =	wrdreg s24  }
0xaf: {  	[dreg:$0x3] =	wrdreg s2  }
0xb0: {  	[dreg:$0x4] =	wrdreg $0x9  }
0xb1: {  	_ =	task.clear_ibuf [dreg:s7], $0x5FFFF;
	_ =	strace $0x90000046  }
0xb2: {  	s29 =	simm.s32 $0x9;
	_ =	strace $0x80000048  }
0xb3: {  	_ =	swait.ge [sflag:s29], $0x1  }
0xb4: {  	[sflag:s29] =	ssyncadd.s32 $0xFFFFFFFF  }
0xb5: {  	_ =	strace $0x90000048  }
0xb6: {  	_ =	sfence  }
0xb7: {  	s30 =	sld [smem:$0x0];
	_ =	sdelay $0x2  }
0xb8: {  	s31 =	sshll.u32 s1, $0xD;
	s1 =	sshrl.u32 s1, $0x2  }
0xb9: {  	s3 =	sand.u32 $0x4000, s31;
	s1 =	sadd.s32 s1, s30  }
0xba: {  	s0 =	sor.u32 s3, s0;
	s1 =	sshll.u32 s1, $0x11  }
0xbb: {  	s0 =	sor.u32 s1, s0  }
0xbc: {  	s0 =	sadd.s32 $0x8F2B, s0  }
0xbd: {  	[sflag:s0] =	ssyncadd.remote.s32 $0x1  }
0xbe: {  	_ =	sfence.sel $0xFFFF  }
0xbf: {  	[dreg:$0x0] =	wrdreg $0xFFFFFFFF;
	(pc) =	sbr.abs _section_cstart, $3  }
0xc0: {  	[dreg:$0x1] =	wrdreg $0xFFFFFFFF  }
0xc1: {  	_ =	task.clear_ibuf [dreg:s7], $0x2FFFF;
	_ =	strace $0x9FFFFFFF  }
0xc2: {  	(tm) =	ssettm $0x7FFFFFFF  }
0xc3: {  	_ =	shalt  }
tec
execute0_lowered:
.L_overlay_start_1:
0x0: {  	(tag) =	ssettag $0x1  }
0x1: {  	s0 =	srdreg.scid  }
0x2: {  	s3 =	sand.u32 $0x1, s0;
	s0 =	stileid.u32  }
0x3: {  	s4 =	sor.u32 s0, s3  }
0x4: {  	p0 =	sne.s32 s4, $0x0  }
.Ltmp0:
0x5: {  	_ = 	snop;
	(pc) =	sbr.rel @p0 .LBB2_7-.Ltmp0, $4  }
0x6: {  	_ = 	snop  }
0x7: {  	s5 =	rddreg [dreg:$0x0]  }
0x8: {  	s2 =	rddreg [dreg:$0x1]  }
0x9: {  	s1 =	rddreg [dreg:$0x2];
	_ =	strace $0x80000047  }
0xa: {  	s6 =	ssub.s32 $0x2, s3;
	s3 =	sadd.s32 $0x1400, s5;
	s4 =	sadd.s32 $0x1600, s5  }
0xb: {  	s5 =	sadd.s32 $0x1800, s5;
	s8 =	simm.s32 $0x1;
	s9 =	simm.s32 $0x1000  }
0xc: {  	v0 =	vlaneseq.u32;
	s10 =	simm.s32 $0x2000;
	s11 =	simm.s32 $0x3800;
	s7 =	sshrl.u32 s6, $0x1  }
0xd: {  	v1 =	vimm.s32 $0x0;
	v2 =	vimm.f32 $0.0e+00;
	s12 =	simm.s32 $0x0;
	v3 =	vor.u32 $0xFFFFF800, v0;
	s6 =	ssub.s32 s6, s7;
	s7 =	simm.s32 $0x0  }
.LBB2_2:
0xe: {  	[tilespmem:s7], [sflag:$0x1] =	stream.linear.gather [hbm4b:s3+s7], $0x1000, $0x38;
	[tilespmem:$0x5000] =	vst v63  }
0xf: {  	_ =	swait.ge [sflag:s8], $0x1000  }
0x10: {  	[sflag:s8] =	ssyncset.done $0x0  }
0x11: {  	[sflag:s8] =	ssyncadd.s32 $0xFFFFF000  }
0x12: {  	[tilespmem:s9], [sflag:$0x1] =	stream.linear.gather [hbm4b:s4+s7], $0x1000, $0x38;
	[tilespmem:$0x5000] =	vst v63  }
0x13: {  	_ =	swait.ge [sflag:s8], $0x1000  }
0x14: {  	[sflag:s8] =	ssyncset.done $0x0  }
0x15: {  	s13 =	simm.s32 $0x0;
	[sflag:s8] =	ssyncadd.s32 $0xFFFFF000  }
.LBB2_3:
0x16: {  	p0 =	sne.s32 s13, $0x5FC0  }
.Ltmp1:
0x17: {  	_ = 	snop;
	(pc) =	sbr.rel @p0 .LBB2_3-.Ltmp1, $4  }
0x18: {  	_ = 	snop  }
0x19: {  	s14 =	sshra.s32 s13, $0x2  }
0x1a: {  	[tilespmem:s14+$0x2000] =	vst v1  }
0x1b: {  	s13 =	sadd.s32 $0x40, s13;
	[tilespmem:s14+$0x3800] =	vst v2  }
0x1c: {  	s14 =	simm.s32 $0x0  }
0x1d: {  	v4 =	vld [tilespmem:s14+$0x0];
	_ =	sdelay $0x2  }
0x1e: {  	s13 =	simm.s32 $0x1000  }
0x1f: {  	v5 =	vld [tilespmem:s13+$0x0]  }
0x20: {  	v6 =	vmov s14  }
0x21: {  	v7 =	vor.u32 s14, v0;
	vm0 =	vgt.u32 v6, $0x7FF;
	v6 =	vadd.s32 s14, v3  }
0x22: {  	v6 =	vsel vm0, v6, v7  }
0x23: {  	[tilespmem:v4+s10+$0x0] =	vst.idx.msk $0xffff, v6  }
0x24: {  	s14 =	simm.s32 $0x10;
	[tilespmem:v4+s11+$0x0] =	vst.idx.msk $0xffff, v5  }
0x25: {  	v4 =	vld [tilespmem:s14+$0x0]  }
0x26: {  	s15 =	simm.s32 $0x20;
	s16 =	simm.s32 $0x10  }
.LBB2_5:
0x27: {  	p0 =	sne.s32 s15, $0xFF0  }
0x28: {  	s13 =	sadd.s32 $0x10, s13  }
0x29: {  	v5 =	vld [tilespmem:s13+$0x0]  }
0x2a: {  	v6 =	vmov s14  }
0x2b: {  	v7 =	vor.u32 s14, v0;
	vm0 =	vgt.u32 v6, $0x7FF;
	v6 =	vadd.s32 s14, v3;
	s14 =	smov.u32 s15  }
.Ltmp2:
0x2c: {  	v6 =	vsel vm0, v6, v7;
	(pc) =	sbr.rel @p0 .LBB2_5-.Ltmp2, $4  }
0x2d: {  	[tilespmem:v4+s10+$0x0] =	vst.idx.msk $0xffff, v6  }
0x2e: {  	s16 =	sadd.s32 $0x10, s16;
	[tilespmem:v4+s11+$0x0] =	vst.idx.msk $0xffff, v5  }
0x2f: {  	v4 =	vld [tilespmem:s16+$0x0]  }
0x30: {  	s15 =	sadd.s32 $0x10, s15  }
0x31: {  	_ =	sdelay $0x1  }
0x32: {  	s13 =	sadd.s32 $0x10, s13  }
0x33: {  	v5 =	vld [tilespmem:s13+$0x0]  }
0x34: {  	v6 =	vmov s14  }
0x35: {  	v7 =	vor.u32 s14, v0;
	v63 =	vadd.s32 s14, v3;
	vm0 =	vgt.u32 v6, $0x7FF  }
0x36: {  	v6 =	vsel vm0, v63, v7  }
0x37: {  	[tilespmem:v4+s10+$0x0] =	vst.idx.msk $0xffff, v6  }
0x38: {  	[tilespmem:v4+s11+$0x0] =	vst.idx.msk $0xffff, v5  }
0x39: {  	[hbm4b:s5+s7] =	stream.linear.scatter [tilespmem:s10], [sflag:$0x1], $0x1800, $0x38;
	[tilespmem:$0x5000] =	vst v63  }
0x3a: {  	s12 =	sadd.s32 $0x1, s12;
	_ =	swait.ge [sflag:s8], $0x1800  }
0x3b: {  	p0 =	sne.s32 s12, s6;
	[sflag:s8] =	ssyncset.done $0x0  }
.Ltmp3:
0x3c: {  	[sflag:s8] =	ssyncadd.s32 $0xFFFFE800;
	(pc) =	sbr.rel @p0 .LBB2_2-.Ltmp3, $4  }
0x3d: {  	[hbm4b:s2+s7] =	stream.linear.scatter [tilespmem:s11], [sflag:$0x1], $0x1800, $0x38;
	[tilespmem:$0x5000] =	vst v63  }
0x3e: {  	_ =	swait.ge [sflag:s8], $0x1800  }
0x3f: {  	[sflag:s8] =	ssyncset.done $0x0  }
0x40: {  	[sflag:s8] =	ssyncadd.s32 $0xFFFFE800  }
.LBB2_7:
0x41: {  	_ =	sfence.sel $0x180000  }
0x42: {  	[bflag:$0x0] =	sbarrier.arrive $0xFFFF  }
0x43: {  	p0 =	sne.s32 s0, $0x0;
	_ =	strace $0x90000047  }
0x44: {  	s0 =	sadd.s32 @!p0 $0x100000, s1;
	[bflag:$0x2] =	sbarrier.arrive $0xFFFF  }
0x45: {  	[sflag:s0] =	ssyncadd.tile.s32 @!p0 $0x1;
	_ =	shalt  }
.Lfunc_end2:
_tile_overlayer_lowered:
.L_overlay_start_2:
0x46: {  	(tag) =	ssettag $0x2  }
0x47: {  	s0 =	rddreg [dreg:$0x0];
	s2 =	stileid.u32  }
0x48: {  	s1 =	rddreg [dreg:$0x1];
	p0 =	sne.s32 s2, $0x0  }
0x49: {  	s3 =	rddreg [dreg:$0x2];
	[bflag:$0x3] =	sbarrier.arrive $0xFFFF;
	s2 =	simm.s32 @!p0 $0x1C01  }
0x4a: {  	[timem:s3], [sflag:s2] =	dma.local @!p0 [hbm:s0], s1  }
0x4b: {  	s0 =	simm.s32 @!p0 $0x1  }
0x4c: {  	_ =	swait.ge @!p0 [sflag:s0], s1  }
0x4d: {  	s1 =	ssub.s32 @!p0 $0x0, s1;
	[sflag:s0] =	ssyncset.done @!p0 $0x0  }
0x4e: {  	[sflag:s0] =	ssyncadd.s32 @!p0 s1  }
0x4f: {  	[bflag:$0x3] =	sbarrier.arrive $0xFFFF  }
0x50: {  	_ =	shalt  }

</sc_bundles>
